<compile_context>
chip_gen: v7x
topology: tpu7x:2x2x1
jax: 0.10.2.dev20260603
libtpu: 0.0.44.dev20260713+nightly
codegen_flags: <defaults>
</compile_context>

<pallas_src>
import functools

import jax
import jax.numpy as jnp
from jax import lax
from jax.experimental import pallas as pl
from jax.experimental.pallas import tpu as pltpu
from jax.experimental.pallas import tpu_sc as plsc

EMBED_DIM = 32
BATCH = 4096
HIST = 200
NUM_CORES = 2
NUM_SUBCORES = 16
NW = NUM_CORES * NUM_SUBCORES
CHUNK = 128
BLOCKS = HIST * (BATCH // CHUNK)
PER_W = BLOCKS // NW
NBUF = 4
NBC = BATCH // CHUNK
BLK = CHUNK * EMBED_DIM
NVREG = BLK // 16
GRP = 32

_mesh = plsc.VectorSubcoreMesh(core_axis_name="c", subcore_axis_name="s")


@functools.partial(
    pl.kernel,
    mesh=_mesh,
    out_type=jax.ShapeDtypeStruct((HIST, EMBED_DIM, BATCH), jnp.float32),
    scratch_types=[
        pltpu.VMEM((PER_W, CHUNK), jnp.int32),
        pltpu.VMEM((NBUF, CHUNK, EMBED_DIM), jnp.float32),
        pltpu.VMEM((NBUF, EMBED_DIM, CHUNK), jnp.float32),
        [pltpu.SemaphoreType.DMA] * NBUF,
        [pltpu.SemaphoreType.DMA] * NBUF,
    ],
    compiler_params=pltpu.CompilerParams(
        use_tc_tiling_on_sc=False, needs_layout_passes=False
    ),
)
def _emb_gather_t(x_hbm, table_hbm, out_hbm, idx_v, rows_v, tb_v, gsems, wsems):
    w = lax.axis_index("s") * NUM_CORES + lax.axis_index("c")
    g0 = w * PER_W

    pltpu.sync_copy(x_hbm.at[w], idx_v)

    for b in range(NBUF):
        pltpu.async_copy(table_hbm.at[idx_v.at[b]], rows_v.at[b], gsems[b])

    lane = lax.iota(jnp.int32, 16)
    row_idx = [lane + j * 16 for j in range(CHUNK // 16)]

    def body(i, _):
        for b in range(NBUF):
            g = i * NBUF + b
            blk = g0 + g
            h = blk // NBC
            bc = blk - h * NBC
            out_slice = out_hbm.at[h, :, pl.ds(bc * CHUNK, CHUNK)]
            pltpu.make_async_copy(
                table_hbm.at[idx_v.at[g]], rows_v.at[b], gsems[b]
            ).wait()

            @pl.when(g >= NBUF)
            def _drain():
                pltpu.make_async_copy(tb_v.at[b], out_slice, wsems[b]).wait()

            @plsc.parallel_loop(0, EMBED_DIM, 1, unroll=8)
            def trans(e):
                e_vec = jnp.full((16,), e, dtype=jnp.int32)
                for j in range(CHUNK // 16):
                    v = plsc.load_gather(rows_v.at[b], [row_idx[j], e_vec])
                    tb_v[b, e, pl.ds(j * 16, 16)] = v

            pltpu.async_copy(tb_v.at[b], out_slice, wsems[b])
            nxt = g + NBUF

            @pl.when(nxt < PER_W)
            def _refill():
                pltpu.async_copy(
                    table_hbm.at[idx_v.at[nxt]], rows_v.at[b], gsems[b]
                )

        return _

    lax.fori_loop(0, PER_W // NBUF, body, None)

    for b in range(NBUF):
        g = PER_W - NBUF + b
        blk = g0 + g
        h = blk // NBC
        bc = blk - h * NBC
        pltpu.make_async_copy(
            tb_v.at[b], out_hbm.at[h, :, pl.ds(bc * CHUNK, CHUNK)], wsems[b]
        ).wait()


@jax.jit
def kernel(x, table):
    xt = x.astype(jnp.int32).T.reshape(NW, PER_W, CHUNK)
    out_t = _emb_gather_t(xt, table)
    return out_t.transpose(2, 0, 1)

# --- scband reference (transcript-rebuilt; emitter-appended) ---
"""Pipeline reference for scband-positional-encoding-67456756351279 (READ-ONLY COPY).

The authoritative reference and input builder live on the scoring server;
editing this copy changes nothing except your own understanding.
"""

import jax, jax.numpy as jnp
import numpy as np

NUM_EMBEDDINGS = 1000000
EMBEDDING_DIM = 32
BATCH = 4096
HIST_LEN = 200


def setup_inputs(seed: int = 0) -> dict:
    key = jax.random.key(seed)
    k_idx, k_tab = jax.random.split(key)
    x = jax.random.randint(k_idx, (BATCH, HIST_LEN), 0, NUM_EMBEDDINGS, dtype=jnp.int64 if jax.config.read('jax_enable_x64') else jnp.int32)
    table = jax.random.normal(k_tab, (NUM_EMBEDDINGS, EMBEDDING_DIM), dtype=jnp.float32) * 0.02
    return {"x": x, "table": table}


def reference(x, table):
    # nn.Embedding forward: gather rows of the embedding table by index
    return jnp.take(table, x, axis=0)

if __name__ == "__main__":
    import jax
    _d = setup_inputs()
    print(jax.jit(kernel)(*tuple(_d.values())))

</pallas_src>

<mosaic_0001>
#map = affine_map<(d0, d1) -> (0, 0, 0)>
#map1 = affine_map<(d0, d1) -> (0, 0)>
module attributes {stable_mosaic.version = 14 : i64} {
  func.func @_emb_gather_t(%arg0: i32, %arg1: i32, %arg2: memref<32x200x128xi32, #tpu.memory_space<hbm>>, %arg3: memref<1000000x32xf32, #tpu.memory_space<hbm>>, %arg4: memref<200x32x4096xf32, #tpu.memory_space<hbm>>, %arg5: memref<200x128xi32, #tpu.memory_space<vmem>>, %arg6: memref<4x128x32xf32, #tpu.memory_space<vmem>>, %arg7: memref<4x32x128xf32, #tpu.memory_space<vmem>>, %arg8: memref<!tpu.dma_semaphore, #tpu.memory_space<semaphore_mem>>, %arg9: memref<!tpu.dma_semaphore, #tpu.memory_space<semaphore_mem>>, %arg10: memref<!tpu.dma_semaphore, #tpu.memory_space<semaphore_mem>>, %arg11: memref<!tpu.dma_semaphore, #tpu.memory_space<semaphore_mem>>, %arg12: memref<!tpu.dma_semaphore, #tpu.memory_space<semaphore_mem>>, %arg13: memref<!tpu.dma_semaphore, #tpu.memory_space<semaphore_mem>>, %arg14: memref<!tpu.dma_semaphore, #tpu.memory_space<semaphore_mem>>, %arg15: memref<!tpu.dma_semaphore, #tpu.memory_space<semaphore_mem>>) attributes {dimension_semantics = [#tpu.dimension_semantics<core_parallel>, #tpu.dimension_semantics<subcore_parallel>], iteration_bounds = array<i64: 2, 16>, scalar_prefetch = 0 : i64, scratch_operands = 11 : i64, tpu.core_type = #tpu.core_type<sc_vector_subcore>, window_params = [{transform_indices = #map}, {transform_indices = #map1}, {transform_indices = #map}]} {
    %mul3A = arith.constant 2 : i32
    %mul3A_0 = arith.muli %arg1, %mul3A : i32
    %add3A = arith.addi %mul3A_0, %arg0 : i32
    %mul3A_1 = arith.constant 200 : i32
    %mul3A_2 = arith.muli %add3A, %mul3A_1 : i32
    "tpu.region"() ({
      %run_scoped3A = tpu.sem_alloc : memref<!tpu.dma_semaphore, #tpu.memory_space<semaphore_mem>>
      %dma_start3A_253 = arith.constant 0 : i32
      %dma_start3A_254 = arith.constant 0 : i32
      %dma_start3A_255 = tpu.memref_slice %arg2[%add3A, %dma_start3A_253, %dma_start3A_254] : memref<32x200x128xi32, #tpu.memory_space<hbm>> -> memref<1x200x128xi32, #tpu.memory_space<hbm>>
      %dma_start3A_256 = tpu.memref_squeeze %dma_start3A_255 : memref<1x200x128xi32, #tpu.memory_space<hbm>> -> memref<200x128xi32, #tpu.memory_space<hbm>>
      %dma_start3A_257 = arith.constant 0 : i32
      %dma_start3A_258 = arith.constant 0 : i32
      %dma_start3A_259 = tpu.memref_slice %arg2[%add3A, %dma_start3A_257, %dma_start3A_258] : memref<32x200x128xi32, #tpu.memory_space<hbm>> -> memref<1x200x128xi32, #tpu.memory_space<hbm>>
      %dma_start3A_260 = tpu.memref_squeeze %dma_start3A_259 : memref<1x200x128xi32, #tpu.memory_space<hbm>> -> memref<200x128xi32, #tpu.memory_space<hbm>>
      tpu.enqueue_dma source(%dma_start3A_260 : memref<200x128xi32, #tpu.memory_space<hbm>>) target(%arg5 : memref<200x128xi32, #tpu.memory_space<vmem>>) target_semaphore(%run_scoped3A : memref<!tpu.dma_semaphore, #tpu.memory_space<semaphore_mem>>)
      %dma_wait3A_261 = arith.constant 0 : i32
      %dma_wait3A_262 = arith.constant 0 : i32
      %dma_wait3A_263 = tpu.memref_slice %arg2[%add3A, %dma_wait3A_261, %dma_wait3A_262] : memref<32x200x128xi32, #tpu.memory_space<hbm>> -> memref<1x200x128xi32, #tpu.memory_space<hbm>>
      %dma_wait3A_264 = tpu.memref_squeeze %dma_wait3A_263 : memref<1x200x128xi32, #tpu.memory_space<hbm>> -> memref<200x128xi32, #tpu.memory_space<hbm>>
      %dma_wait3A_265 = arith.constant 0 : i32
      %dma_wait3A_266 = arith.constant 0 : i32
      %dma_wait3A_267 = tpu.memref_slice %arg2[%add3A, %dma_wait3A_265, %dma_wait3A_266] : memref<32x200x128xi32, #tpu.memory_space<hbm>> -> memref<1x200x128xi32, #tpu.memory_space<hbm>>
      %dma_wait3A_268 = tpu.memref_squeeze %dma_wait3A_267 : memref<1x200x128xi32, #tpu.memory_space<hbm>> -> memref<200x128xi32, #tpu.memory_space<hbm>>
      tpu.wait_dma2 semaphore(%run_scoped3A : memref<!tpu.dma_semaphore, #tpu.memory_space<semaphore_mem>>) src(%dma_wait3A_268 : memref<200x128xi32, #tpu.memory_space<hbm>>) dst(%arg5 : memref<200x128xi32, #tpu.memory_space<vmem>>)
      tpu.yield
    }) : () -> ()
    %dma_start3A = arith.constant 0 : i32
    %dma_start3A_3 = arith.constant 0 : i32
    %dma_start3A_4 = arith.constant 0 : i32
    %dma_start3A_5 = arith.constant 0 : i32
    %dma_start3A_6 = tpu.memref_slice %arg6[%dma_start3A_3, %dma_start3A_4, %dma_start3A_5] : memref<4x128x32xf32, #tpu.memory_space<vmem>> -> memref<1x128x32xf32, #tpu.memory_space<vmem>>
    %dma_start3A_7 = tpu.memref_squeeze %dma_start3A_6 : memref<1x128x32xf32, #tpu.memory_space<vmem>> -> memref<128x32xf32, #tpu.memory_space<vmem>>
    %dma_start3A_8 = arith.constant 0 : i32
    %dma_start3A_9 = tpu.memref_slice %arg5[%dma_start3A, %dma_start3A_8] : memref<200x128xi32, #tpu.memory_space<vmem>> -> memref<1x128xi32, #tpu.memory_space<vmem>>
    %dma_start3A_10 = tpu.memref_squeeze %dma_start3A_9 : memref<1x128xi32, #tpu.memory_space<vmem>> -> memref<128xi32, #tpu.memory_space<vmem>>
    %dma_start3A_11 = arith.constant 0 : i32
    %dma_start3A_12 = arith.constant 0 : i32
    %dma_start3A_13 = tpu.memref_slice %arg3[%dma_start3A_11, %dma_start3A_12] : memref<1000000x32xf32, #tpu.memory_space<hbm>> -> memref<1000000x32xf32, #tpu.memory_space<hbm>>
    tpu.enqueue_indirect_dma source(%dma_start3A_13 : memref<1000000x32xf32, #tpu.memory_space<hbm>>) target(%dma_start3A_7 : memref<128x32xf32, #tpu.memory_space<vmem>>) offsets(%dma_start3A_10 : memref<128xi32, #tpu.memory_space<vmem>>) semaphore(%arg8 : memref<!tpu.dma_semaphore, #tpu.memory_space<semaphore_mem>>)
    %dma_start3A_14 = arith.constant 1 : i32
    %dma_start3A_15 = arith.constant 1 : i32
    %dma_start3A_16 = arith.constant 0 : i32
    %dma_start3A_17 = arith.constant 0 : i32
    %dma_start3A_18 = tpu.memref_slice %arg6[%dma_start3A_15, %dma_start3A_16, %dma_start3A_17] : memref<4x128x32xf32, #tpu.memory_space<vmem>> -> memref<1x128x32xf32, #tpu.memory_space<vmem>>
    %dma_start3A_19 = tpu.memref_squeeze %dma_start3A_18 : memref<1x128x32xf32, #tpu.memory_space<vmem>> -> memref<128x32xf32, #tpu.memory_space<vmem>>
    %dma_start3A_20 = arith.constant 0 : i32
    %dma_start3A_21 = tpu.memref_slice %arg5[%dma_start3A_14, %dma_start3A_20] : memref<200x128xi32, #tpu.memory_space<vmem>> -> memref<1x128xi32, #tpu.memory_space<vmem>>
    %dma_start3A_22 = tpu.memref_squeeze %dma_start3A_21 : memref<1x128xi32, #tpu.memory_space<vmem>> -> memref<128xi32, #tpu.memory_space<vmem>>
    %dma_start3A_23 = arith.constant 0 : i32
    %dma_start3A_24 = arith.constant 0 : i32
    %dma_start3A_25 = tpu.memref_slice %arg3[%dma_start3A_23, %dma_start3A_24] : memref<1000000x32xf32, #tpu.memory_space<hbm>> -> memref<1000000x32xf32, #tpu.memory_space<hbm>>
    tpu.enqueue_indirect_dma source(%dma_start3A_25 : memref<1000000x32xf32, #tpu.memory_space<hbm>>) target(%dma_start3A_19 : memref<128x32xf32, #tpu.memory_space<vmem>>) offsets(%dma_start3A_22 : memref<128xi32, #tpu.memory_space<vmem>>) semaphore(%arg9 : memref<!tpu.dma_semaphore, #tpu.memory_space<semaphore_mem>>)
    %dma_start3A_26 = arith.constant 2 : i32
    %dma_start3A_27 = arith.constant 2 : i32
    %dma_start3A_28 = arith.constant 0 : i32
    %dma_start3A_29 = arith.constant 0 : i32
    %dma_start3A_30 = tpu.memref_slice %arg6[%dma_start3A_27, %dma_start3A_28, %dma_start3A_29] : memref<4x128x32xf32, #tpu.memory_space<vmem>> -> memref<1x128x32xf32, #tpu.memory_space<vmem>>
    %dma_start3A_31 = tpu.memref_squeeze %dma_start3A_30 : memref<1x128x32xf32, #tpu.memory_space<vmem>> -> memref<128x32xf32, #tpu.memory_space<vmem>>
    %dma_start3A_32 = arith.constant 0 : i32
    %dma_start3A_33 = tpu.memref_slice %arg5[%dma_start3A_26, %dma_start3A_32] : memref<200x128xi32, #tpu.memory_space<vmem>> -> memref<1x128xi32, #tpu.memory_space<vmem>>
    %dma_start3A_34 = tpu.memref_squeeze %dma_start3A_33 : memref<1x128xi32, #tpu.memory_space<vmem>> -> memref<128xi32, #tpu.memory_space<vmem>>
    %dma_start3A_35 = arith.constant 0 : i32
    %dma_start3A_36 = arith.constant 0 : i32
    %dma_start3A_37 = tpu.memref_slice %arg3[%dma_start3A_35, %dma_start3A_36] : memref<1000000x32xf32, #tpu.memory_space<hbm>> -> memref<1000000x32xf32, #tpu.memory_space<hbm>>
    tpu.enqueue_indirect_dma source(%dma_start3A_37 : memref<1000000x32xf32, #tpu.memory_space<hbm>>) target(%dma_start3A_31 : memref<128x32xf32, #tpu.memory_space<vmem>>) offsets(%dma_start3A_34 : memref<128xi32, #tpu.memory_space<vmem>>) semaphore(%arg10 : memref<!tpu.dma_semaphore, #tpu.memory_space<semaphore_mem>>)
    %dma_start3A_38 = arith.constant 3 : i32
    %dma_start3A_39 = arith.constant 3 : i32
    %dma_start3A_40 = arith.constant 0 : i32
    %dma_start3A_41 = arith.constant 0 : i32
    %dma_start3A_42 = tpu.memref_slice %arg6[%dma_start3A_39, %dma_start3A_40, %dma_start3A_41] : memref<4x128x32xf32, #tpu.memory_space<vmem>> -> memref<1x128x32xf32, #tpu.memory_space<vmem>>
    %dma_start3A_43 = tpu.memref_squeeze %dma_start3A_42 : memref<1x128x32xf32, #tpu.memory_space<vmem>> -> memref<128x32xf32, #tpu.memory_space<vmem>>
    %dma_start3A_44 = arith.constant 0 : i32
    %dma_start3A_45 = tpu.memref_slice %arg5[%dma_start3A_38, %dma_start3A_44] : memref<200x128xi32, #tpu.memory_space<vmem>> -> memref<1x128xi32, #tpu.memory_space<vmem>>
    %dma_start3A_46 = tpu.memref_squeeze %dma_start3A_45 : memref<1x128xi32, #tpu.memory_space<vmem>> -> memref<128xi32, #tpu.memory_space<vmem>>
    %dma_start3A_47 = arith.constant 0 : i32
    %dma_start3A_48 = arith.constant 0 : i32
    %dma_start3A_49 = tpu.memref_slice %arg3[%dma_start3A_47, %dma_start3A_48] : memref<1000000x32xf32, #tpu.memory_space<hbm>> -> memref<1000000x32xf32, #tpu.memory_space<hbm>>
    tpu.enqueue_indirect_dma source(%dma_start3A_49 : memref<1000000x32xf32, #tpu.memory_space<hbm>>) target(%dma_start3A_43 : memref<128x32xf32, #tpu.memory_space<vmem>>) offsets(%dma_start3A_46 : memref<128xi32, #tpu.memory_space<vmem>>) semaphore(%arg11 : memref<!tpu.dma_semaphore, #tpu.memory_space<semaphore_mem>>)
    %iota3A = tpu.iota {dimensions = array<i32: 0>} : vector<16xi32>
    %add3A_50 = arith.constant 0 : i32
    %add3A_51 = vector.broadcast %add3A_50 : i32 to vector<16xi32>
    %add3A_52 = arith.addi %iota3A, %add3A_51 : vector<16xi32>
    %add3A_53 = arith.constant 16 : i32
    %add3A_54 = vector.broadcast %add3A_53 : i32 to vector<16xi32>
    %add3A_55 = arith.addi %iota3A, %add3A_54 : vector<16xi32>
    %add3A_56 = arith.constant 32 : i32
    %add3A_57 = vector.broadcast %add3A_56 : i32 to vector<16xi32>
    %add3A_58 = arith.addi %iota3A, %add3A_57 : vector<16xi32>
    %add3A_59 = arith.constant 48 : i32
    %add3A_60 = vector.broadcast %add3A_59 : i32 to vector<16xi32>
    %add3A_61 = arith.addi %iota3A, %add3A_60 : vector<16xi32>
    %add3A_62 = arith.constant 64 : i32
    %add3A_63 = vector.broadcast %add3A_62 : i32 to vector<16xi32>
    %add3A_64 = arith.addi %iota3A, %add3A_63 : vector<16xi32>
    %add3A_65 = arith.constant 80 : i32
    %add3A_66 = vector.broadcast %add3A_65 : i32 to vector<16xi32>
    %add3A_67 = arith.addi %iota3A, %add3A_66 : vector<16xi32>
    %add3A_68 = arith.constant 96 : i32
    %add3A_69 = vector.broadcast %add3A_68 : i32 to vector<16xi32>
    %add3A_70 = arith.addi %iota3A, %add3A_69 : vector<16xi32>
    %add3A_71 = arith.constant 112 : i32
    %add3A_72 = vector.broadcast %add3A_71 : i32 to vector<16xi32>
    %add3A_73 = arith.addi %iota3A, %add3A_72 : vector<16xi32>
    %scan3A = arith.constant 0 : i32
    %scan3A_74 = arith.constant 50 : i32
    %scan3A_75 = arith.addi %scan3A, %scan3A_74 : i32
    %scan3A_76 = arith.constant 1 : i32
    scf.for %scan3A_253 = %scan3A to %scan3A_75 step %scan3A_76  : i32 {
      %mul3A_254 = arith.constant 4 : i32
      %mul3A_255 = arith.muli %scan3A_253, %mul3A_254 : i32
      %add3A_256 = arith.constant 0 : i32
      %add3A_257 = arith.addi %mul3A_255, %add3A_256 : i32
      %add3A_258 = arith.addi %mul3A_2, %add3A_257 : i32
      %jit3A_259 = arith.constant 32 : i32
      %div3A_260 = arith.divsi %add3A_258, %jit3A_259 : i32
      %sign3A_261 = arith.constant 0 : i32
      %sign3A_262 = arith.cmpi sgt, %add3A_258, %sign3A_261 : i32
      %sign3A_263 = arith.extui %sign3A_262 : i1 to i32
      %sign3A_264 = arith.constant 0 : i32
      %sign3A_265 = arith.cmpi slt, %add3A_258, %sign3A_264 : i32
      %sign3A_266 = arith.extui %sign3A_265 : i1 to i32
      %sign3A_267 = arith.subi %sign3A_263, %sign3A_266 : i32
      %sign3A_268 = arith.constant 0 : i32
      %sign3A_269 = arith.cmpi sgt, %jit3A_259, %sign3A_268 : i32
      %sign3A_270 = arith.extui %sign3A_269 : i1 to i32
      %sign3A_271 = arith.constant 0 : i32
      %sign3A_272 = arith.cmpi slt, %jit3A_259, %sign3A_271 : i32
      %sign3A_273 = arith.extui %sign3A_272 : i1 to i32
      %sign3A_274 = arith.subi %sign3A_270, %sign3A_273 : i32
      %ne3A_275 = arith.cmpi ne, %sign3A_267, %sign3A_274 : i32
      %rem3A_276 = arith.remsi %add3A_258, %jit3A_259 : i32
      %ne3A_277 = arith.constant 0 : i32
      %ne3A_278 = arith.cmpi ne, %rem3A_276, %ne3A_277 : i32
      %and3A_279 = arith.andi %ne3A_275, %ne3A_278 : i1
      %sub3A_280 = arith.constant 1 : i32
      %sub3A_281 = arith.subi %div3A_260, %sub3A_280 : i32
      %select_n3A_282 = arith.select %and3A_279, %sub3A_281, %div3A_260 : i32
      %mul3A_283 = arith.constant 32 : i32
      %mul3A_284 = arith.muli %select_n3A_282, %mul3A_283 : i32
      %sub3A_285 = arith.subi %add3A_258, %mul3A_284 : i32
      %mul3A_286 = arith.constant 128 : i32
      %mul3A_287 = arith.muli %sub3A_285, %mul3A_286 : i32
      %dma_wait3A_288 = arith.constant 0 : i32
      %dma_wait3A_289 = arith.constant 0 : i32
      %dma_wait3A_290 = arith.constant 0 : i32
      %dma_wait3A_291 = tpu.memref_slice %arg6[%dma_wait3A_288, %dma_wait3A_289, %dma_wait3A_290] : memref<4x128x32xf32, #tpu.memory_space<vmem>> -> memref<1x128x32xf32, #tpu.memory_space<vmem>>
      %dma_wait3A_292 = tpu.memref_squeeze %dma_wait3A_291 : memref<1x128x32xf32, #tpu.memory_space<vmem>> -> memref<128x32xf32, #tpu.memory_space<vmem>>
      %dma_wait3A_293 = arith.constant 0 : i32
      %dma_wait3A_294 = tpu.memref_slice %arg5[%add3A_257, %dma_wait3A_293] : memref<200x128xi32, #tpu.memory_space<vmem>> -> memref<1x128xi32, #tpu.memory_space<vmem>>
      %dma_wait3A_295 = tpu.memref_squeeze %dma_wait3A_294 : memref<1x128xi32, #tpu.memory_space<vmem>> -> memref<128xi32, #tpu.memory_space<vmem>>
      %dma_wait3A_296 = arith.constant 0 : i32
      %dma_wait3A_297 = arith.constant 0 : i32
      %dma_wait3A_298 = tpu.memref_slice %arg3[%dma_wait3A_296, %dma_wait3A_297] : memref<1000000x32xf32, #tpu.memory_space<hbm>> -> memref<1000000x32xf32, #tpu.memory_space<hbm>>
      tpu.wait_indirect_dma semaphore(%arg8 : memref<!tpu.dma_semaphore, #tpu.memory_space<semaphore_mem>>) src(%dma_wait3A_298 : memref<1000000x32xf32, #tpu.memory_space<hbm>>) dst(%dma_wait3A_292 : memref<128x32xf32, #tpu.memory_space<vmem>>)
      %ge3A = arith.constant 4 : i32
      %ge3A_299 = arith.cmpi sge, %add3A_257, %ge3A : i32
      %convert_element_type3A = arith.extui %ge3A_299 : i1 to i32
      %cond3A = arith.constant 0 : i32
      %cond3A_300 = arith.cmpi ne, %convert_element_type3A, %cond3A : i32
      scf.if %cond3A_300 {
        %dma_wait3A_549 = arith.constant 0 : i32
        %dma_wait3A_550 = arith.constant 0 : i32
        %dma_wait3A_551 = arith.constant 0 : i32
        %dma_wait3A_552 = tpu.memref_slice %arg7[%dma_wait3A_549, %dma_wait3A_550, %dma_wait3A_551] : memref<4x32x128xf32, #tpu.memory_space<vmem>> -> memref<1x32x128xf32, #tpu.memory_space<vmem>>
        %dma_wait3A_553 = tpu.memref_squeeze %dma_wait3A_552 : memref<1x32x128xf32, #tpu.memory_space<vmem>> -> memref<32x128xf32, #tpu.memory_space<vmem>>
        %dma_wait3A_554 = arith.constant 0 : i32
        %dma_wait3A_555 = tpu.memref_slice %arg4[%select_n3A_282, %dma_wait3A_554, %mul3A_287] : memref<200x32x4096xf32, #tpu.memory_space<hbm>> -> memref<1x32x128xf32, #tpu.memory_space<hbm>>
        %dma_wait3A_556 = tpu.memref_squeeze %dma_wait3A_555 : memref<1x32x128xf32, #tpu.memory_space<hbm>> -> memref<32x128xf32, #tpu.memory_space<hbm>>
        %dma_wait3A_557 = arith.constant 0 : i32
        %dma_wait3A_558 = tpu.memref_slice %arg4[%select_n3A_282, %dma_wait3A_557, %mul3A_287] : memref<200x32x4096xf32, #tpu.memory_space<hbm>> -> memref<1x32x128xf32, #tpu.memory_space<hbm>>
        %dma_wait3A_559 = tpu.memref_squeeze %dma_wait3A_558 : memref<1x32x128xf32, #tpu.memory_space<hbm>> -> memref<32x128xf32, #tpu.memory_space<hbm>>
        %dma_wait3A_560 = arith.constant 0 : i32
        %dma_wait3A_561 = arith.constant 0 : i32
        %dma_wait3A_562 = tpu.memref_slice %arg7[%dma_wait3A_549, %dma_wait3A_560, %dma_wait3A_561] : memref<4x32x128xf32, #tpu.memory_space<vmem>> -> memref<1x32x128xf32, #tpu.memory_space<vmem>>
        %dma_wait3A_563 = tpu.memref_squeeze %dma_wait3A_562 : memref<1x32x128xf32, #tpu.memory_space<vmem>> -> memref<32x128xf32, #tpu.memory_space<vmem>>
        tpu.wait_dma2 semaphore(%arg12 : memref<!tpu.dma_semaphore, #tpu.memory_space<semaphore_mem>>) src(%dma_wait3A_563 : memref<32x128xf32, #tpu.memory_space<vmem>>) dst(%dma_wait3A_559 : memref<32x128xf32, #tpu.memory_space<hbm>>)
      } else {
      }
      %parallel_loop3A = arith.constant 0 : i32
      %parallel_loop3A_301 = arith.constant 32 : i32
      %parallel_loop3A_302 = arith.constant 1 : i32
      scf.for %parallel_loop3A_549 = %parallel_loop3A to %parallel_loop3A_301 step %parallel_loop3A_302  : i32 {
        %parallel_loop3A_550 = vector.broadcast %parallel_loop3A_549 : i32 to vector<16xi32>
        %parallel_loop3A_551 = arith.constant 0 : i32
        %parallel_loop3A_552 = arith.constant 0 : i32
        %parallel_loop3A_553 = arith.constant 0 : i32
        %parallel_loop3A_554 = tpu.memref_slice %arg6[%parallel_loop3A_551, %parallel_loop3A_552, %parallel_loop3A_553] : memref<4x128x32xf32, #tpu.memory_space<vmem>> -> memref<1x128x32xf32, #tpu.memory_space<vmem>>
        %parallel_loop3A_555 = tpu.memref_squeeze %parallel_loop3A_554 : memref<1x128x32xf32, #tpu.memory_space<vmem>> -> memref<128x32xf32, #tpu.memory_space<vmem>>
        %parallel_loop3A_556 = tpu.vector_load_idx %parallel_loop3A_555[%add3A_52, %parallel_loop3A_550] : memref<128x32xf32, #tpu.memory_space<vmem>>[vector<16xi32>, vector<16xi32>], vector<16xf32>,
        %parallel_loop3A_557 = arith.constant 0 : i32
        %parallel_loop3A_558 = arith.index_cast %parallel_loop3A_557 : i32 to index
        %parallel_loop3A_559 = arith.index_cast %parallel_loop3A_549 : i32 to index
        %parallel_loop3A_560 = arith.constant 0 : index
        %parallel_loop3A_561 = tpu.vector_load %arg7[%parallel_loop3A_558, %parallel_loop3A_559, %parallel_loop3A_560] {strides = array<i32>} : memref<4x32x128xf32, #tpu.memory_space<vmem>>, vector<16xf32>,
        tpu.vector_store %arg7[%parallel_loop3A_558, %parallel_loop3A_559, %parallel_loop3A_560], %parallel_loop3A_556 {strides = array<i32>} : memref<4x32x128xf32, #tpu.memory_space<vmem>>, vector<16xf32>,
        %parallel_loop3A_562 = arith.constant 0 : i32
        %parallel_loop3A_563 = arith.constant 0 : i32
        %parallel_loop3A_564 = arith.constant 0 : i32
        %parallel_loop3A_565 = tpu.memref_slice %arg6[%parallel_loop3A_562, %parallel_loop3A_563, %parallel_loop3A_564] : memref<4x128x32xf32, #tpu.memory_space<vmem>> -> memref<1x128x32xf32, #tpu.memory_space<vmem>>
        %parallel_loop3A_566 = tpu.memref_squeeze %parallel_loop3A_565 : memref<1x128x32xf32, #tpu.memory_space<vmem>> -> memref<128x32xf32, #tpu.memory_space<vmem>>
        %parallel_loop3A_567 = tpu.vector_load_idx %parallel_loop3A_566[%add3A_55, %parallel_loop3A_550] : memref<128x32xf32, #tpu.memory_space<vmem>>[vector<16xi32>, vector<16xi32>], vector<16xf32>,
        %parallel_loop3A_568 = arith.constant 0 : i32
        %parallel_loop3A_569 = arith.index_cast %parallel_loop3A_568 : i32 to index
        %parallel_loop3A_570 = arith.index_cast %parallel_loop3A_549 : i32 to index
        %parallel_loop3A_571 = arith.constant 16 : index
        %parallel_loop3A_572 = tpu.vector_load %arg7[%parallel_loop3A_569, %parallel_loop3A_570, %parallel_loop3A_571] {strides = array<i32>} : memref<4x32x128xf32, #tpu.memory_space<vmem>>, vector<16xf32>,
        tpu.vector_store %arg7[%parallel_loop3A_569, %parallel_loop3A_570, %parallel_loop3A_571], %parallel_loop3A_567 {strides = array<i32>} : memref<4x32x128xf32, #tpu.memory_space<vmem>>, vector<16xf32>,
        %parallel_loop3A_573 = arith.constant 0 : i32
        %parallel_loop3A_574 = arith.constant 0 : i32
        %parallel_loop3A_575 = arith.constant 0 : i32
        %parallel_loop3A_576 = tpu.memref_slice %arg6[%parallel_loop3A_573, %parallel_loop3A_574, %parallel_loop3A_575] : memref<4x128x32xf32, #tpu.memory_space<vmem>> -> memref<1x128x32xf32, #tpu.memory_space<vmem>>
        %parallel_loop3A_577 = tpu.memref_squeeze %parallel_loop3A_576 : memref<1x128x32xf32, #tpu.memory_space<vmem>> -> memref<128x32xf32, #tpu.memory_space<vmem>>
        %parallel_loop3A_578 = tpu.vector_load_idx %parallel_loop3A_577[%add3A_58, %parallel_loop3A_550] : memref<128x32xf32, #tpu.memory_space<vmem>>[vector<16xi32>, vector<16xi32>], vector<16xf32>,
        %parallel_loop3A_579 = arith.constant 0 : i32
        %parallel_loop3A_580 = arith.index_cast %parallel_loop3A_579 : i32 to index
        %parallel_loop3A_581 = arith.index_cast %parallel_loop3A_549 : i32 to index
        %parallel_loop3A_582 = arith.constant 32 : index
        %parallel_loop3A_583 = tpu.vector_load %arg7[%parallel_loop3A_580, %parallel_loop3A_581, %parallel_loop3A_582] {strides = array<i32>} : memref<4x32x128xf32, #tpu.memory_space<vmem>>, vector<16xf32>,
        tpu.vector_store %arg7[%parallel_loop3A_580, %parallel_loop3A_581, %parallel_loop3A_582], %parallel_loop3A_578 {strides = array<i32>} : memref<4x32x128xf32, #tpu.memory_space<vmem>>, vector<16xf32>,
        %parallel_loop3A_584 = arith.constant 0 : i32
        %parallel_loop3A_585 = arith.constant 0 : i32
        %parallel_loop3A_586 = arith.constant 0 : i32
        %parallel_loop3A_587 = tpu.memref_slice %arg6[%parallel_loop3A_584, %parallel_loop3A_585, %parallel_loop3A_586] : memref<4x128x32xf32, #tpu.memory_space<vmem>> -> memref<1x128x32xf32, #tpu.memory_space<vmem>>
        %parallel_loop3A_588 = tpu.memref_squeeze %parallel_loop3A_587 : memref<1x128x32xf32, #tpu.memory_space<vmem>> -> memref<128x32xf32, #tpu.memory_space<vmem>>
        %parallel_loop3A_589 = tpu.vector_load_idx %parallel_loop3A_588[%add3A_61, %parallel_loop3A_550] : memref<128x32xf32, #tpu.memory_space<vmem>>[vector<16xi32>, vector<16xi32>], vector<16xf32>,
        %parallel_loop3A_590 = arith.constant 0 : i32
        %parallel_loop3A_591 = arith.index_cast %parallel_loop3A_590 : i32 to index
        %parallel_loop3A_592 = arith.index_cast %parallel_loop3A_549 : i32 to index
        %parallel_loop3A_593 = arith.constant 48 : index
        %parallel_loop3A_594 = tpu.vector_load %arg7[%parallel_loop3A_591, %parallel_loop3A_592, %parallel_loop3A_593] {strides = array<i32>} : memref<4x32x128xf32, #tpu.memory_space<vmem>>, vector<16xf32>,
        tpu.vector_store %arg7[%parallel_loop3A_591, %parallel_loop3A_592, %parallel_loop3A_593], %parallel_loop3A_589 {strides = array<i32>} : memref<4x32x128xf32, #tpu.memory_space<vmem>>, vector<16xf32>,
        %parallel_loop3A_595 = arith.constant 0 : i32
        %parallel_loop3A_596 = arith.constant 0 : i32
        %parallel_loop3A_597 = arith.constant 0 : i32
        %parallel_loop3A_598 = tpu.memref_slice %arg6[%parallel_loop3A_595, %parallel_loop3A_596, %parallel_loop3A_597] : memref<4x128x32xf32, #tpu.memory_space<vmem>> -> memref<1x128x32xf32, #tpu.memory_space<vmem>>
        %parallel_loop3A_599 = tpu.memref_squeeze %parallel_loop3A_598 : memref<1x128x32xf32, #tpu.memory_space<vmem>> -> memref<128x32xf32, #tpu.memory_space<vmem>>
        %parallel_loop3A_600 = tpu.vector_load_idx %parallel_loop3A_599[%add3A_64, %parallel_loop3A_550] : memref<128x32xf32, #tpu.memory_space<vmem>>[vector<16xi32>, vector<16xi32>], vector<16xf32>,
        %parallel_loop3A_601 = arith.constant 0 : i32
        %parallel_loop3A_602 = arith.index_cast %parallel_loop3A_601 : i32 to index
        %parallel_loop3A_603 = arith.index_cast %parallel_loop3A_549 : i32 to index
        %parallel_loop3A_604 = arith.constant 64 : index
        %parallel_loop3A_605 = tpu.vector_load %arg7[%parallel_loop3A_602, %parallel_loop3A_603, %parallel_loop3A_604] {strides = array<i32>} : memref<4x32x128xf32, #tpu.memory_space<vmem>>, vector<16xf32>,
        tpu.vector_store %arg7[%parallel_loop3A_602, %parallel_loop3A_603, %parallel_loop3A_604], %parallel_loop3A_600 {strides = array<i32>} : memref<4x32x128xf32, #tpu.memory_space<vmem>>, vector<16xf32>,
        %parallel_loop3A_606 = arith.constant 0 : i32
        %parallel_loop3A_607 = arith.constant 0 : i32
        %parallel_loop3A_608 = arith.constant 0 : i32
        %parallel_loop3A_609 = tpu.memref_slice %arg6[%parallel_loop3A_606, %parallel_loop3A_607, %parallel_loop3A_608] : memref<4x128x32xf32, #tpu.memory_space<vmem>> -> memref<1x128x32xf32, #tpu.memory_space<vmem>>
        %parallel_loop3A_610 = tpu.memref_squeeze %parallel_loop3A_609 : memref<1x128x32xf32, #tpu.memory_space<vmem>> -> memref<128x32xf32, #tpu.memory_space<vmem>>
        %parallel_loop3A_611 = tpu.vector_load_idx %parallel_loop3A_610[%add3A_67, %parallel_loop3A_550] : memref<128x32xf32, #tpu.memory_space<vmem>>[vector<16xi32>, vector<16xi32>], vector<16xf32>,
        %parallel_loop3A_612 = arith.constant 0 : i32
        %parallel_loop3A_613 = arith.index_cast %parallel_loop3A_612 : i32 to index
        %parallel_loop3A_614 = arith.index_cast %parallel_loop3A_549 : i32 to index
        %parallel_loop3A_615 = arith.constant 80 : index
        %parallel_loop3A_616 = tpu.vector_load %arg7[%parallel_loop3A_613, %parallel_loop3A_614, %parallel_loop3A_615] {strides = array<i32>} : memref<4x32x128xf32, #tpu.memory_space<vmem>>, vector<16xf32>,
        tpu.vector_store %arg7[%parallel_loop3A_613, %parallel_loop3A_614, %parallel_loop3A_615], %parallel_loop3A_611 {strides = array<i32>} : memref<4x32x128xf32, #tpu.memory_space<vmem>>, vector<16xf32>,
        %parallel_loop3A_617 = arith.constant 0 : i32
        %parallel_loop3A_618 = arith.constant 0 : i32
        %parallel_loop3A_619 = arith.constant 0 : i32
        %parallel_loop3A_620 = tpu.memref_slice %arg6[%parallel_loop3A_617, %parallel_loop3A_618, %parallel_loop3A_619] : memref<4x128x32xf32, #tpu.memory_space<vmem>> -> memref<1x128x32xf32, #tpu.memory_space<vmem>>
        %parallel_loop3A_621 = tpu.memref_squeeze %parallel_loop3A_620 : memref<1x128x32xf32, #tpu.memory_space<vmem>> -> memref<128x32xf32, #tpu.memory_space<vmem>>
        %parallel_loop3A_622 = tpu.vector_load_idx %parallel_loop3A_621[%add3A_70, %parallel_loop3A_550] : memref<128x32xf32, #tpu.memory_space<vmem>>[vector<16xi32>, vector<16xi32>], vector<16xf32>,
        %parallel_loop3A_623 = arith.constant 0 : i32
        %parallel_loop3A_624 = arith.index_cast %parallel_loop3A_623 : i32 to index
        %parallel_loop3A_625 = arith.index_cast %parallel_loop3A_549 : i32 to index
        %parallel_loop3A_626 = arith.constant 96 : index
        %parallel_loop3A_627 = tpu.vector_load %arg7[%parallel_loop3A_624, %parallel_loop3A_625, %parallel_loop3A_626] {strides = array<i32>} : memref<4x32x128xf32, #tpu.memory_space<vmem>>, vector<16xf32>,
        tpu.vector_store %arg7[%parallel_loop3A_624, %parallel_loop3A_625, %parallel_loop3A_626], %parallel_loop3A_622 {strides = array<i32>} : memref<4x32x128xf32, #tpu.memory_space<vmem>>, vector<16xf32>,
        %parallel_loop3A_628 = arith.constant 0 : i32
        %parallel_loop3A_629 = arith.constant 0 : i32
        %parallel_loop3A_630 = arith.constant 0 : i32
        %parallel_loop3A_631 = tpu.memref_slice %arg6[%parallel_loop3A_628, %parallel_loop3A_629, %parallel_loop3A_630] : memref<4x128x32xf32, #tpu.memory_space<vmem>> -> memref<1x128x32xf32, #tpu.memory_space<vmem>>
        %parallel_loop3A_632 = tpu.memref_squeeze %parallel_loop3A_631 : memref<1x128x32xf32, #tpu.memory_space<vmem>> -> memref<128x32xf32, #tpu.memory_space<vmem>>
        %parallel_loop3A_633 = tpu.vector_load_idx %parallel_loop3A_632[%add3A_73, %parallel_loop3A_550] : memref<128x32xf32, #tpu.memory_space<vmem>>[vector<16xi32>, vector<16xi32>], vector<16xf32>,
        %parallel_loop3A_634 = arith.constant 0 : i32
        %parallel_loop3A_635 = arith.index_cast %parallel_loop3A_634 : i32 to index
        %parallel_loop3A_636 = arith.index_cast %parallel_loop3A_549 : i32 to index
        %parallel_loop3A_637 = arith.constant 112 : index
        %parallel_loop3A_638 = tpu.vector_load %arg7[%parallel_loop3A_635, %parallel_loop3A_636, %parallel_loop3A_637] {strides = array<i32>} : memref<4x32x128xf32, #tpu.memory_space<vmem>>, vector<16xf32>,
        tpu.vector_store %arg7[%parallel_loop3A_635, %parallel_loop3A_636, %parallel_loop3A_637], %parallel_loop3A_633 {strides = array<i32>} : memref<4x32x128xf32, #tpu.memory_space<vmem>>, vector<16xf32>,
      } {sc.loop_unroll_factor = 8 : i64, sc.parallel_access}
      %dma_start3A_303 = arith.constant 0 : i32
      %dma_start3A_304 = arith.constant 0 : i32
      %dma_start3A_305 = arith.constant 0 : i32
      %dma_start3A_306 = tpu.memref_slice %arg7[%dma_start3A_303, %dma_start3A_304, %dma_start3A_305] : memref<4x32x128xf32, #tpu.memory_space<vmem>> -> memref<1x32x128xf32, #tpu.memory_space<vmem>>
      %dma_start3A_307 = tpu.memref_squeeze %dma_start3A_306 : memref<1x32x128xf32, #tpu.memory_space<vmem>> -> memref<32x128xf32, #tpu.memory_space<vmem>>
      %dma_start3A_308 = arith.constant 0 : i32
      %dma_start3A_309 = tpu.memref_slice %arg4[%select_n3A_282, %dma_start3A_308, %mul3A_287] : memref<200x32x4096xf32, #tpu.memory_space<hbm>> -> memref<1x32x128xf32, #tpu.memory_space<hbm>>
      %dma_start3A_310 = tpu.memref_squeeze %dma_start3A_309 : memref<1x32x128xf32, #tpu.memory_space<hbm>> -> memref<32x128xf32, #tpu.memory_space<hbm>>
      %dma_start3A_311 = arith.constant 0 : i32
      %dma_start3A_312 = tpu.memref_slice %arg4[%select_n3A_282, %dma_start3A_311, %mul3A_287] : memref<200x32x4096xf32, #tpu.memory_space<hbm>> -> memref<1x32x128xf32, #tpu.memory_space<hbm>>
      %dma_start3A_313 = tpu.memref_squeeze %dma_start3A_312 : memref<1x32x128xf32, #tpu.memory_space<hbm>> -> memref<32x128xf32, #tpu.memory_space<hbm>>
      %dma_start3A_314 = arith.constant 0 : i32
      %dma_start3A_315 = arith.constant 0 : i32
      %dma_start3A_316 = tpu.memref_slice %arg7[%dma_start3A_303, %dma_start3A_314, %dma_start3A_315] : memref<4x32x128xf32, #tpu.memory_space<vmem>> -> memref<1x32x128xf32, #tpu.memory_space<vmem>>
      %dma_start3A_317 = tpu.memref_squeeze %dma_start3A_316 : memref<1x32x128xf32, #tpu.memory_space<vmem>> -> memref<32x128xf32, #tpu.memory_space<vmem>>
      tpu.enqueue_dma source(%dma_start3A_317 : memref<32x128xf32, #tpu.memory_space<vmem>>) target(%dma_start3A_313 : memref<32x128xf32, #tpu.memory_space<hbm>>) target_semaphore(%arg12 : memref<!tpu.dma_semaphore, #tpu.memory_space<semaphore_mem>>)
      %add3A_318 = arith.constant 4 : i32
      %add3A_319 = arith.addi %add3A_257, %add3A_318 : i32
      %lt3A = arith.constant 200 : i32
      %lt3A_320 = arith.cmpi slt, %add3A_319, %lt3A : i32
      %convert_element_type3A_321 = arith.extui %lt3A_320 : i1 to i32
      %cond3A_322 = arith.constant 0 : i32
      %cond3A_323 = arith.cmpi ne, %convert_element_type3A_321, %cond3A_322 : i32
      scf.if %cond3A_323 {
        %dma_start3A_549 = arith.constant 0 : i32
        %dma_start3A_550 = arith.constant 0 : i32
        %dma_start3A_551 = arith.constant 0 : i32
        %dma_start3A_552 = tpu.memref_slice %arg6[%dma_start3A_549, %dma_start3A_550, %dma_start3A_551] : memref<4x128x32xf32, #tpu.memory_space<vmem>> -> memref<1x128x32xf32, #tpu.memory_space<vmem>>
        %dma_start3A_553 = tpu.memref_squeeze %dma_start3A_552 : memref<1x128x32xf32, #tpu.memory_space<vmem>> -> memref<128x32xf32, #tpu.memory_space<vmem>>
        %dma_start3A_554 = arith.constant 0 : i32
        %dma_start3A_555 = tpu.memref_slice %arg5[%add3A_319, %dma_start3A_554] : memref<200x128xi32, #tpu.memory_space<vmem>> -> memref<1x128xi32, #tpu.memory_space<vmem>>
        %dma_start3A_556 = tpu.memref_squeeze %dma_start3A_555 : memref<1x128xi32, #tpu.memory_space<vmem>> -> memref<128xi32, #tpu.memory_space<vmem>>
        %dma_start3A_557 = arith.constant 0 : i32
        %dma_start3A_558 = arith.constant 0 : i32
        %dma_start3A_559 = tpu.memref_slice %arg3[%dma_start3A_557, %dma_start3A_558] : memref<1000000x32xf32, #tpu.memory_space<hbm>> -> memref<1000000x32xf32, #tpu.memory_space<hbm>>
        tpu.enqueue_indirect_dma source(%dma_start3A_559 : memref<1000000x32xf32, #tpu.memory_space<hbm>>) target(%dma_start3A_553 : memref<128x32xf32, #tpu.memory_space<vmem>>) offsets(%dma_start3A_556 : memref<128xi32, #tpu.memory_space<vmem>>) semaphore(%arg8 : memref<!tpu.dma_semaphore, #tpu.memory_space<semaphore_mem>>)
      } else {
      }
      %mul3A_324 = arith.constant 4 : i32
      %mul3A_325 = arith.muli %scan3A_253, %mul3A_324 : i32
      %add3A_326 = arith.constant 1 : i32
      %add3A_327 = arith.addi %mul3A_325, %add3A_326 : i32
      %add3A_328 = arith.addi %mul3A_2, %add3A_327 : i32
      %jit3A_329 = arith.constant 32 : i32
      %div3A_330 = arith.divsi %add3A_328, %jit3A_329 : i32
      %sign3A_331 = arith.constant 0 : i32
      %sign3A_332 = arith.cmpi sgt, %add3A_328, %sign3A_331 : i32
      %sign3A_333 = arith.extui %sign3A_332 : i1 to i32
      %sign3A_334 = arith.constant 0 : i32
      %sign3A_335 = arith.cmpi slt, %add3A_328, %sign3A_334 : i32
      %sign3A_336 = arith.extui %sign3A_335 : i1 to i32
      %sign3A_337 = arith.subi %sign3A_333, %sign3A_336 : i32
      %sign3A_338 = arith.constant 0 : i32
      %sign3A_339 = arith.cmpi sgt, %jit3A_329, %sign3A_338 : i32
      %sign3A_340 = arith.extui %sign3A_339 : i1 to i32
      %sign3A_341 = arith.constant 0 : i32
      %sign3A_342 = arith.cmpi slt, %jit3A_329, %sign3A_341 : i32
      %sign3A_343 = arith.extui %sign3A_342 : i1 to i32
      %sign3A_344 = arith.subi %sign3A_340, %sign3A_343 : i32
      %ne3A_345 = arith.cmpi ne, %sign3A_337, %sign3A_344 : i32
      %rem3A_346 = arith.remsi %add3A_328, %jit3A_329 : i32
      %ne3A_347 = arith.constant 0 : i32
      %ne3A_348 = arith.cmpi ne, %rem3A_346, %ne3A_347 : i32
      %and3A_349 = arith.andi %ne3A_345, %ne3A_348 : i1
      %sub3A_350 = arith.constant 1 : i32
      %sub3A_351 = arith.subi %div3A_330, %sub3A_350 : i32
      %select_n3A_352 = arith.select %and3A_349, %sub3A_351, %div3A_330 : i32
      %mul3A_353 = arith.constant 32 : i32
      %mul3A_354 = arith.muli %select_n3A_352, %mul3A_353 : i32
      %sub3A_355 = arith.subi %add3A_328, %mul3A_354 : i32
      %mul3A_356 = arith.constant 128 : i32
      %mul3A_357 = arith.muli %sub3A_355, %mul3A_356 : i32
      %dma_wait3A_358 = arith.constant 1 : i32
      %dma_wait3A_359 = arith.constant 0 : i32
      %dma_wait3A_360 = arith.constant 0 : i32
      %dma_wait3A_361 = tpu.memref_slice %arg6[%dma_wait3A_358, %dma_wait3A_359, %dma_wait3A_360] : memref<4x128x32xf32, #tpu.memory_space<vmem>> -> memref<1x128x32xf32, #tpu.memory_space<vmem>>
      %dma_wait3A_362 = tpu.memref_squeeze %dma_wait3A_361 : memref<1x128x32xf32, #tpu.memory_space<vmem>> -> memref<128x32xf32, #tpu.memory_space<vmem>>
      %dma_wait3A_363 = arith.constant 0 : i32
      %dma_wait3A_364 = tpu.memref_slice %arg5[%add3A_327, %dma_wait3A_363] : memref<200x128xi32, #tpu.memory_space<vmem>> -> memref<1x128xi32, #tpu.memory_space<vmem>>
      %dma_wait3A_365 = tpu.memref_squeeze %dma_wait3A_364 : memref<1x128xi32, #tpu.memory_space<vmem>> -> memref<128xi32, #tpu.memory_space<vmem>>
      %dma_wait3A_366 = arith.constant 0 : i32
      %dma_wait3A_367 = arith.constant 0 : i32
      %dma_wait3A_368 = tpu.memref_slice %arg3[%dma_wait3A_366, %dma_wait3A_367] : memref<1000000x32xf32, #tpu.memory_space<hbm>> -> memref<1000000x32xf32, #tpu.memory_space<hbm>>
      tpu.wait_indirect_dma semaphore(%arg9 : memref<!tpu.dma_semaphore, #tpu.memory_space<semaphore_mem>>) src(%dma_wait3A_368 : memref<1000000x32xf32, #tpu.memory_space<hbm>>) dst(%dma_wait3A_362 : memref<128x32xf32, #tpu.memory_space<vmem>>)
      %ge3A_369 = arith.constant 4 : i32
      %ge3A_370 = arith.cmpi sge, %add3A_327, %ge3A_369 : i32
      %convert_element_type3A_371 = arith.extui %ge3A_370 : i1 to i32
      %cond3A_372 = arith.constant 0 : i32
      %cond3A_373 = arith.cmpi ne, %convert_element_type3A_371, %cond3A_372 : i32
      scf.if %cond3A_373 {
        %dma_wait3A_549 = arith.constant 1 : i32
        %dma_wait3A_550 = arith.constant 0 : i32
        %dma_wait3A_551 = arith.constant 0 : i32
        %dma_wait3A_552 = tpu.memref_slice %arg7[%dma_wait3A_549, %dma_wait3A_550, %dma_wait3A_551] : memref<4x32x128xf32, #tpu.memory_space<vmem>> -> memref<1x32x128xf32, #tpu.memory_space<vmem>>
        %dma_wait3A_553 = tpu.memref_squeeze %dma_wait3A_552 : memref<1x32x128xf32, #tpu.memory_space<vmem>> -> memref<32x128xf32, #tpu.memory_space<vmem>>
        %dma_wait3A_554 = arith.constant 0 : i32
        %dma_wait3A_555 = tpu.memref_slice %arg4[%select_n3A_352, %dma_wait3A_554, %mul3A_357] : memref<200x32x4096xf32, #tpu.memory_space<hbm>> -> memref<1x32x128xf32, #tpu.memory_space<hbm>>
        %dma_wait3A_556 = tpu.memref_squeeze %dma_wait3A_555 : memref<1x32x128xf32, #tpu.memory_space<hbm>> -> memref<32x128xf32, #tpu.memory_space<hbm>>
        %dma_wait3A_557 = arith.constant 0 : i32
        %dma_wait3A_558 = tpu.memref_slice %arg4[%select_n3A_352, %dma_wait3A_557, %mul3A_357] : memref<200x32x4096xf32, #tpu.memory_space<hbm>> -> memref<1x32x128xf32, #tpu.memory_space<hbm>>
        %dma_wait3A_559 = tpu.memref_squeeze %dma_wait3A_558 : memref<1x32x128xf32, #tpu.memory_space<hbm>> -> memref<32x128xf32, #tpu.memory_space<hbm>>
        %dma_wait3A_560 = arith.constant 0 : i32
        %dma_wait3A_561 = arith.constant 0 : i32
        %dma_wait3A_562 = tpu.memref_slice %arg7[%dma_wait3A_549, %dma_wait3A_560, %dma_wait3A_561] : memref<4x32x128xf32, #tpu.memory_space<vmem>> -> memref<1x32x128xf32, #tpu.memory_space<vmem>>
        %dma_wait3A_563 = tpu.memref_squeeze %dma_wait3A_562 : memref<1x32x128xf32, #tpu.memory_space<vmem>> -> memref<32x128xf32, #tpu.memory_space<vmem>>
        tpu.wait_dma2 semaphore(%arg13 : memref<!tpu.dma_semaphore, #tpu.memory_space<semaphore_mem>>) src(%dma_wait3A_563 : memref<32x128xf32, #tpu.memory_space<vmem>>) dst(%dma_wait3A_559 : memref<32x128xf32, #tpu.memory_space<hbm>>)
      } else {
      }
      %parallel_loop3A_374 = arith.constant 0 : i32
      %parallel_loop3A_375 = arith.constant 32 : i32
      %parallel_loop3A_376 = arith.constant 1 : i32
      scf.for %parallel_loop3A_549 = %parallel_loop3A_374 to %parallel_loop3A_375 step %parallel_loop3A_376  : i32 {
        %parallel_loop3A_550 = vector.broadcast %parallel_loop3A_549 : i32 to vector<16xi32>
        %parallel_loop3A_551 = arith.constant 1 : i32
        %parallel_loop3A_552 = arith.constant 0 : i32
        %parallel_loop3A_553 = arith.constant 0 : i32
        %parallel_loop3A_554 = tpu.memref_slice %arg6[%parallel_loop3A_551, %parallel_loop3A_552, %parallel_loop3A_553] : memref<4x128x32xf32, #tpu.memory_space<vmem>> -> memref<1x128x32xf32, #tpu.memory_space<vmem>>
        %parallel_loop3A_555 = tpu.memref_squeeze %parallel_loop3A_554 : memref<1x128x32xf32, #tpu.memory_space<vmem>> -> memref<128x32xf32, #tpu.memory_space<vmem>>
        %parallel_loop3A_556 = tpu.vector_load_idx %parallel_loop3A_555[%add3A_52, %parallel_loop3A_550] : memref<128x32xf32, #tpu.memory_space<vmem>>[vector<16xi32>, vector<16xi32>], vector<16xf32>,
        %parallel_loop3A_557 = arith.constant 1 : i32
        %parallel_loop3A_558 = arith.index_cast %parallel_loop3A_557 : i32 to index
        %parallel_loop3A_559 = arith.index_cast %parallel_loop3A_549 : i32 to index
        %parallel_loop3A_560 = arith.constant 0 : index
        %parallel_loop3A_561 = tpu.vector_load %arg7[%parallel_loop3A_558, %parallel_loop3A_559, %parallel_loop3A_560] {strides = array<i32>} : memref<4x32x128xf32, #tpu.memory_space<vmem>>, vector<16xf32>,
        tpu.vector_store %arg7[%parallel_loop3A_558, %parallel_loop3A_559, %parallel_loop3A_560], %parallel_loop3A_556 {strides = array<i32>} : memref<4x32x128xf32, #tpu.memory_space<vmem>>, vector<16xf32>,
        %parallel_loop3A_562 = arith.constant 1 : i32
        %parallel_loop3A_563 = arith.constant 0 : i32
        %parallel_loop3A_564 = arith.constant 0 : i32
        %parallel_loop3A_565 = tpu.memref_slice %arg6[%parallel_loop3A_562, %parallel_loop3A_563, %parallel_loop3A_564] : memref<4x128x32xf32, #tpu.memory_space<vmem>> -> memref<1x128x32xf32, #tpu.memory_space<vmem>>
        %parallel_loop3A_566 = tpu.memref_squeeze %parallel_loop3A_565 : memref<1x128x32xf32, #tpu.memory_space<vmem>> -> memref<128x32xf32, #tpu.memory_space<vmem>>
        %parallel_loop3A_567 = tpu.vector_load_idx %parallel_loop3A_566[%add3A_55, %parallel_loop3A_550] : memref<128x32xf32, #tpu.memory_space<vmem>>[vector<16xi32>, vector<16xi32>], vector<16xf32>,
        %parallel_loop3A_568 = arith.constant 1 : i32
        %parallel_loop3A_569 = arith.index_cast %parallel_loop3A_568 : i32 to index
        %parallel_loop3A_570 = arith.index_cast %parallel_loop3A_549 : i32 to index
        %parallel_loop3A_571 = arith.constant 16 : index
        %parallel_loop3A_572 = tpu.vector_load %arg7[%parallel_loop3A_569, %parallel_loop3A_570, %parallel_loop3A_571] {strides = array<i32>} : memref<4x32x128xf32, #tpu.memory_space<vmem>>, vector<16xf32>,
        tpu.vector_store %arg7[%parallel_loop3A_569, %parallel_loop3A_570, %parallel_loop3A_571], %parallel_loop3A_567 {strides = array<i32>} : memref<4x32x128xf32, #tpu.memory_space<vmem>>, vector<16xf32>,
        %parallel_loop3A_573 = arith.constant 1 : i32
        %parallel_loop3A_574 = arith.constant 0 : i32
        %parallel_loop3A_575 = arith.constant 0 : i32
        %parallel_loop3A_576 = tpu.memref_slice %arg6[%parallel_loop3A_573, %parallel_loop3A_574, %parallel_loop3A_575] : memref<4x128x32xf32, #tpu.memory_space<vmem>> -> memref<1x128x32xf32, #tpu.memory_space<vmem>>
        %parallel_loop3A_577 = tpu.memref_squeeze %parallel_loop3A_576 : memref<1x128x32xf32, #tpu.memory_space<vmem>> -> memref<128x32xf32, #tpu.memory_space<vmem>>
        %parallel_loop3A_578 = tpu.vector_load_idx %parallel_loop3A_577[%add3A_58, %parallel_loop3A_550] : memref<128x32xf32, #tpu.memory_space<vmem>>[vector<16xi32>, vector<16xi32>], vector<16xf32>,
        %parallel_loop3A_579 = arith.constant 1 : i32
        %parallel_loop3A_580 = arith.index_cast %parallel_loop3A_579 : i32 to index
        %parallel_loop3A_581 = arith.index_cast %parallel_loop3A_549 : i32 to index
        %parallel_loop3A_582 = arith.constant 32 : index
        %parallel_loop3A_583 = tpu.vector_load %arg7[%parallel_loop3A_580, %parallel_loop3A_581, %parallel_loop3A_582] {strides = array<i32>} : memref<4x32x128xf32, #tpu.memory_space<vmem>>, vector<16xf32>,
        tpu.vector_store %arg7[%parallel_loop3A_580, %parallel_loop3A_581, %parallel_loop3A_582], %parallel_loop3A_578 {strides = array<i32>} : memref<4x32x128xf32, #tpu.memory_space<vmem>>, vector<16xf32>,
        %parallel_loop3A_584 = arith.constant 1 : i32
        %parallel_loop3A_585 = arith.constant 0 : i32
        %parallel_loop3A_586 = arith.constant 0 : i32
        %parallel_loop3A_587 = tpu.memref_slice %arg6[%parallel_loop3A_584, %parallel_loop3A_585, %parallel_loop3A_586] : memref<4x128x32xf32, #tpu.memory_space<vmem>> -> memref<1x128x32xf32, #tpu.memory_space<vmem>>
        %parallel_loop3A_588 = tpu.memref_squeeze %parallel_loop3A_587 : memref<1x128x32xf32, #tpu.memory_space<vmem>> -> memref<128x32xf32, #tpu.memory_space<vmem>>
        %parallel_loop3A_589 = tpu.vector_load_idx %parallel_loop3A_588[%add3A_61, %parallel_loop3A_550] : memref<128x32xf32, #tpu.memory_space<vmem>>[vector<16xi32>, vector<16xi32>], vector<16xf32>,
        %parallel_loop3A_590 = arith.constant 1 : i32
        %parallel_loop3A_591 = arith.index_cast %parallel_loop3A_590 : i32 to index
        %parallel_loop3A_592 = arith.index_cast %parallel_loop3A_549 : i32 to index
        %parallel_loop3A_593 = arith.constant 48 : index
        %parallel_loop3A_594 = tpu.vector_load %arg7[%parallel_loop3A_591, %parallel_loop3A_592, %parallel_loop3A_593] {strides = array<i32>} : memref<4x32x128xf32, #tpu.memory_space<vmem>>, vector<16xf32>,
        tpu.vector_store %arg7[%parallel_loop3A_591, %parallel_loop3A_592, %parallel_loop3A_593], %parallel_loop3A_589 {strides = array<i32>} : memref<4x32x128xf32, #tpu.memory_space<vmem>>, vector<16xf32>,
        %parallel_loop3A_595 = arith.constant 1 : i32
        %parallel_loop3A_596 = arith.constant 0 : i32
        %parallel_loop3A_597 = arith.constant 0 : i32
        %parallel_loop3A_598 = tpu.memref_slice %arg6[%parallel_loop3A_595, %parallel_loop3A_596, %parallel_loop3A_597] : memref<4x128x32xf32, #tpu.memory_space<vmem>> -> memref<1x128x32xf32, #tpu.memory_space<vmem>>
        %parallel_loop3A_599 = tpu.memref_squeeze %parallel_loop3A_598 : memref<1x128x32xf32, #tpu.memory_space<vmem>> -> memref<128x32xf32, #tpu.memory_space<vmem>>
        %parallel_loop3A_600 = tpu.vector_load_idx %parallel_loop3A_599[%add3A_64, %parallel_loop3A_550] : memref<128x32xf32, #tpu.memory_space<vmem>>[vector<16xi32>, vector<16xi32>], vector<16xf32>,
        %parallel_loop3A_601 = arith.constant 1 : i32
        %parallel_loop3A_602 = arith.index_cast %parallel_loop3A_601 : i32 to index
        %parallel_loop3A_603 = arith.index_cast %parallel_loop3A_549 : i32 to index
        %parallel_loop3A_604 = arith.constant 64 : index
        %parallel_loop3A_605 = tpu.vector_load %arg7[%parallel_loop3A_602, %parallel_loop3A_603, %parallel_loop3A_604] {strides = array<i32>} : memref<4x32x128xf32, #tpu.memory_space<vmem>>, vector<16xf32>,
        tpu.vector_store %arg7[%parallel_loop3A_602, %parallel_loop3A_603, %parallel_loop3A_604], %parallel_loop3A_600 {strides = array<i32>} : memref<4x32x128xf32, #tpu.memory_space<vmem>>, vector<16xf32>,
        %parallel_loop3A_606 = arith.constant 1 : i32
        %parallel_loop3A_607 = arith.constant 0 : i32
        %parallel_loop3A_608 = arith.constant 0 : i32
        %parallel_loop3A_609 = tpu.memref_slice %arg6[%parallel_loop3A_606, %parallel_loop3A_607, %parallel_loop3A_608] : memref<4x128x32xf32, #tpu.memory_space<vmem>> -> memref<1x128x32xf32, #tpu.memory_space<vmem>>
        %parallel_loop3A_610 = tpu.memref_squeeze %parallel_loop3A_609 : memref<1x128x32xf32, #tpu.memory_space<vmem>> -> memref<128x32xf32, #tpu.memory_space<vmem>>
        %parallel_loop3A_611 = tpu.vector_load_idx %parallel_loop3A_610[%add3A_67, %parallel_loop3A_550] : memref<128x32xf32, #tpu.memory_space<vmem>>[vector<16xi32>, vector<16xi32>], vector<16xf32>,
        %parallel_loop3A_612 = arith.constant 1 : i32
        %parallel_loop3A_613 = arith.index_cast %parallel_loop3A_612 : i32 to index
        %parallel_loop3A_614 = arith.index_cast %parallel_loop3A_549 : i32 to index
        %parallel_loop3A_615 = arith.constant 80 : index
        %parallel_loop3A_616 = tpu.vector_load %arg7[%parallel_loop3A_613, %parallel_loop3A_614, %parallel_loop3A_615] {strides = array<i32>} : memref<4x32x128xf32, #tpu.memory_space<vmem>>, vector<16xf32>,
        tpu.vector_store %arg7[%parallel_loop3A_613, %parallel_loop3A_614, %parallel_loop3A_615], %parallel_loop3A_611 {strides = array<i32>} : memref<4x32x128xf32, #tpu.memory_space<vmem>>, vector<16xf32>,
        %parallel_loop3A_617 = arith.constant 1 : i32
        %parallel_loop3A_618 = arith.constant 0 : i32
        %parallel_loop3A_619 = arith.constant 0 : i32
        %parallel_loop3A_620 = tpu.memref_slice %arg6[%parallel_loop3A_617, %parallel_loop3A_618, %parallel_loop3A_619] : memref<4x128x32xf32, #tpu.memory_space<vmem>> -> memref<1x128x32xf32, #tpu.memory_space<vmem>>
        %parallel_loop3A_621 = tpu.memref_squeeze %parallel_loop3A_620 : memref<1x128x32xf32, #tpu.memory_space<vmem>> -> memref<128x32xf32, #tpu.memory_space<vmem>>
        %parallel_loop3A_622 = tpu.vector_load_idx %parallel_loop3A_621[%add3A_70, %parallel_loop3A_550] : memref<128x32xf32, #tpu.memory_space<vmem>>[vector<16xi32>, vector<16xi32>], vector<16xf32>,
        %parallel_loop3A_623 = arith.constant 1 : i32
        %parallel_loop3A_624 = arith.index_cast %parallel_loop3A_623 : i32 to index
        %parallel_loop3A_625 = arith.index_cast %parallel_loop3A_549 : i32 to index
        %parallel_loop3A_626 = arith.constant 96 : index
        %parallel_loop3A_627 = tpu.vector_load %arg7[%parallel_loop3A_624, %parallel_loop3A_625, %parallel_loop3A_626] {strides = array<i32>} : memref<4x32x128xf32, #tpu.memory_space<vmem>>, vector<16xf32>,
        tpu.vector_store %arg7[%parallel_loop3A_624, %parallel_loop3A_625, %parallel_loop3A_626], %parallel_loop3A_622 {strides = array<i32>} : memref<4x32x128xf32, #tpu.memory_space<vmem>>, vector<16xf32>,
        %parallel_loop3A_628 = arith.constant 1 : i32
        %parallel_loop3A_629 = arith.constant 0 : i32
        %parallel_loop3A_630 = arith.constant 0 : i32
        %parallel_loop3A_631 = tpu.memref_slice %arg6[%parallel_loop3A_628, %parallel_loop3A_629, %parallel_loop3A_630] : memref<4x128x32xf32, #tpu.memory_space<vmem>> -> memref<1x128x32xf32, #tpu.memory_space<vmem>>
        %parallel_loop3A_632 = tpu.memref_squeeze %parallel_loop3A_631 : memref<1x128x32xf32, #tpu.memory_space<vmem>> -> memref<128x32xf32, #tpu.memory_space<vmem>>
        %parallel_loop3A_633 = tpu.vector_load_idx %parallel_loop3A_632[%add3A_73, %parallel_loop3A_550] : memref<128x32xf32, #tpu.memory_space<vmem>>[vector<16xi32>, vector<16xi32>], vector<16xf32>,
        %parallel_loop3A_634 = arith.constant 1 : i32
        %parallel_loop3A_635 = arith.index_cast %parallel_loop3A_634 : i32 to index
        %parallel_loop3A_636 = arith.index_cast %parallel_loop3A_549 : i32 to index
        %parallel_loop3A_637 = arith.constant 112 : index
        %parallel_loop3A_638 = tpu.vector_load %arg7[%parallel_loop3A_635, %parallel_loop3A_636, %parallel_loop3A_637] {strides = array<i32>} : memref<4x32x128xf32, #tpu.memory_space<vmem>>, vector<16xf32>,
        tpu.vector_store %arg7[%parallel_loop3A_635, %parallel_loop3A_636, %parallel_loop3A_637], %parallel_loop3A_633 {strides = array<i32>} : memref<4x32x128xf32, #tpu.memory_space<vmem>>, vector<16xf32>,
      } {sc.loop_unroll_factor = 8 : i64, sc.parallel_access}
      %dma_start3A_377 = arith.constant 1 : i32
      %dma_start3A_378 = arith.constant 0 : i32
      %dma_start3A_379 = arith.constant 0 : i32
      %dma_start3A_380 = tpu.memref_slice %arg7[%dma_start3A_377, %dma_start3A_378, %dma_start3A_379] : memref<4x32x128xf32, #tpu.memory_space<vmem>> -> memref<1x32x128xf32, #tpu.memory_space<vmem>>
      %dma_start3A_381 = tpu.memref_squeeze %dma_start3A_380 : memref<1x32x128xf32, #tpu.memory_space<vmem>> -> memref<32x128xf32, #tpu.memory_space<vmem>>
      %dma_start3A_382 = arith.constant 0 : i32
      %dma_start3A_383 = tpu.memref_slice %arg4[%select_n3A_352, %dma_start3A_382, %mul3A_357] : memref<200x32x4096xf32, #tpu.memory_space<hbm>> -> memref<1x32x128xf32, #tpu.memory_space<hbm>>
      %dma_start3A_384 = tpu.memref_squeeze %dma_start3A_383 : memref<1x32x128xf32, #tpu.memory_space<hbm>> -> memref<32x128xf32, #tpu.memory_space<hbm>>
      %dma_start3A_385 = arith.constant 0 : i32
      %dma_start3A_386 = tpu.memref_slice %arg4[%select_n3A_352, %dma_start3A_385, %mul3A_357] : memref<200x32x4096xf32, #tpu.memory_space<hbm>> -> memref<1x32x128xf32, #tpu.memory_space<hbm>>
      %dma_start3A_387 = tpu.memref_squeeze %dma_start3A_386 : memref<1x32x128xf32, #tpu.memory_space<hbm>> -> memref<32x128xf32, #tpu.memory_space<hbm>>
      %dma_start3A_388 = arith.constant 0 : i32
      %dma_start3A_389 = arith.constant 0 : i32
      %dma_start3A_390 = tpu.memref_slice %arg7[%dma_start3A_377, %dma_start3A_388, %dma_start3A_389] : memref<4x32x128xf32, #tpu.memory_space<vmem>> -> memref<1x32x128xf32, #tpu.memory_space<vmem>>
      %dma_start3A_391 = tpu.memref_squeeze %dma_start3A_390 : memref<1x32x128xf32, #tpu.memory_space<vmem>> -> memref<32x128xf32, #tpu.memory_space<vmem>>
      tpu.enqueue_dma source(%dma_start3A_391 : memref<32x128xf32, #tpu.memory_space<vmem>>) target(%dma_start3A_387 : memref<32x128xf32, #tpu.memory_space<hbm>>) target_semaphore(%arg13 : memref<!tpu.dma_semaphore, #tpu.memory_space<semaphore_mem>>)
      %add3A_392 = arith.constant 4 : i32
      %add3A_393 = arith.addi %add3A_327, %add3A_392 : i32
      %lt3A_394 = arith.constant 200 : i32
      %lt3A_395 = arith.cmpi slt, %add3A_393, %lt3A_394 : i32
      %convert_element_type3A_396 = arith.extui %lt3A_395 : i1 to i32
      %cond3A_397 = arith.constant 0 : i32
      %cond3A_398 = arith.cmpi ne, %convert_element_type3A_396, %cond3A_397 : i32
      scf.if %cond3A_398 {
        %dma_start3A_549 = arith.constant 1 : i32
        %dma_start3A_550 = arith.constant 0 : i32
        %dma_start3A_551 = arith.constant 0 : i32
        %dma_start3A_552 = tpu.memref_slice %arg6[%dma_start3A_549, %dma_start3A_550, %dma_start3A_551] : memref<4x128x32xf32, #tpu.memory_space<vmem>> -> memref<1x128x32xf32, #tpu.memory_space<vmem>>
        %dma_start3A_553 = tpu.memref_squeeze %dma_start3A_552 : memref<1x128x32xf32, #tpu.memory_space<vmem>> -> memref<128x32xf32, #tpu.memory_space<vmem>>
        %dma_start3A_554 = arith.constant 0 : i32
        %dma_start3A_555 = tpu.memref_slice %arg5[%add3A_393, %dma_start3A_554] : memref<200x128xi32, #tpu.memory_space<vmem>> -> memref<1x128xi32, #tpu.memory_space<vmem>>
        %dma_start3A_556 = tpu.memref_squeeze %dma_start3A_555 : memref<1x128xi32, #tpu.memory_space<vmem>> -> memref<128xi32, #tpu.memory_space<vmem>>
        %dma_start3A_557 = arith.constant 0 : i32
        %dma_start3A_558 = arith.constant 0 : i32
        %dma_start3A_559 = tpu.memref_slice %arg3[%dma_start3A_557, %dma_start3A_558] : memref<1000000x32xf32, #tpu.memory_space<hbm>> -> memref<1000000x32xf32, #tpu.memory_space<hbm>>
        tpu.enqueue_indirect_dma source(%dma_start3A_559 : memref<1000000x32xf32, #tpu.memory_space<hbm>>) target(%dma_start3A_553 : memref<128x32xf32, #tpu.memory_space<vmem>>) offsets(%dma_start3A_556 : memref<128xi32, #tpu.memory_space<vmem>>) semaphore(%arg9 : memref<!tpu.dma_semaphore, #tpu.memory_space<semaphore_mem>>)
      } else {
      }
      %mul3A_399 = arith.constant 4 : i32
      %mul3A_400 = arith.muli %scan3A_253, %mul3A_399 : i32
      %add3A_401 = arith.constant 2 : i32
      %add3A_402 = arith.addi %mul3A_400, %add3A_401 : i32
      %add3A_403 = arith.addi %mul3A_2, %add3A_402 : i32
      %jit3A_404 = arith.constant 32 : i32
      %div3A_405 = arith.divsi %add3A_403, %jit3A_404 : i32
      %sign3A_406 = arith.constant 0 : i32
      %sign3A_407 = arith.cmpi sgt, %add3A_403, %sign3A_406 : i32
      %sign3A_408 = arith.extui %sign3A_407 : i1 to i32
      %sign3A_409 = arith.constant 0 : i32
      %sign3A_410 = arith.cmpi slt, %add3A_403, %sign3A_409 : i32
      %sign3A_411 = arith.extui %sign3A_410 : i1 to i32
      %sign3A_412 = arith.subi %sign3A_408, %sign3A_411 : i32
      %sign3A_413 = arith.constant 0 : i32
      %sign3A_414 = arith.cmpi sgt, %jit3A_404, %sign3A_413 : i32
      %sign3A_415 = arith.extui %sign3A_414 : i1 to i32
      %sign3A_416 = arith.constant 0 : i32
      %sign3A_417 = arith.cmpi slt, %jit3A_404, %sign3A_416 : i32
      %sign3A_418 = arith.extui %sign3A_417 : i1 to i32
      %sign3A_419 = arith.subi %sign3A_415, %sign3A_418 : i32
      %ne3A_420 = arith.cmpi ne, %sign3A_412, %sign3A_419 : i32
      %rem3A_421 = arith.remsi %add3A_403, %jit3A_404 : i32
      %ne3A_422 = arith.constant 0 : i32
      %ne3A_423 = arith.cmpi ne, %rem3A_421, %ne3A_422 : i32
      %and3A_424 = arith.andi %ne3A_420, %ne3A_423 : i1
      %sub3A_425 = arith.constant 1 : i32
      %sub3A_426 = arith.subi %div3A_405, %sub3A_425 : i32
      %select_n3A_427 = arith.select %and3A_424, %sub3A_426, %div3A_405 : i32
      %mul3A_428 = arith.constant 32 : i32
      %mul3A_429 = arith.muli %select_n3A_427, %mul3A_428 : i32
      %sub3A_430 = arith.subi %add3A_403, %mul3A_429 : i32
      %mul3A_431 = arith.constant 128 : i32
      %mul3A_432 = arith.muli %sub3A_430, %mul3A_431 : i32
      %dma_wait3A_433 = arith.constant 2 : i32
      %dma_wait3A_434 = arith.constant 0 : i32
      %dma_wait3A_435 = arith.constant 0 : i32
      %dma_wait3A_436 = tpu.memref_slice %arg6[%dma_wait3A_433, %dma_wait3A_434, %dma_wait3A_435] : memref<4x128x32xf32, #tpu.memory_space<vmem>> -> memref<1x128x32xf32, #tpu.memory_space<vmem>>
      %dma_wait3A_437 = tpu.memref_squeeze %dma_wait3A_436 : memref<1x128x32xf32, #tpu.memory_space<vmem>> -> memref<128x32xf32, #tpu.memory_space<vmem>>
      %dma_wait3A_438 = arith.constant 0 : i32
      %dma_wait3A_439 = tpu.memref_slice %arg5[%add3A_402, %dma_wait3A_438] : memref<200x128xi32, #tpu.memory_space<vmem>> -> memref<1x128xi32, #tpu.memory_space<vmem>>
      %dma_wait3A_440 = tpu.memref_squeeze %dma_wait3A_439 : memref<1x128xi32, #tpu.memory_space<vmem>> -> memref<128xi32, #tpu.memory_space<vmem>>
      %dma_wait3A_441 = arith.constant 0 : i32
      %dma_wait3A_442 = arith.constant 0 : i32
      %dma_wait3A_443 = tpu.memref_slice %arg3[%dma_wait3A_441, %dma_wait3A_442] : memref<1000000x32xf32, #tpu.memory_space<hbm>> -> memref<1000000x32xf32, #tpu.memory_space<hbm>>
      tpu.wait_indirect_dma semaphore(%arg10 : memref<!tpu.dma_semaphore, #tpu.memory_space<semaphore_mem>>) src(%dma_wait3A_443 : memref<1000000x32xf32, #tpu.memory_space<hbm>>) dst(%dma_wait3A_437 : memref<128x32xf32, #tpu.memory_space<vmem>>)
      %ge3A_444 = arith.constant 4 : i32
      %ge3A_445 = arith.cmpi sge, %add3A_402, %ge3A_444 : i32
      %convert_element_type3A_446 = arith.extui %ge3A_445 : i1 to i32
      %cond3A_447 = arith.constant 0 : i32
      %cond3A_448 = arith.cmpi ne, %convert_element_type3A_446, %cond3A_447 : i32
      scf.if %cond3A_448 {
        %dma_wait3A_549 = arith.constant 2 : i32
        %dma_wait3A_550 = arith.constant 0 : i32
        %dma_wait3A_551 = arith.constant 0 : i32
        %dma_wait3A_552 = tpu.memref_slice %arg7[%dma_wait3A_549, %dma_wait3A_550, %dma_wait3A_551] : memref<4x32x128xf32, #tpu.memory_space<vmem>> -> memref<1x32x128xf32, #tpu.memory_space<vmem>>
        %dma_wait3A_553 = tpu.memref_squeeze %dma_wait3A_552 : memref<1x32x128xf32, #tpu.memory_space<vmem>> -> memref<32x128xf32, #tpu.memory_space<vmem>>
        %dma_wait3A_554 = arith.constant 0 : i32
        %dma_wait3A_555 = tpu.memref_slice %arg4[%select_n3A_427, %dma_wait3A_554, %mul3A_432] : memref<200x32x4096xf32, #tpu.memory_space<hbm>> -> memref<1x32x128xf32, #tpu.memory_space<hbm>>
        %dma_wait3A_556 = tpu.memref_squeeze %dma_wait3A_555 : memref<1x32x128xf32, #tpu.memory_space<hbm>> -> memref<32x128xf32, #tpu.memory_space<hbm>>
        %dma_wait3A_557 = arith.constant 0 : i32
        %dma_wait3A_558 = tpu.memref_slice %arg4[%select_n3A_427, %dma_wait3A_557, %mul3A_432] : memref<200x32x4096xf32, #tpu.memory_space<hbm>> -> memref<1x32x128xf32, #tpu.memory_space<hbm>>
        %dma_wait3A_559 = tpu.memref_squeeze %dma_wait3A_558 : memref<1x32x128xf32, #tpu.memory_space<hbm>> -> memref<32x128xf32, #tpu.memory_space<hbm>>
        %dma_wait3A_560 = arith.constant 0 : i32
        %dma_wait3A_561 = arith.constant 0 : i32
        %dma_wait3A_562 = tpu.memref_slice %arg7[%dma_wait3A_549, %dma_wait3A_560, %dma_wait3A_561] : memref<4x32x128xf32, #tpu.memory_space<vmem>> -> memref<1x32x128xf32, #tpu.memory_space<vmem>>
        %dma_wait3A_563 = tpu.memref_squeeze %dma_wait3A_562 : memref<1x32x128xf32, #tpu.memory_space<vmem>> -> memref<32x128xf32, #tpu.memory_space<vmem>>
        tpu.wait_dma2 semaphore(%arg14 : memref<!tpu.dma_semaphore, #tpu.memory_space<semaphore_mem>>) src(%dma_wait3A_563 : memref<32x128xf32, #tpu.memory_space<vmem>>) dst(%dma_wait3A_559 : memref<32x128xf32, #tpu.memory_space<hbm>>)
      } else {
      }
      %parallel_loop3A_449 = arith.constant 0 : i32
      %parallel_loop3A_450 = arith.constant 32 : i32
      %parallel_loop3A_451 = arith.constant 1 : i32
      scf.for %parallel_loop3A_549 = %parallel_loop3A_449 to %parallel_loop3A_450 step %parallel_loop3A_451  : i32 {
        %parallel_loop3A_550 = vector.broadcast %parallel_loop3A_549 : i32 to vector<16xi32>
        %parallel_loop3A_551 = arith.constant 2 : i32
        %parallel_loop3A_552 = arith.constant 0 : i32
        %parallel_loop3A_553 = arith.constant 0 : i32
        %parallel_loop3A_554 = tpu.memref_slice %arg6[%parallel_loop3A_551, %parallel_loop3A_552, %parallel_loop3A_553] : memref<4x128x32xf32, #tpu.memory_space<vmem>> -> memref<1x128x32xf32, #tpu.memory_space<vmem>>
        %parallel_loop3A_555 = tpu.memref_squeeze %parallel_loop3A_554 : memref<1x128x32xf32, #tpu.memory_space<vmem>> -> memref<128x32xf32, #tpu.memory_space<vmem>>
        %parallel_loop3A_556 = tpu.vector_load_idx %parallel_loop3A_555[%add3A_52, %parallel_loop3A_550] : memref<128x32xf32, #tpu.memory_space<vmem>>[vector<16xi32>, vector<16xi32>], vector<16xf32>,
        %parallel_loop3A_557 = arith.constant 2 : i32
        %parallel_loop3A_558 = arith.index_cast %parallel_loop3A_557 : i32 to index
        %parallel_loop3A_559 = arith.index_cast %parallel_loop3A_549 : i32 to index
        %parallel_loop3A_560 = arith.constant 0 : index
        %parallel_loop3A_561 = tpu.vector_load %arg7[%parallel_loop3A_558, %parallel_loop3A_559, %parallel_loop3A_560] {strides = array<i32>} : memref<4x32x128xf32, #tpu.memory_space<vmem>>, vector<16xf32>,
        tpu.vector_store %arg7[%parallel_loop3A_558, %parallel_loop3A_559, %parallel_loop3A_560], %parallel_loop3A_556 {strides = array<i32>} : memref<4x32x128xf32, #tpu.memory_space<vmem>>, vector<16xf32>,
        %parallel_loop3A_562 = arith.constant 2 : i32
        %parallel_loop3A_563 = arith.constant 0 : i32
        %parallel_loop3A_564 = arith.constant 0 : i32
        %parallel_loop3A_565 = tpu.memref_slice %arg6[%parallel_loop3A_562, %parallel_loop3A_563, %parallel_loop3A_564] : memref<4x128x32xf32, #tpu.memory_space<vmem>> -> memref<1x128x32xf32, #tpu.memory_space<vmem>>
        %parallel_loop3A_566 = tpu.memref_squeeze %parallel_loop3A_565 : memref<1x128x32xf32, #tpu.memory_space<vmem>> -> memref<128x32xf32, #tpu.memory_space<vmem>>
        %parallel_loop3A_567 = tpu.vector_load_idx %parallel_loop3A_566[%add3A_55, %parallel_loop3A_550] : memref<128x32xf32, #tpu.memory_space<vmem>>[vector<16xi32>, vector<16xi32>], vector<16xf32>,
        %parallel_loop3A_568 = arith.constant 2 : i32
        %parallel_loop3A_569 = arith.index_cast %parallel_loop3A_568 : i32 to index
        %parallel_loop3A_570 = arith.index_cast %parallel_loop3A_549 : i32 to index
        %parallel_loop3A_571 = arith.constant 16 : index
        %parallel_loop3A_572 = tpu.vector_load %arg7[%parallel_loop3A_569, %parallel_loop3A_570, %parallel_loop3A_571] {strides = array<i32>} : memref<4x32x128xf32, #tpu.memory_space<vmem>>, vector<16xf32>,
        tpu.vector_store %arg7[%parallel_loop3A_569, %parallel_loop3A_570, %parallel_loop3A_571], %parallel_loop3A_567 {strides = array<i32>} : memref<4x32x128xf32, #tpu.memory_space<vmem>>, vector<16xf32>,
        %parallel_loop3A_573 = arith.constant 2 : i32
        %parallel_loop3A_574 = arith.constant 0 : i32
        %parallel_loop3A_575 = arith.constant 0 : i32
        %parallel_loop3A_576 = tpu.memref_slice %arg6[%parallel_loop3A_573, %parallel_loop3A_574, %parallel_loop3A_575] : memref<4x128x32xf32, #tpu.memory_space<vmem>> -> memref<1x128x32xf32, #tpu.memory_space<vmem>>
        %parallel_loop3A_577 = tpu.memref_squeeze %parallel_loop3A_576 : memref<1x128x32xf32, #tpu.memory_space<vmem>> -> memref<128x32xf32, #tpu.memory_space<vmem>>
        %parallel_loop3A_578 = tpu.vector_load_idx %parallel_loop3A_577[%add3A_58, %parallel_loop3A_550] : memref<128x32xf32, #tpu.memory_space<vmem>>[vector<16xi32>, vector<16xi32>], vector<16xf32>,
        %parallel_loop3A_579 = arith.constant 2 : i32
        %parallel_loop3A_580 = arith.index_cast %parallel_loop3A_579 : i32 to index
        %parallel_loop3A_581 = arith.index_cast %parallel_loop3A_549 : i32 to index
        %parallel_loop3A_582 = arith.constant 32 : index
        %parallel_loop3A_583 = tpu.vector_load %arg7[%parallel_loop3A_580, %parallel_loop3A_581, %parallel_loop3A_582] {strides = array<i32>} : memref<4x32x128xf32, #tpu.memory_space<vmem>>, vector<16xf32>,
        tpu.vector_store %arg7[%parallel_loop3A_580, %parallel_loop3A_581, %parallel_loop3A_582], %parallel_loop3A_578 {strides = array<i32>} : memref<4x32x128xf32, #tpu.memory_space<vmem>>, vector<16xf32>,
        %parallel_loop3A_584 = arith.constant 2 : i32
        %parallel_loop3A_585 = arith.constant 0 : i32
        %parallel_loop3A_586 = arith.constant 0 : i32
        %parallel_loop3A_587 = tpu.memref_slice %arg6[%parallel_loop3A_584, %parallel_loop3A_585, %parallel_loop3A_586] : memref<4x128x32xf32, #tpu.memory_space<vmem>> -> memref<1x128x32xf32, #tpu.memory_space<vmem>>
        %parallel_loop3A_588 = tpu.memref_squeeze %parallel_loop3A_587 : memref<1x128x32xf32, #tpu.memory_space<vmem>> -> memref<128x32xf32, #tpu.memory_space<vmem>>
        %parallel_loop3A_589 = tpu.vector_load_idx %parallel_loop3A_588[%add3A_61, %parallel_loop3A_550] : memref<128x32xf32, #tpu.memory_space<vmem>>[vector<16xi32>, vector<16xi32>], vector<16xf32>,
        %parallel_loop3A_590 = arith.constant 2 : i32
        %parallel_loop3A_591 = arith.index_cast %parallel_loop3A_590 : i32 to index
        %parallel_loop3A_592 = arith.index_cast %parallel_loop3A_549 : i32 to index
        %parallel_loop3A_593 = arith.constant 48 : index
        %parallel_loop3A_594 = tpu.vector_load %arg7[%parallel_loop3A_591, %parallel_loop3A_592, %parallel_loop3A_593] {strides = array<i32>} : memref<4x32x128xf32, #tpu.memory_space<vmem>>, vector<16xf32>,
        tpu.vector_store %arg7[%parallel_loop3A_591, %parallel_loop3A_592, %parallel_loop3A_593], %parallel_loop3A_589 {strides = array<i32>} : memref<4x32x128xf32, #tpu.memory_space<vmem>>, vector<16xf32>,
        %parallel_loop3A_595 = arith.constant 2 : i32
        %parallel_loop3A_596 = arith.constant 0 : i32
        %parallel_loop3A_597 = arith.constant 0 : i32
        %parallel_loop3A_598 = tpu.memref_slice %arg6[%parallel_loop3A_595, %parallel_loop3A_596, %parallel_loop3A_597] : memref<4x128x32xf32, #tpu.memory_space<vmem>> -> memref<1x128x32xf32, #tpu.memory_space<vmem>>
        %parallel_loop3A_599 = tpu.memref_squeeze %parallel_loop3A_598 : memref<1x128x32xf32, #tpu.memory_space<vmem>> -> memref<128x32xf32, #tpu.memory_space<vmem>>
        %parallel_loop3A_600 = tpu.vector_load_idx %parallel_loop3A_599[%add3A_64, %parallel_loop3A_550] : memref<128x32xf32, #tpu.memory_space<vmem>>[vector<16xi32>, vector<16xi32>], vector<16xf32>,
        %parallel_loop3A_601 = arith.constant 2 : i32
        %parallel_loop3A_602 = arith.index_cast %parallel_loop3A_601 : i32 to index
        %parallel_loop3A_603 = arith.index_cast %parallel_loop3A_549 : i32 to index
        %parallel_loop3A_604 = arith.constant 64 : index
        %parallel_loop3A_605 = tpu.vector_load %arg7[%parallel_loop3A_602, %parallel_loop3A_603, %parallel_loop3A_604] {strides = array<i32>} : memref<4x32x128xf32, #tpu.memory_space<vmem>>, vector<16xf32>,
        tpu.vector_store %arg7[%parallel_loop3A_602, %parallel_loop3A_603, %parallel_loop3A_604], %parallel_loop3A_600 {strides = array<i32>} : memref<4x32x128xf32, #tpu.memory_space<vmem>>, vector<16xf32>,
        %parallel_loop3A_606 = arith.constant 2 : i32
        %parallel_loop3A_607 = arith.constant 0 : i32
        %parallel_loop3A_608 = arith.constant 0 : i32
        %parallel_loop3A_609 = tpu.memref_slice %arg6[%parallel_loop3A_606, %parallel_loop3A_607, %parallel_loop3A_608] : memref<4x128x32xf32, #tpu.memory_space<vmem>> -> memref<1x128x32xf32, #tpu.memory_space<vmem>>
        %parallel_loop3A_610 = tpu.memref_squeeze %parallel_loop3A_609 : memref<1x128x32xf32, #tpu.memory_space<vmem>> -> memref<128x32xf32, #tpu.memory_space<vmem>>
        %parallel_loop3A_611 = tpu.vector_load_idx %parallel_loop3A_610[%add3A_67, %parallel_loop3A_550] : memref<128x32xf32, #tpu.memory_space<vmem>>[vector<16xi32>, vector<16xi32>], vector<16xf32>,
        %parallel_loop3A_612 = arith.constant 2 : i32
        %parallel_loop3A_613 = arith.index_cast %parallel_loop3A_612 : i32 to index
        %parallel_loop3A_614 = arith.index_cast %parallel_loop3A_549 : i32 to index
        %parallel_loop3A_615 = arith.constant 80 : index
        %parallel_loop3A_616 = tpu.vector_load %arg7[%parallel_loop3A_613, %parallel_loop3A_614, %parallel_loop3A_615] {strides = array<i32>} : memref<4x32x128xf32, #tpu.memory_space<vmem>>, vector<16xf32>,
        tpu.vector_store %arg7[%parallel_loop3A_613, %parallel_loop3A_614, %parallel_loop3A_615], %parallel_loop3A_611 {strides = array<i32>} : memref<4x32x128xf32, #tpu.memory_space<vmem>>, vector<16xf32>,
        %parallel_loop3A_617 = arith.constant 2 : i32
        %parallel_loop3A_618 = arith.constant 0 : i32
        %parallel_loop3A_619 = arith.constant 0 : i32
        %parallel_loop3A_620 = tpu.memref_slice %arg6[%parallel_loop3A_617, %parallel_loop3A_618, %parallel_loop3A_619] : memref<4x128x32xf32, #tpu.memory_space<vmem>> -> memref<1x128x32xf32, #tpu.memory_space<vmem>>
        %parallel_loop3A_621 = tpu.memref_squeeze %parallel_loop3A_620 : memref<1x128x32xf32, #tpu.memory_space<vmem>> -> memref<128x32xf32, #tpu.memory_space<vmem>>
        %parallel_loop3A_622 = tpu.vector_load_idx %parallel_loop3A_621[%add3A_70, %parallel_loop3A_550] : memref<128x32xf32, #tpu.memory_space<vmem>>[vector<16xi32>, vector<16xi32>], vector<16xf32>,
        %parallel_loop3A_623 = arith.constant 2 : i32
        %parallel_loop3A_624 = arith.index_cast %parallel_loop3A_623 : i32 to index
        %parallel_loop3A_625 = arith.index_cast %parallel_loop3A_549 : i32 to index
        %parallel_loop3A_626 = arith.constant 96 : index
        %parallel_loop3A_627 = tpu.vector_load %arg7[%parallel_loop3A_624, %parallel_loop3A_625, %parallel_loop3A_626] {strides = array<i32>} : memref<4x32x128xf32, #tpu.memory_space<vmem>>, vector<16xf32>,
        tpu.vector_store %arg7[%parallel_loop3A_624, %parallel_loop3A_625, %parallel_loop3A_626], %parallel_loop3A_622 {strides = array<i32>} : memref<4x32x128xf32, #tpu.memory_space<vmem>>, vector<16xf32>,
        %parallel_loop3A_628 = arith.constant 2 : i32
        %parallel_loop3A_629 = arith.constant 0 : i32
        %parallel_loop3A_630 = arith.constant 0 : i32
        %parallel_loop3A_631 = tpu.memref_slice %arg6[%parallel_loop3A_628, %parallel_loop3A_629, %parallel_loop3A_630] : memref<4x128x32xf32, #tpu.memory_space<vmem>> -> memref<1x128x32xf32, #tpu.memory_space<vmem>>
        %parallel_loop3A_632 = tpu.memref_squeeze %parallel_loop3A_631 : memref<1x128x32xf32, #tpu.memory_space<vmem>> -> memref<128x32xf32, #tpu.memory_space<vmem>>
        %parallel_loop3A_633 = tpu.vector_load_idx %parallel_loop3A_632[%add3A_73, %parallel_loop3A_550] : memref<128x32xf32, #tpu.memory_space<vmem>>[vector<16xi32>, vector<16xi32>], vector<16xf32>,
        %parallel_loop3A_634 = arith.constant 2 : i32
        %parallel_loop3A_635 = arith.index_cast %parallel_loop3A_634 : i32 to index
        %parallel_loop3A_636 = arith.index_cast %parallel_loop3A_549 : i32 to index
        %parallel_loop3A_637 = arith.constant 112 : index
        %parallel_loop3A_638 = tpu.vector_load %arg7[%parallel_loop3A_635, %parallel_loop3A_636, %parallel_loop3A_637] {strides = array<i32>} : memref<4x32x128xf32, #tpu.memory_space<vmem>>, vector<16xf32>,
        tpu.vector_store %arg7[%parallel_loop3A_635, %parallel_loop3A_636, %parallel_loop3A_637], %parallel_loop3A_633 {strides = array<i32>} : memref<4x32x128xf32, #tpu.memory_space<vmem>>, vector<16xf32>,
      } {sc.loop_unroll_factor = 8 : i64, sc.parallel_access}
      %dma_start3A_452 = arith.constant 2 : i32
      %dma_start3A_453 = arith.constant 0 : i32
      %dma_start3A_454 = arith.constant 0 : i32
      %dma_start3A_455 = tpu.memref_slice %arg7[%dma_start3A_452, %dma_start3A_453, %dma_start3A_454] : memref<4x32x128xf32, #tpu.memory_space<vmem>> -> memref<1x32x128xf32, #tpu.memory_space<vmem>>
      %dma_start3A_456 = tpu.memref_squeeze %dma_start3A_455 : memref<1x32x128xf32, #tpu.memory_space<vmem>> -> memref<32x128xf32, #tpu.memory_space<vmem>>
      %dma_start3A_457 = arith.constant 0 : i32
      %dma_start3A_458 = tpu.memref_slice %arg4[%select_n3A_427, %dma_start3A_457, %mul3A_432] : memref<200x32x4096xf32, #tpu.memory_space<hbm>> -> memref<1x32x128xf32, #tpu.memory_space<hbm>>
      %dma_start3A_459 = tpu.memref_squeeze %dma_start3A_458 : memref<1x32x128xf32, #tpu.memory_space<hbm>> -> memref<32x128xf32, #tpu.memory_space<hbm>>
      %dma_start3A_460 = arith.constant 0 : i32
      %dma_start3A_461 = tpu.memref_slice %arg4[%select_n3A_427, %dma_start3A_460, %mul3A_432] : memref<200x32x4096xf32, #tpu.memory_space<hbm>> -> memref<1x32x128xf32, #tpu.memory_space<hbm>>
      %dma_start3A_462 = tpu.memref_squeeze %dma_start3A_461 : memref<1x32x128xf32, #tpu.memory_space<hbm>> -> memref<32x128xf32, #tpu.memory_space<hbm>>
      %dma_start3A_463 = arith.constant 0 : i32
      %dma_start3A_464 = arith.constant 0 : i32
      %dma_start3A_465 = tpu.memref_slice %arg7[%dma_start3A_452, %dma_start3A_463, %dma_start3A_464] : memref<4x32x128xf32, #tpu.memory_space<vmem>> -> memref<1x32x128xf32, #tpu.memory_space<vmem>>
      %dma_start3A_466 = tpu.memref_squeeze %dma_start3A_465 : memref<1x32x128xf32, #tpu.memory_space<vmem>> -> memref<32x128xf32, #tpu.memory_space<vmem>>
      tpu.enqueue_dma source(%dma_start3A_466 : memref<32x128xf32, #tpu.memory_space<vmem>>) target(%dma_start3A_462 : memref<32x128xf32, #tpu.memory_space<hbm>>) target_semaphore(%arg14 : memref<!tpu.dma_semaphore, #tpu.memory_space<semaphore_mem>>)
      %add3A_467 = arith.constant 4 : i32
      %add3A_468 = arith.addi %add3A_402, %add3A_467 : i32
      %lt3A_469 = arith.constant 200 : i32
      %lt3A_470 = arith.cmpi slt, %add3A_468, %lt3A_469 : i32
      %convert_element_type3A_471 = arith.extui %lt3A_470 : i1 to i32
      %cond3A_472 = arith.constant 0 : i32
      %cond3A_473 = arith.cmpi ne, %convert_element_type3A_471, %cond3A_472 : i32
      scf.if %cond3A_473 {
        %dma_start3A_549 = arith.constant 2 : i32
        %dma_start3A_550 = arith.constant 0 : i32
        %dma_start3A_551 = arith.constant 0 : i32
        %dma_start3A_552 = tpu.memref_slice %arg6[%dma_start3A_549, %dma_start3A_550, %dma_start3A_551] : memref<4x128x32xf32, #tpu.memory_space<vmem>> -> memref<1x128x32xf32, #tpu.memory_space<vmem>>
        %dma_start3A_553 = tpu.memref_squeeze %dma_start3A_552 : memref<1x128x32xf32, #tpu.memory_space<vmem>> -> memref<128x32xf32, #tpu.memory_space<vmem>>
        %dma_start3A_554 = arith.constant 0 : i32
        %dma_start3A_555 = tpu.memref_slice %arg5[%add3A_468, %dma_start3A_554] : memref<200x128xi32, #tpu.memory_space<vmem>> -> memref<1x128xi32, #tpu.memory_space<vmem>>
        %dma_start3A_556 = tpu.memref_squeeze %dma_start3A_555 : memref<1x128xi32, #tpu.memory_space<vmem>> -> memref<128xi32, #tpu.memory_space<vmem>>
        %dma_start3A_557 = arith.constant 0 : i32
        %dma_start3A_558 = arith.constant 0 : i32
        %dma_start3A_559 = tpu.memref_slice %arg3[%dma_start3A_557, %dma_start3A_558] : memref<1000000x32xf32, #tpu.memory_space<hbm>> -> memref<1000000x32xf32, #tpu.memory_space<hbm>>
        tpu.enqueue_indirect_dma source(%dma_start3A_559 : memref<1000000x32xf32, #tpu.memory_space<hbm>>) target(%dma_start3A_553 : memref<128x32xf32, #tpu.memory_space<vmem>>) offsets(%dma_start3A_556 : memref<128xi32, #tpu.memory_space<vmem>>) semaphore(%arg10 : memref<!tpu.dma_semaphore, #tpu.memory_space<semaphore_mem>>)
      } else {
      }
      %mul3A_474 = arith.constant 4 : i32
      %mul3A_475 = arith.muli %scan3A_253, %mul3A_474 : i32
      %add3A_476 = arith.constant 3 : i32
      %add3A_477 = arith.addi %mul3A_475, %add3A_476 : i32
      %add3A_478 = arith.addi %mul3A_2, %add3A_477 : i32
      %jit3A_479 = arith.constant 32 : i32
      %div3A_480 = arith.divsi %add3A_478, %jit3A_479 : i32
      %sign3A_481 = arith.constant 0 : i32
      %sign3A_482 = arith.cmpi sgt, %add3A_478, %sign3A_481 : i32
      %sign3A_483 = arith.extui %sign3A_482 : i1 to i32
      %sign3A_484 = arith.constant 0 : i32
      %sign3A_485 = arith.cmpi slt, %add3A_478, %sign3A_484 : i32
      %sign3A_486 = arith.extui %sign3A_485 : i1 to i32
      %sign3A_487 = arith.subi %sign3A_483, %sign3A_486 : i32
      %sign3A_488 = arith.constant 0 : i32
      %sign3A_489 = arith.cmpi sgt, %jit3A_479, %sign3A_488 : i32
      %sign3A_490 = arith.extui %sign3A_489 : i1 to i32
      %sign3A_491 = arith.constant 0 : i32
      %sign3A_492 = arith.cmpi slt, %jit3A_479, %sign3A_491 : i32
      %sign3A_493 = arith.extui %sign3A_492 : i1 to i32
      %sign3A_494 = arith.subi %sign3A_490, %sign3A_493 : i32
      %ne3A_495 = arith.cmpi ne, %sign3A_487, %sign3A_494 : i32
      %rem3A_496 = arith.remsi %add3A_478, %jit3A_479 : i32
      %ne3A_497 = arith.constant 0 : i32
      %ne3A_498 = arith.cmpi ne, %rem3A_496, %ne3A_497 : i32
      %and3A_499 = arith.andi %ne3A_495, %ne3A_498 : i1
      %sub3A_500 = arith.constant 1 : i32
      %sub3A_501 = arith.subi %div3A_480, %sub3A_500 : i32
      %select_n3A_502 = arith.select %and3A_499, %sub3A_501, %div3A_480 : i32
      %mul3A_503 = arith.constant 32 : i32
      %mul3A_504 = arith.muli %select_n3A_502, %mul3A_503 : i32
      %sub3A_505 = arith.subi %add3A_478, %mul3A_504 : i32
      %mul3A_506 = arith.constant 128 : i32
      %mul3A_507 = arith.muli %sub3A_505, %mul3A_506 : i32
      %dma_wait3A_508 = arith.constant 3 : i32
      %dma_wait3A_509 = arith.constant 0 : i32
      %dma_wait3A_510 = arith.constant 0 : i32
      %dma_wait3A_511 = tpu.memref_slice %arg6[%dma_wait3A_508, %dma_wait3A_509, %dma_wait3A_510] : memref<4x128x32xf32, #tpu.memory_space<vmem>> -> memref<1x128x32xf32, #tpu.memory_space<vmem>>
      %dma_wait3A_512 = tpu.memref_squeeze %dma_wait3A_511 : memref<1x128x32xf32, #tpu.memory_space<vmem>> -> memref<128x32xf32, #tpu.memory_space<vmem>>
      %dma_wait3A_513 = arith.constant 0 : i32
      %dma_wait3A_514 = tpu.memref_slice %arg5[%add3A_477, %dma_wait3A_513] : memref<200x128xi32, #tpu.memory_space<vmem>> -> memref<1x128xi32, #tpu.memory_space<vmem>>
      %dma_wait3A_515 = tpu.memref_squeeze %dma_wait3A_514 : memref<1x128xi32, #tpu.memory_space<vmem>> -> memref<128xi32, #tpu.memory_space<vmem>>
      %dma_wait3A_516 = arith.constant 0 : i32
      %dma_wait3A_517 = arith.constant 0 : i32
      %dma_wait3A_518 = tpu.memref_slice %arg3[%dma_wait3A_516, %dma_wait3A_517] : memref<1000000x32xf32, #tpu.memory_space<hbm>> -> memref<1000000x32xf32, #tpu.memory_space<hbm>>
      tpu.wait_indirect_dma semaphore(%arg11 : memref<!tpu.dma_semaphore, #tpu.memory_space<semaphore_mem>>) src(%dma_wait3A_518 : memref<1000000x32xf32, #tpu.memory_space<hbm>>) dst(%dma_wait3A_512 : memref<128x32xf32, #tpu.memory_space<vmem>>)
      %ge3A_519 = arith.constant 4 : i32
      %ge3A_520 = arith.cmpi sge, %add3A_477, %ge3A_519 : i32
      %convert_element_type3A_521 = arith.extui %ge3A_520 : i1 to i32
      %cond3A_522 = arith.constant 0 : i32
      %cond3A_523 = arith.cmpi ne, %convert_element_type3A_521, %cond3A_522 : i32
      scf.if %cond3A_523 {
        %dma_wait3A_549 = arith.constant 3 : i32
        %dma_wait3A_550 = arith.constant 0 : i32
        %dma_wait3A_551 = arith.constant 0 : i32
        %dma_wait3A_552 = tpu.memref_slice %arg7[%dma_wait3A_549, %dma_wait3A_550, %dma_wait3A_551] : memref<4x32x128xf32, #tpu.memory_space<vmem>> -> memref<1x32x128xf32, #tpu.memory_space<vmem>>
        %dma_wait3A_553 = tpu.memref_squeeze %dma_wait3A_552 : memref<1x32x128xf32, #tpu.memory_space<vmem>> -> memref<32x128xf32, #tpu.memory_space<vmem>>
        %dma_wait3A_554 = arith.constant 0 : i32
        %dma_wait3A_555 = tpu.memref_slice %arg4[%select_n3A_502, %dma_wait3A_554, %mul3A_507] : memref<200x32x4096xf32, #tpu.memory_space<hbm>> -> memref<1x32x128xf32, #tpu.memory_space<hbm>>
        %dma_wait3A_556 = tpu.memref_squeeze %dma_wait3A_555 : memref<1x32x128xf32, #tpu.memory_space<hbm>> -> memref<32x128xf32, #tpu.memory_space<hbm>>
        %dma_wait3A_557 = arith.constant 0 : i32
        %dma_wait3A_558 = tpu.memref_slice %arg4[%select_n3A_502, %dma_wait3A_557, %mul3A_507] : memref<200x32x4096xf32, #tpu.memory_space<hbm>> -> memref<1x32x128xf32, #tpu.memory_space<hbm>>
        %dma_wait3A_559 = tpu.memref_squeeze %dma_wait3A_558 : memref<1x32x128xf32, #tpu.memory_space<hbm>> -> memref<32x128xf32, #tpu.memory_space<hbm>>
        %dma_wait3A_560 = arith.constant 0 : i32
        %dma_wait3A_561 = arith.constant 0 : i32
        %dma_wait3A_562 = tpu.memref_slice %arg7[%dma_wait3A_549, %dma_wait3A_560, %dma_wait3A_561] : memref<4x32x128xf32, #tpu.memory_space<vmem>> -> memref<1x32x128xf32, #tpu.memory_space<vmem>>
        %dma_wait3A_563 = tpu.memref_squeeze %dma_wait3A_562 : memref<1x32x128xf32, #tpu.memory_space<vmem>> -> memref<32x128xf32, #tpu.memory_space<vmem>>
        tpu.wait_dma2 semaphore(%arg15 : memref<!tpu.dma_semaphore, #tpu.memory_space<semaphore_mem>>) src(%dma_wait3A_563 : memref<32x128xf32, #tpu.memory_space<vmem>>) dst(%dma_wait3A_559 : memref<32x128xf32, #tpu.memory_space<hbm>>)
      } else {
      }
      %parallel_loop3A_524 = arith.constant 0 : i32
      %parallel_loop3A_525 = arith.constant 32 : i32
      %parallel_loop3A_526 = arith.constant 1 : i32
      scf.for %parallel_loop3A_549 = %parallel_loop3A_524 to %parallel_loop3A_525 step %parallel_loop3A_526  : i32 {
        %parallel_loop3A_550 = vector.broadcast %parallel_loop3A_549 : i32 to vector<16xi32>
        %parallel_loop3A_551 = arith.constant 3 : i32
        %parallel_loop3A_552 = arith.constant 0 : i32
        %parallel_loop3A_553 = arith.constant 0 : i32
        %parallel_loop3A_554 = tpu.memref_slice %arg6[%parallel_loop3A_551, %parallel_loop3A_552, %parallel_loop3A_553] : memref<4x128x32xf32, #tpu.memory_space<vmem>> -> memref<1x128x32xf32, #tpu.memory_space<vmem>>
        %parallel_loop3A_555 = tpu.memref_squeeze %parallel_loop3A_554 : memref<1x128x32xf32, #tpu.memory_space<vmem>> -> memref<128x32xf32, #tpu.memory_space<vmem>>
        %parallel_loop3A_556 = tpu.vector_load_idx %parallel_loop3A_555[%add3A_52, %parallel_loop3A_550] : memref<128x32xf32, #tpu.memory_space<vmem>>[vector<16xi32>, vector<16xi32>], vector<16xf32>,
        %parallel_loop3A_557 = arith.constant 3 : i32
        %parallel_loop3A_558 = arith.index_cast %parallel_loop3A_557 : i32 to index
        %parallel_loop3A_559 = arith.index_cast %parallel_loop3A_549 : i32 to index
        %parallel_loop3A_560 = arith.constant 0 : index
        %parallel_loop3A_561 = tpu.vector_load %arg7[%parallel_loop3A_558, %parallel_loop3A_559, %parallel_loop3A_560] {strides = array<i32>} : memref<4x32x128xf32, #tpu.memory_space<vmem>>, vector<16xf32>,
        tpu.vector_store %arg7[%parallel_loop3A_558, %parallel_loop3A_559, %parallel_loop3A_560], %parallel_loop3A_556 {strides = array<i32>} : memref<4x32x128xf32, #tpu.memory_space<vmem>>, vector<16xf32>,
        %parallel_loop3A_562 = arith.constant 3 : i32
        %parallel_loop3A_563 = arith.constant 0 : i32
        %parallel_loop3A_564 = arith.constant 0 : i32
        %parallel_loop3A_565 = tpu.memref_slice %arg6[%parallel_loop3A_562, %parallel_loop3A_563, %parallel_loop3A_564] : memref<4x128x32xf32, #tpu.memory_space<vmem>> -> memref<1x128x32xf32, #tpu.memory_space<vmem>>
        %parallel_loop3A_566 = tpu.memref_squeeze %parallel_loop3A_565 : memref<1x128x32xf32, #tpu.memory_space<vmem>> -> memref<128x32xf32, #tpu.memory_space<vmem>>
        %parallel_loop3A_567 = tpu.vector_load_idx %parallel_loop3A_566[%add3A_55, %parallel_loop3A_550] : memref<128x32xf32, #tpu.memory_space<vmem>>[vector<16xi32>, vector<16xi32>], vector<16xf32>,
        %parallel_loop3A_568 = arith.constant 3 : i32
        %parallel_loop3A_569 = arith.index_cast %parallel_loop3A_568 : i32 to index
        %parallel_loop3A_570 = arith.index_cast %parallel_loop3A_549 : i32 to index
        %parallel_loop3A_571 = arith.constant 16 : index
        %parallel_loop3A_572 = tpu.vector_load %arg7[%parallel_loop3A_569, %parallel_loop3A_570, %parallel_loop3A_571] {strides = array<i32>} : memref<4x32x128xf32, #tpu.memory_space<vmem>>, vector<16xf32>,
        tpu.vector_store %arg7[%parallel_loop3A_569, %parallel_loop3A_570, %parallel_loop3A_571], %parallel_loop3A_567 {strides = array<i32>} : memref<4x32x128xf32, #tpu.memory_space<vmem>>, vector<16xf32>,
        %parallel_loop3A_573 = arith.constant 3 : i32
        %parallel_loop3A_574 = arith.constant 0 : i32
        %parallel_loop3A_575 = arith.constant 0 : i32
        %parallel_loop3A_576 = tpu.memref_slice %arg6[%parallel_loop3A_573, %parallel_loop3A_574, %parallel_loop3A_575] : memref<4x128x32xf32, #tpu.memory_space<vmem>> -> memref<1x128x32xf32, #tpu.memory_space<vmem>>
        %parallel_loop3A_577 = tpu.memref_squeeze %parallel_loop3A_576 : memref<1x128x32xf32, #tpu.memory_space<vmem>> -> memref<128x32xf32, #tpu.memory_space<vmem>>
        %parallel_loop3A_578 = tpu.vector_load_idx %parallel_loop3A_577[%add3A_58, %parallel_loop3A_550] : memref<128x32xf32, #tpu.memory_space<vmem>>[vector<16xi32>, vector<16xi32>], vector<16xf32>,
        %parallel_loop3A_579 = arith.constant 3 : i32
        %parallel_loop3A_580 = arith.index_cast %parallel_loop3A_579 : i32 to index
        %parallel_loop3A_581 = arith.index_cast %parallel_loop3A_549 : i32 to index
        %parallel_loop3A_582 = arith.constant 32 : index
        %parallel_loop3A_583 = tpu.vector_load %arg7[%parallel_loop3A_580, %parallel_loop3A_581, %parallel_loop3A_582] {strides = array<i32>} : memref<4x32x128xf32, #tpu.memory_space<vmem>>, vector<16xf32>,
        tpu.vector_store %arg7[%parallel_loop3A_580, %parallel_loop3A_581, %parallel_loop3A_582], %parallel_loop3A_578 {strides = array<i32>} : memref<4x32x128xf32, #tpu.memory_space<vmem>>, vector<16xf32>,
        %parallel_loop3A_584 = arith.constant 3 : i32
        %parallel_loop3A_585 = arith.constant 0 : i32
        %parallel_loop3A_586 = arith.constant 0 : i32
        %parallel_loop3A_587 = tpu.memref_slice %arg6[%parallel_loop3A_584, %parallel_loop3A_585, %parallel_loop3A_586] : memref<4x128x32xf32, #tpu.memory_space<vmem>> -> memref<1x128x32xf32, #tpu.memory_space<vmem>>
        %parallel_loop3A_588 = tpu.memref_squeeze %parallel_loop3A_587 : memref<1x128x32xf32, #tpu.memory_space<vmem>> -> memref<128x32xf32, #tpu.memory_space<vmem>>
        %parallel_loop3A_589 = tpu.vector_load_idx %parallel_loop3A_588[%add3A_61, %parallel_loop3A_550] : memref<128x32xf32, #tpu.memory_space<vmem>>[vector<16xi32>, vector<16xi32>], vector<16xf32>,
        %parallel_loop3A_590 = arith.constant 3 : i32
        %parallel_loop3A_591 = arith.index_cast %parallel_loop3A_590 : i32 to index
        %parallel_loop3A_592 = arith.index_cast %parallel_loop3A_549 : i32 to index
        %parallel_loop3A_593 = arith.constant 48 : index
        %parallel_loop3A_594 = tpu.vector_load %arg7[%parallel_loop3A_591, %parallel_loop3A_592, %parallel_loop3A_593] {strides = array<i32>} : memref<4x32x128xf32, #tpu.memory_space<vmem>>, vector<16xf32>,
        tpu.vector_store %arg7[%parallel_loop3A_591, %parallel_loop3A_592, %parallel_loop3A_593], %parallel_loop3A_589 {strides = array<i32>} : memref<4x32x128xf32, #tpu.memory_space<vmem>>, vector<16xf32>,
        %parallel_loop3A_595 = arith.constant 3 : i32
        %parallel_loop3A_596 = arith.constant 0 : i32
        %parallel_loop3A_597 = arith.constant 0 : i32
        %parallel_loop3A_598 = tpu.memref_slice %arg6[%parallel_loop3A_595, %parallel_loop3A_596, %parallel_loop3A_597] : memref<4x128x32xf32, #tpu.memory_space<vmem>> -> memref<1x128x32xf32, #tpu.memory_space<vmem>>
        %parallel_loop3A_599 = tpu.memref_squeeze %parallel_loop3A_598 : memref<1x128x32xf32, #tpu.memory_space<vmem>> -> memref<128x32xf32, #tpu.memory_space<vmem>>
        %parallel_loop3A_600 = tpu.vector_load_idx %parallel_loop3A_599[%add3A_64, %parallel_loop3A_550] : memref<128x32xf32, #tpu.memory_space<vmem>>[vector<16xi32>, vector<16xi32>], vector<16xf32>,
        %parallel_loop3A_601 = arith.constant 3 : i32
        %parallel_loop3A_602 = arith.index_cast %parallel_loop3A_601 : i32 to index
        %parallel_loop3A_603 = arith.index_cast %parallel_loop3A_549 : i32 to index
        %parallel_loop3A_604 = arith.constant 64 : index
        %parallel_loop3A_605 = tpu.vector_load %arg7[%parallel_loop3A_602, %parallel_loop3A_603, %parallel_loop3A_604] {strides = array<i32>} : memref<4x32x128xf32, #tpu.memory_space<vmem>>, vector<16xf32>,
        tpu.vector_store %arg7[%parallel_loop3A_602, %parallel_loop3A_603, %parallel_loop3A_604], %parallel_loop3A_600 {strides = array<i32>} : memref<4x32x128xf32, #tpu.memory_space<vmem>>, vector<16xf32>,
        %parallel_loop3A_606 = arith.constant 3 : i32
        %parallel_loop3A_607 = arith.constant 0 : i32
        %parallel_loop3A_608 = arith.constant 0 : i32
        %parallel_loop3A_609 = tpu.memref_slice %arg6[%parallel_loop3A_606, %parallel_loop3A_607, %parallel_loop3A_608] : memref<4x128x32xf32, #tpu.memory_space<vmem>> -> memref<1x128x32xf32, #tpu.memory_space<vmem>>
        %parallel_loop3A_610 = tpu.memref_squeeze %parallel_loop3A_609 : memref<1x128x32xf32, #tpu.memory_space<vmem>> -> memref<128x32xf32, #tpu.memory_space<vmem>>
        %parallel_loop3A_611 = tpu.vector_load_idx %parallel_loop3A_610[%add3A_67, %parallel_loop3A_550] : memref<128x32xf32, #tpu.memory_space<vmem>>[vector<16xi32>, vector<16xi32>], vector<16xf32>,
        %parallel_loop3A_612 = arith.constant 3 : i32
        %parallel_loop3A_613 = arith.index_cast %parallel_loop3A_612 : i32 to index
        %parallel_loop3A_614 = arith.index_cast %parallel_loop3A_549 : i32 to index
        %parallel_loop3A_615 = arith.constant 80 : index
        %parallel_loop3A_616 = tpu.vector_load %arg7[%parallel_loop3A_613, %parallel_loop3A_614, %parallel_loop3A_615] {strides = array<i32>} : memref<4x32x128xf32, #tpu.memory_space<vmem>>, vector<16xf32>,
        tpu.vector_store %arg7[%parallel_loop3A_613, %parallel_loop3A_614, %parallel_loop3A_615], %parallel_loop3A_611 {strides = array<i32>} : memref<4x32x128xf32, #tpu.memory_space<vmem>>, vector<16xf32>,
        %parallel_loop3A_617 = arith.constant 3 : i32
        %parallel_loop3A_618 = arith.constant 0 : i32
        %parallel_loop3A_619 = arith.constant 0 : i32
        %parallel_loop3A_620 = tpu.memref_slice %arg6[%parallel_loop3A_617, %parallel_loop3A_618, %parallel_loop3A_619] : memref<4x128x32xf32, #tpu.memory_space<vmem>> -> memref<1x128x32xf32, #tpu.memory_space<vmem>>
        %parallel_loop3A_621 = tpu.memref_squeeze %parallel_loop3A_620 : memref<1x128x32xf32, #tpu.memory_space<vmem>> -> memref<128x32xf32, #tpu.memory_space<vmem>>
        %parallel_loop3A_622 = tpu.vector_load_idx %parallel_loop3A_621[%add3A_70, %parallel_loop3A_550] : memref<128x32xf32, #tpu.memory_space<vmem>>[vector<16xi32>, vector<16xi32>], vector<16xf32>,
        %parallel_loop3A_623 = arith.constant 3 : i32
        %parallel_loop3A_624 = arith.index_cast %parallel_loop3A_623 : i32 to index
        %parallel_loop3A_625 = arith.index_cast %parallel_loop3A_549 : i32 to index
        %parallel_loop3A_626 = arith.constant 96 : index
        %parallel_loop3A_627 = tpu.vector_load %arg7[%parallel_loop3A_624, %parallel_loop3A_625, %parallel_loop3A_626] {strides = array<i32>} : memref<4x32x128xf32, #tpu.memory_space<vmem>>, vector<16xf32>,
        tpu.vector_store %arg7[%parallel_loop3A_624, %parallel_loop3A_625, %parallel_loop3A_626], %parallel_loop3A_622 {strides = array<i32>} : memref<4x32x128xf32, #tpu.memory_space<vmem>>, vector<16xf32>,
        %parallel_loop3A_628 = arith.constant 3 : i32
        %parallel_loop3A_629 = arith.constant 0 : i32
        %parallel_loop3A_630 = arith.constant 0 : i32
        %parallel_loop3A_631 = tpu.memref_slice %arg6[%parallel_loop3A_628, %parallel_loop3A_629, %parallel_loop3A_630] : memref<4x128x32xf32, #tpu.memory_space<vmem>> -> memref<1x128x32xf32, #tpu.memory_space<vmem>>
        %parallel_loop3A_632 = tpu.memref_squeeze %parallel_loop3A_631 : memref<1x128x32xf32, #tpu.memory_space<vmem>> -> memref<128x32xf32, #tpu.memory_space<vmem>>
        %parallel_loop3A_633 = tpu.vector_load_idx %parallel_loop3A_632[%add3A_73, %parallel_loop3A_550] : memref<128x32xf32, #tpu.memory_space<vmem>>[vector<16xi32>, vector<16xi32>], vector<16xf32>,
        %parallel_loop3A_634 = arith.constant 3 : i32
        %parallel_loop3A_635 = arith.index_cast %parallel_loop3A_634 : i32 to index
        %parallel_loop3A_636 = arith.index_cast %parallel_loop3A_549 : i32 to index
        %parallel_loop3A_637 = arith.constant 112 : index
        %parallel_loop3A_638 = tpu.vector_load %arg7[%parallel_loop3A_635, %parallel_loop3A_636, %parallel_loop3A_637] {strides = array<i32>} : memref<4x32x128xf32, #tpu.memory_space<vmem>>, vector<16xf32>,
        tpu.vector_store %arg7[%parallel_loop3A_635, %parallel_loop3A_636, %parallel_loop3A_637], %parallel_loop3A_633 {strides = array<i32>} : memref<4x32x128xf32, #tpu.memory_space<vmem>>, vector<16xf32>,
      } {sc.loop_unroll_factor = 8 : i64, sc.parallel_access}
      %dma_start3A_527 = arith.constant 3 : i32
      %dma_start3A_528 = arith.constant 0 : i32
      %dma_start3A_529 = arith.constant 0 : i32
      %dma_start3A_530 = tpu.memref_slice %arg7[%dma_start3A_527, %dma_start3A_528, %dma_start3A_529] : memref<4x32x128xf32, #tpu.memory_space<vmem>> -> memref<1x32x128xf32, #tpu.memory_space<vmem>>
      %dma_start3A_531 = tpu.memref_squeeze %dma_start3A_530 : memref<1x32x128xf32, #tpu.memory_space<vmem>> -> memref<32x128xf32, #tpu.memory_space<vmem>>
      %dma_start3A_532 = arith.constant 0 : i32
      %dma_start3A_533 = tpu.memref_slice %arg4[%select_n3A_502, %dma_start3A_532, %mul3A_507] : memref<200x32x4096xf32, #tpu.memory_space<hbm>> -> memref<1x32x128xf32, #tpu.memory_space<hbm>>
      %dma_start3A_534 = tpu.memref_squeeze %dma_start3A_533 : memref<1x32x128xf32, #tpu.memory_space<hbm>> -> memref<32x128xf32, #tpu.memory_space<hbm>>
      %dma_start3A_535 = arith.constant 0 : i32
      %dma_start3A_536 = tpu.memref_slice %arg4[%select_n3A_502, %dma_start3A_535, %mul3A_507] : memref<200x32x4096xf32, #tpu.memory_space<hbm>> -> memref<1x32x128xf32, #tpu.memory_space<hbm>>
      %dma_start3A_537 = tpu.memref_squeeze %dma_start3A_536 : memref<1x32x128xf32, #tpu.memory_space<hbm>> -> memref<32x128xf32, #tpu.memory_space<hbm>>
      %dma_start3A_538 = arith.constant 0 : i32
      %dma_start3A_539 = arith.constant 0 : i32
      %dma_start3A_540 = tpu.memref_slice %arg7[%dma_start3A_527, %dma_start3A_538, %dma_start3A_539] : memref<4x32x128xf32, #tpu.memory_space<vmem>> -> memref<1x32x128xf32, #tpu.memory_space<vmem>>
      %dma_start3A_541 = tpu.memref_squeeze %dma_start3A_540 : memref<1x32x128xf32, #tpu.memory_space<vmem>> -> memref<32x128xf32, #tpu.memory_space<vmem>>
      tpu.enqueue_dma source(%dma_start3A_541 : memref<32x128xf32, #tpu.memory_space<vmem>>) target(%dma_start3A_537 : memref<32x128xf32, #tpu.memory_space<hbm>>) target_semaphore(%arg15 : memref<!tpu.dma_semaphore, #tpu.memory_space<semaphore_mem>>)
      %add3A_542 = arith.constant 4 : i32
      %add3A_543 = arith.addi %add3A_477, %add3A_542 : i32
      %lt3A_544 = arith.constant 200 : i32
      %lt3A_545 = arith.cmpi slt, %add3A_543, %lt3A_544 : i32
      %convert_element_type3A_546 = arith.extui %lt3A_545 : i1 to i32
      %cond3A_547 = arith.constant 0 : i32
      %cond3A_548 = arith.cmpi ne, %convert_element_type3A_546, %cond3A_547 : i32
      scf.if %cond3A_548 {
        %dma_start3A_549 = arith.constant 3 : i32
        %dma_start3A_550 = arith.constant 0 : i32
        %dma_start3A_551 = arith.constant 0 : i32
        %dma_start3A_552 = tpu.memref_slice %arg6[%dma_start3A_549, %dma_start3A_550, %dma_start3A_551] : memref<4x128x32xf32, #tpu.memory_space<vmem>> -> memref<1x128x32xf32, #tpu.memory_space<vmem>>
        %dma_start3A_553 = tpu.memref_squeeze %dma_start3A_552 : memref<1x128x32xf32, #tpu.memory_space<vmem>> -> memref<128x32xf32, #tpu.memory_space<vmem>>
        %dma_start3A_554 = arith.constant 0 : i32
        %dma_start3A_555 = tpu.memref_slice %arg5[%add3A_543, %dma_start3A_554] : memref<200x128xi32, #tpu.memory_space<vmem>> -> memref<1x128xi32, #tpu.memory_space<vmem>>
        %dma_start3A_556 = tpu.memref_squeeze %dma_start3A_555 : memref<1x128xi32, #tpu.memory_space<vmem>> -> memref<128xi32, #tpu.memory_space<vmem>>
        %dma_start3A_557 = arith.constant 0 : i32
        %dma_start3A_558 = arith.constant 0 : i32
        %dma_start3A_559 = tpu.memref_slice %arg3[%dma_start3A_557, %dma_start3A_558] : memref<1000000x32xf32, #tpu.memory_space<hbm>> -> memref<1000000x32xf32, #tpu.memory_space<hbm>>
        tpu.enqueue_indirect_dma source(%dma_start3A_559 : memref<1000000x32xf32, #tpu.memory_space<hbm>>) target(%dma_start3A_553 : memref<128x32xf32, #tpu.memory_space<vmem>>) offsets(%dma_start3A_556 : memref<128xi32, #tpu.memory_space<vmem>>) semaphore(%arg11 : memref<!tpu.dma_semaphore, #tpu.memory_space<semaphore_mem>>)
      } else {
      }
    }
    %scan3A_77 = arith.constant 50 : i32
    %add3A_78 = arith.constant 196 : i32
    %add3A_79 = arith.addi %mul3A_2, %add3A_78 : i32
    %jit3A = arith.constant 32 : i32
    %div3A = arith.divsi %add3A_79, %jit3A : i32
    %sign3A = arith.constant 0 : i32
    %sign3A_80 = arith.cmpi sgt, %add3A_79, %sign3A : i32
    %sign3A_81 = arith.extui %sign3A_80 : i1 to i32
    %sign3A_82 = arith.constant 0 : i32
    %sign3A_83 = arith.cmpi slt, %add3A_79, %sign3A_82 : i32
    %sign3A_84 = arith.extui %sign3A_83 : i1 to i32
    %sign3A_85 = arith.subi %sign3A_81, %sign3A_84 : i32
    %sign3A_86 = arith.constant 0 : i32
    %sign3A_87 = arith.cmpi sgt, %jit3A, %sign3A_86 : i32
    %sign3A_88 = arith.extui %sign3A_87 : i1 to i32
    %sign3A_89 = arith.constant 0 : i32
    %sign3A_90 = arith.cmpi slt, %jit3A, %sign3A_89 : i32
    %sign3A_91 = arith.extui %sign3A_90 : i1 to i32
    %sign3A_92 = arith.subi %sign3A_88, %sign3A_91 : i32
    %ne3A = arith.cmpi ne, %sign3A_85, %sign3A_92 : i32
    %rem3A = arith.remsi %add3A_79, %jit3A : i32
    %ne3A_93 = arith.constant 0 : i32
    %ne3A_94 = arith.cmpi ne, %rem3A, %ne3A_93 : i32
    %and3A = arith.andi %ne3A, %ne3A_94 : i1
    %sub3A = arith.constant 1 : i32
    %sub3A_95 = arith.subi %div3A, %sub3A : i32
    %select_n3A = arith.select %and3A, %sub3A_95, %div3A : i32
    %mul3A_96 = arith.constant 32 : i32
    %mul3A_97 = arith.muli %select_n3A, %mul3A_96 : i32
    %sub3A_98 = arith.subi %add3A_79, %mul3A_97 : i32
    %mul3A_99 = arith.constant 128 : i32
    %mul3A_100 = arith.muli %sub3A_98, %mul3A_99 : i32
    %dma_wait3A = arith.constant 0 : i32
    %dma_wait3A_101 = arith.constant 0 : i32
    %dma_wait3A_102 = arith.constant 0 : i32
    %dma_wait3A_103 = tpu.memref_slice %arg7[%dma_wait3A, %dma_wait3A_101, %dma_wait3A_102] : memref<4x32x128xf32, #tpu.memory_space<vmem>> -> memref<1x32x128xf32, #tpu.memory_space<vmem>>
    %dma_wait3A_104 = tpu.memref_squeeze %dma_wait3A_103 : memref<1x32x128xf32, #tpu.memory_space<vmem>> -> memref<32x128xf32, #tpu.memory_space<vmem>>
    %dma_wait3A_105 = arith.constant 0 : i32
    %dma_wait3A_106 = tpu.memref_slice %arg4[%select_n3A, %dma_wait3A_105, %mul3A_100] : memref<200x32x4096xf32, #tpu.memory_space<hbm>> -> memref<1x32x128xf32, #tpu.memory_space<hbm>>
    %dma_wait3A_107 = tpu.memref_squeeze %dma_wait3A_106 : memref<1x32x128xf32, #tpu.memory_space<hbm>> -> memref<32x128xf32, #tpu.memory_space<hbm>>
    %dma_wait3A_108 = arith.constant 0 : i32
    %dma_wait3A_109 = tpu.memref_slice %arg4[%select_n3A, %dma_wait3A_108, %mul3A_100] : memref<200x32x4096xf32, #tpu.memory_space<hbm>> -> memref<1x32x128xf32, #tpu.memory_space<hbm>>
    %dma_wait3A_110 = tpu.memref_squeeze %dma_wait3A_109 : memref<1x32x128xf32, #tpu.memory_space<hbm>> -> memref<32x128xf32, #tpu.memory_space<hbm>>
    %dma_wait3A_111 = arith.constant 0 : i32
    %dma_wait3A_112 = arith.constant 0 : i32
    %dma_wait3A_113 = tpu.memref_slice %arg7[%dma_wait3A, %dma_wait3A_111, %dma_wait3A_112] : memref<4x32x128xf32, #tpu.memory_space<vmem>> -> memref<1x32x128xf32, #tpu.memory_space<vmem>>
    %dma_wait3A_114 = tpu.memref_squeeze %dma_wait3A_113 : memref<1x32x128xf32, #tpu.memory_space<vmem>> -> memref<32x128xf32, #tpu.memory_space<vmem>>
    tpu.wait_dma2 semaphore(%arg12 : memref<!tpu.dma_semaphore, #tpu.memory_space<semaphore_mem>>) src(%dma_wait3A_114 : memref<32x128xf32, #tpu.memory_space<vmem>>) dst(%dma_wait3A_110 : memref<32x128xf32, #tpu.memory_space<hbm>>)
    %add3A_115 = arith.constant 197 : i32
    %add3A_116 = arith.addi %mul3A_2, %add3A_115 : i32
    %jit3A_117 = arith.constant 32 : i32
    %div3A_118 = arith.divsi %add3A_116, %jit3A_117 : i32
    %sign3A_119 = arith.constant 0 : i32
    %sign3A_120 = arith.cmpi sgt, %add3A_116, %sign3A_119 : i32
    %sign3A_121 = arith.extui %sign3A_120 : i1 to i32
    %sign3A_122 = arith.constant 0 : i32
    %sign3A_123 = arith.cmpi slt, %add3A_116, %sign3A_122 : i32
    %sign3A_124 = arith.extui %sign3A_123 : i1 to i32
    %sign3A_125 = arith.subi %sign3A_121, %sign3A_124 : i32
    %sign3A_126 = arith.constant 0 : i32
    %sign3A_127 = arith.cmpi sgt, %jit3A_117, %sign3A_126 : i32
    %sign3A_128 = arith.extui %sign3A_127 : i1 to i32
    %sign3A_129 = arith.constant 0 : i32
    %sign3A_130 = arith.cmpi slt, %jit3A_117, %sign3A_129 : i32
    %sign3A_131 = arith.extui %sign3A_130 : i1 to i32
    %sign3A_132 = arith.subi %sign3A_128, %sign3A_131 : i32
    %ne3A_133 = arith.cmpi ne, %sign3A_125, %sign3A_132 : i32
    %rem3A_134 = arith.remsi %add3A_116, %jit3A_117 : i32
    %ne3A_135 = arith.constant 0 : i32
    %ne3A_136 = arith.cmpi ne, %rem3A_134, %ne3A_135 : i32
    %and3A_137 = arith.andi %ne3A_133, %ne3A_136 : i1
    %sub3A_138 = arith.constant 1 : i32
    %sub3A_139 = arith.subi %div3A_118, %sub3A_138 : i32
    %select_n3A_140 = arith.select %and3A_137, %sub3A_139, %div3A_118 : i32
    %mul3A_141 = arith.constant 32 : i32
    %mul3A_142 = arith.muli %select_n3A_140, %mul3A_141 : i32
    %sub3A_143 = arith.subi %add3A_116, %mul3A_142 : i32
    %mul3A_144 = arith.constant 128 : i32
    %mul3A_145 = arith.muli %sub3A_143, %mul3A_144 : i32
    %dma_wait3A_146 = arith.constant 1 : i32
    %dma_wait3A_147 = arith.constant 0 : i32
    %dma_wait3A_148 = arith.constant 0 : i32
    %dma_wait3A_149 = tpu.memref_slice %arg7[%dma_wait3A_146, %dma_wait3A_147, %dma_wait3A_148] : memref<4x32x128xf32, #tpu.memory_space<vmem>> -> memref<1x32x128xf32, #tpu.memory_space<vmem>>
    %dma_wait3A_150 = tpu.memref_squeeze %dma_wait3A_149 : memref<1x32x128xf32, #tpu.memory_space<vmem>> -> memref<32x128xf32, #tpu.memory_space<vmem>>
    %dma_wait3A_151 = arith.constant 0 : i32
    %dma_wait3A_152 = tpu.memref_slice %arg4[%select_n3A_140, %dma_wait3A_151, %mul3A_145] : memref<200x32x4096xf32, #tpu.memory_space<hbm>> -> memref<1x32x128xf32, #tpu.memory_space<hbm>>
    %dma_wait3A_153 = tpu.memref_squeeze %dma_wait3A_152 : memref<1x32x128xf32, #tpu.memory_space<hbm>> -> memref<32x128xf32, #tpu.memory_space<hbm>>
    %dma_wait3A_154 = arith.constant 0 : i32
    %dma_wait3A_155 = tpu.memref_slice %arg4[%select_n3A_140, %dma_wait3A_154, %mul3A_145] : memref<200x32x4096xf32, #tpu.memory_space<hbm>> -> memref<1x32x128xf32, #tpu.memory_space<hbm>>
    %dma_wait3A_156 = tpu.memref_squeeze %dma_wait3A_155 : memref<1x32x128xf32, #tpu.memory_space<hbm>> -> memref<32x128xf32, #tpu.memory_space<hbm>>
    %dma_wait3A_157 = arith.constant 0 : i32
    %dma_wait3A_158 = arith.constant 0 : i32
    %dma_wait3A_159 = tpu.memref_slice %arg7[%dma_wait3A_146, %dma_wait3A_157, %dma_wait3A_158] : memref<4x32x128xf32, #tpu.memory_space<vmem>> -> memref<1x32x128xf32, #tpu.memory_space<vmem>>
    %dma_wait3A_160 = tpu.memref_squeeze %dma_wait3A_159 : memref<1x32x128xf32, #tpu.memory_space<vmem>> -> memref<32x128xf32, #tpu.memory_space<vmem>>
    tpu.wait_dma2 semaphore(%arg13 : memref<!tpu.dma_semaphore, #tpu.memory_space<semaphore_mem>>) src(%dma_wait3A_160 : memref<32x128xf32, #tpu.memory_space<vmem>>) dst(%dma_wait3A_156 : memref<32x128xf32, #tpu.memory_space<hbm>>)
    %add3A_161 = arith.constant 198 : i32
    %add3A_162 = arith.addi %mul3A_2, %add3A_161 : i32
    %jit3A_163 = arith.constant 32 : i32
    %div3A_164 = arith.divsi %add3A_162, %jit3A_163 : i32
    %sign3A_165 = arith.constant 0 : i32
    %sign3A_166 = arith.cmpi sgt, %add3A_162, %sign3A_165 : i32
    %sign3A_167 = arith.extui %sign3A_166 : i1 to i32
    %sign3A_168 = arith.constant 0 : i32
    %sign3A_169 = arith.cmpi slt, %add3A_162, %sign3A_168 : i32
    %sign3A_170 = arith.extui %sign3A_169 : i1 to i32
    %sign3A_171 = arith.subi %sign3A_167, %sign3A_170 : i32
    %sign3A_172 = arith.constant 0 : i32
    %sign3A_173 = arith.cmpi sgt, %jit3A_163, %sign3A_172 : i32
    %sign3A_174 = arith.extui %sign3A_173 : i1 to i32
    %sign3A_175 = arith.constant 0 : i32
    %sign3A_176 = arith.cmpi slt, %jit3A_163, %sign3A_175 : i32
    %sign3A_177 = arith.extui %sign3A_176 : i1 to i32
    %sign3A_178 = arith.subi %sign3A_174, %sign3A_177 : i32
    %ne3A_179 = arith.cmpi ne, %sign3A_171, %sign3A_178 : i32
    %rem3A_180 = arith.remsi %add3A_162, %jit3A_163 : i32
    %ne3A_181 = arith.constant 0 : i32
    %ne3A_182 = arith.cmpi ne, %rem3A_180, %ne3A_181 : i32
    %and3A_183 = arith.andi %ne3A_179, %ne3A_182 : i1
    %sub3A_184 = arith.constant 1 : i32
    %sub3A_185 = arith.subi %div3A_164, %sub3A_184 : i32
    %select_n3A_186 = arith.select %and3A_183, %sub3A_185, %div3A_164 : i32
    %mul3A_187 = arith.constant 32 : i32
    %mul3A_188 = arith.muli %select_n3A_186, %mul3A_187 : i32
    %sub3A_189 = arith.subi %add3A_162, %mul3A_188 : i32
    %mul3A_190 = arith.constant 128 : i32
    %mul3A_191 = arith.muli %sub3A_189, %mul3A_190 : i32
    %dma_wait3A_192 = arith.constant 2 : i32
    %dma_wait3A_193 = arith.constant 0 : i32
    %dma_wait3A_194 = arith.constant 0 : i32
    %dma_wait3A_195 = tpu.memref_slice %arg7[%dma_wait3A_192, %dma_wait3A_193, %dma_wait3A_194] : memref<4x32x128xf32, #tpu.memory_space<vmem>> -> memref<1x32x128xf32, #tpu.memory_space<vmem>>
    %dma_wait3A_196 = tpu.memref_squeeze %dma_wait3A_195 : memref<1x32x128xf32, #tpu.memory_space<vmem>> -> memref<32x128xf32, #tpu.memory_space<vmem>>
    %dma_wait3A_197 = arith.constant 0 : i32
    %dma_wait3A_198 = tpu.memref_slice %arg4[%select_n3A_186, %dma_wait3A_197, %mul3A_191] : memref<200x32x4096xf32, #tpu.memory_space<hbm>> -> memref<1x32x128xf32, #tpu.memory_space<hbm>>
    %dma_wait3A_199 = tpu.memref_squeeze %dma_wait3A_198 : memref<1x32x128xf32, #tpu.memory_space<hbm>> -> memref<32x128xf32, #tpu.memory_space<hbm>>
    %dma_wait3A_200 = arith.constant 0 : i32
    %dma_wait3A_201 = tpu.memref_slice %arg4[%select_n3A_186, %dma_wait3A_200, %mul3A_191] : memref<200x32x4096xf32, #tpu.memory_space<hbm>> -> memref<1x32x128xf32, #tpu.memory_space<hbm>>
    %dma_wait3A_202 = tpu.memref_squeeze %dma_wait3A_201 : memref<1x32x128xf32, #tpu.memory_space<hbm>> -> memref<32x128xf32, #tpu.memory_space<hbm>>
    %dma_wait3A_203 = arith.constant 0 : i32
    %dma_wait3A_204 = arith.constant 0 : i32
    %dma_wait3A_205 = tpu.memref_slice %arg7[%dma_wait3A_192, %dma_wait3A_203, %dma_wait3A_204] : memref<4x32x128xf32, #tpu.memory_space<vmem>> -> memref<1x32x128xf32, #tpu.memory_space<vmem>>
    %dma_wait3A_206 = tpu.memref_squeeze %dma_wait3A_205 : memref<1x32x128xf32, #tpu.memory_space<vmem>> -> memref<32x128xf32, #tpu.memory_space<vmem>>
    tpu.wait_dma2 semaphore(%arg14 : memref<!tpu.dma_semaphore, #tpu.memory_space<semaphore_mem>>) src(%dma_wait3A_206 : memref<32x128xf32, #tpu.memory_space<vmem>>) dst(%dma_wait3A_202 : memref<32x128xf32, #tpu.memory_space<hbm>>)
    %add3A_207 = arith.constant 199 : i32
    %add3A_208 = arith.addi %mul3A_2, %add3A_207 : i32
    %jit3A_209 = arith.constant 32 : i32
    %div3A_210 = arith.divsi %add3A_208, %jit3A_209 : i32
    %sign3A_211 = arith.constant 0 : i32
    %sign3A_212 = arith.cmpi sgt, %add3A_208, %sign3A_211 : i32
    %sign3A_213 = arith.extui %sign3A_212 : i1 to i32
    %sign3A_214 = arith.constant 0 : i32
    %sign3A_215 = arith.cmpi slt, %add3A_208, %sign3A_214 : i32
    %sign3A_216 = arith.extui %sign3A_215 : i1 to i32
    %sign3A_217 = arith.subi %sign3A_213, %sign3A_216 : i32
    %sign3A_218 = arith.constant 0 : i32
    %sign3A_219 = arith.cmpi sgt, %jit3A_209, %sign3A_218 : i32
    %sign3A_220 = arith.extui %sign3A_219 : i1 to i32
    %sign3A_221 = arith.constant 0 : i32
    %sign3A_222 = arith.cmpi slt, %jit3A_209, %sign3A_221 : i32
    %sign3A_223 = arith.extui %sign3A_222 : i1 to i32
    %sign3A_224 = arith.subi %sign3A_220, %sign3A_223 : i32
    %ne3A_225 = arith.cmpi ne, %sign3A_217, %sign3A_224 : i32
    %rem3A_226 = arith.remsi %add3A_208, %jit3A_209 : i32
    %ne3A_227 = arith.constant 0 : i32
    %ne3A_228 = arith.cmpi ne, %rem3A_226, %ne3A_227 : i32
    %and3A_229 = arith.andi %ne3A_225, %ne3A_228 : i1
    %sub3A_230 = arith.constant 1 : i32
    %sub3A_231 = arith.subi %div3A_210, %sub3A_230 : i32
    %select_n3A_232 = arith.select %and3A_229, %sub3A_231, %div3A_210 : i32
    %mul3A_233 = arith.constant 32 : i32
    %mul3A_234 = arith.muli %select_n3A_232, %mul3A_233 : i32
    %sub3A_235 = arith.subi %add3A_208, %mul3A_234 : i32
    %mul3A_236 = arith.constant 128 : i32
    %mul3A_237 = arith.muli %sub3A_235, %mul3A_236 : i32
    %dma_wait3A_238 = arith.constant 3 : i32
    %dma_wait3A_239 = arith.constant 0 : i32
    %dma_wait3A_240 = arith.constant 0 : i32
    %dma_wait3A_241 = tpu.memref_slice %arg7[%dma_wait3A_238, %dma_wait3A_239, %dma_wait3A_240] : memref<4x32x128xf32, #tpu.memory_space<vmem>> -> memref<1x32x128xf32, #tpu.memory_space<vmem>>
    %dma_wait3A_242 = tpu.memref_squeeze %dma_wait3A_241 : memref<1x32x128xf32, #tpu.memory_space<vmem>> -> memref<32x128xf32, #tpu.memory_space<vmem>>
    %dma_wait3A_243 = arith.constant 0 : i32
    %dma_wait3A_244 = tpu.memref_slice %arg4[%select_n3A_232, %dma_wait3A_243, %mul3A_237] : memref<200x32x4096xf32, #tpu.memory_space<hbm>> -> memref<1x32x128xf32, #tpu.memory_space<hbm>>
    %dma_wait3A_245 = tpu.memref_squeeze %dma_wait3A_244 : memref<1x32x128xf32, #tpu.memory_space<hbm>> -> memref<32x128xf32, #tpu.memory_space<hbm>>
    %dma_wait3A_246 = arith.constant 0 : i32
    %dma_wait3A_247 = tpu.memref_slice %arg4[%select_n3A_232, %dma_wait3A_246, %mul3A_237] : memref<200x32x4096xf32, #tpu.memory_space<hbm>> -> memref<1x32x128xf32, #tpu.memory_space<hbm>>
    %dma_wait3A_248 = tpu.memref_squeeze %dma_wait3A_247 : memref<1x32x128xf32, #tpu.memory_space<hbm>> -> memref<32x128xf32, #tpu.memory_space<hbm>>
    %dma_wait3A_249 = arith.constant 0 : i32
    %dma_wait3A_250 = arith.constant 0 : i32
    %dma_wait3A_251 = tpu.memref_slice %arg7[%dma_wait3A_238, %dma_wait3A_249, %dma_wait3A_250] : memref<4x32x128xf32, #tpu.memory_space<vmem>> -> memref<1x32x128xf32, #tpu.memory_space<vmem>>
    %dma_wait3A_252 = tpu.memref_squeeze %dma_wait3A_251 : memref<1x32x128xf32, #tpu.memory_space<vmem>> -> memref<32x128xf32, #tpu.memory_space<vmem>>
    tpu.wait_dma2 semaphore(%arg15 : memref<!tpu.dma_semaphore, #tpu.memory_space<semaphore_mem>>) src(%dma_wait3A_252 : memref<32x128xf32, #tpu.memory_space<vmem>>) dst(%dma_wait3A_248 : memref<32x128xf32, #tpu.memory_space<hbm>>)
    return
  }
}

</mosaic_0001>

<sc_bundles>
// kernel: kernel.3.cloned.1.call-start
scs
__scs_entry_jumppad:
0x0: {  	(pc) =	sbr.rel $0x88, $3  }
0x1: {  	(tag) =	ssettag $0x0;
	lr =	simm.s32 $0x1  }
0x2: {  	[smem:$0x3F9F] =	sst lr;
	_ =	strace $0xD0000000  }
0x3: {  	_ = 	snop  }
0x4: {  	_ = 	snop  }
0x5: {  	_ = 	snop  }
0x6: {  	_ = 	snop  }
0x7: {  	_ = 	snop  }
__scs_overlays_trampoline_lowered:
0x8: {  	[smem:$0x3FAE] =	sst s0  }
0x9: {  	[smem:$0x3FAF] =	sst s1  }
0xa: {  	[smem:$0x3FB0] =	sst s2  }
0xb: {  	[smem:$0x3FB1] =	sst s3  }
0xc: {  	[smem:$0x3FB2] =	sst s4  }
0xd: {  	[smem:$0x3FB3] =	sst s5  }
0xe: {  	[smem:$0x3FB4] =	sst s6  }
0xf: {  	[smem:$0x3FB5] =	sst s7  }
0x10: {  	[smem:$0x3FB6] =	sst s8  }
0x11: {  	[smem:$0x3FB7] =	sst s9;
	s0 =	simm.s32 @!p0 $0x0  }
0x12: {  	s1 =	sld [smem:$0x3F9D];
	s0 =	simm.s32 @p0 $0x1  }
0x13: {  	[smem:$0x3FB8] =	sst s0;
	s0 =	simm.s32 @!p1 $0x0  }
0x14: {  	s2 =	sld [smem:$0x3F9C];
	s0 =	simm.s32 @p1 $0x1  }
0x15: {  	[smem:$0x3FB9] =	sst s0;
	s0 =	simm.s32 @!p2 $0x0  }
0x16: {  	s3 =	sld [smem:$0x3FDB];
	s0 =	simm.s32 @p2 $0x1  }
0x17: {  	s4 =	simm.s32 $0x1BF5;
	[smem:$0x3FBB] =	sst s0  }
0x18: {  	s0 =	sld [smem:$0x3F9E];
	_ =	swait.ge [sflag:s4], $0x0  }
0x19: {  	s7 =	sld [smem:$0x3F9F]  }
0x1a: {  	s8 =	sadd.s32 $0xFFFFE003, lr  }
0x1b: {  	s9 =	sadd.s32 $0xFFFFFEF7, lr;
	s5 =	simm.s32 $0xFFFFFFFF;
	p2 =	slt.u32 s8, $0xFFFFF086  }
0x1c: {  	p1 =	slt.u32 s9, $0xF7A;
	s5 =	simm.s32 @!p2 $0x0  }
0x1d: {  	s5 =	simm.s32 @p1 $0x1;
	p0 =	seq.s32 s7, s2  }
0x1e: {  	s7 =	smul.u32 @!p0 $0xF7A, s2;
	p2 =	seq.s32 @!p0 s5, $0x0  }
0x1f: {  	s9 =	smul.u32 $0xF7A, s1;
	s8 =	simm.s32 @!p0 $0x1BF5;
	p2 =	por !p2, p0  }
0x20: {  	[sflag:s8] =	ssyncset.s32 @!p0 $0xFFFFF086;
	s6 =	sadd.s32 @!p0 s3, s7;
	s7 =	simm.s32 @!p0 $0x108  }
0x21: {  	s3 =	sadd.s32 s3, s9;
	s6 =	sadd.s32 @!p0 $0x88, s6;
	s7 =	simm.s32 @p2 $0x1082  }
0x22: {  	[simem:s7], [sflag:s8] =	dma.local @!p0 [hbm:s6], $0xF7A  }
0x23: {  	s9 =	sor.u32 $0xD0000000, s2;
	s6 =	simm.s32 $0x108;
	_ =	swait.ge @!p0 [sflag:s8], $0x0  }
0x24: {  	s3 =	sadd.s32 $0x88, s3;
	s6 =	simm.s32 @!p1 $0x1082;
	[sflag:s4] =	ssyncset.s32 $0xFFFFF086  }
0x25: {  	[simem:s6], [sflag:s4] =	dma.local [hbm:s3], $0xF7A  }
0x26: {  	[smem:$0x3F9F] =	sst s1;
	(tag) =	ssettag s2;
	_ =	strace s9  }
0x27: {  	s1 =	sld [smem:$0x3FAF]  }
0x28: {  	s2 =	sld [smem:$0x3FB0]  }
0x29: {  	s4 =	sld [smem:$0x3FB2]  }
0x2a: {  	p0 =	seq.s32 s5, $0x0;
	s5 =	sld [smem:$0x3FB3]  }
0x2b: {  	s6 =	sld [smem:$0x3FB4]  }
0x2c: {  	s7 =	sld [smem:$0x3FB5]  }
0x2d: {  	s3 =	simm.s32 $0x108;
	s8 =	sld [smem:$0x3FB6]  }
0x2e: {  	s3 =	simm.s32 @!p0 $0x1082;
	s9 =	sld [smem:$0x3FB7]  }
0x2f: {  	lr =	sadd.s32 s0, s3;
	s0 =	sld [smem:$0x3FAE]  }
0x30: {  	s3 =	sld [smem:$0x3FB1]  }
0x31: {  	[smem:$0x3FBA] =	sst s10  }
0x32: {  	s10 =	sld [smem:$0x3FB8];
	_ =	sdelay $0x3  }
0x33: {  	p0 =	seq.s32 s10, $0x1;
	s10 =	sld [smem:$0x3FBA];
	_ =	sdelay $0x3  }
0x34: {  	[smem:$0x3FBA] =	sst s10  }
0x35: {  	s10 =	sld [smem:$0x3FB9];
	_ =	sdelay $0x3  }
0x36: {  	p1 =	seq.s32 s10, $0x1;
	s10 =	sld [smem:$0x3FBA];
	_ =	sdelay $0x3  }
0x37: {  	[smem:$0x3FBA] =	sst s10  }
0x38: {  	s10 =	sld [smem:$0x3FBB]  }
0x39: {  	_ = 	snop;
	(pc) =	sbr.ind lr, $3  }
0x3a: {  	_ = 	snop  }
0x3b: {  	_ = 	snop  }
0x3c: {  	p2 =	seq.s32 s10, $0x1;
	s10 =	sld [smem:$0x3FBA]  }
0x3d: {  	_ =	shalt  }
0x3e: {  	_ =	shalt  }
0x3f: {  	_ =	shalt  }
0x40: {  	_ =	shalt  }
0x41: {  	_ =	shalt  }
0x42: {  	_ =	shalt  }
0x43: {  	_ =	shalt  }
0x44: {  	_ =	shalt  }
0x45: {  	_ =	shalt  }
0x46: {  	_ =	shalt  }
0x47: {  	_ =	shalt  }
0x48: {  	_ =	shalt  }
0x49: {  	_ =	shalt  }
0x4a: {  	_ =	shalt  }
0x4b: {  	_ =	shalt  }
0x4c: {  	_ =	shalt  }
0x4d: {  	_ =	shalt  }
0x4e: {  	_ =	shalt  }
0x4f: {  	_ =	shalt  }
0x50: {  	_ =	shalt  }
0x51: {  	_ =	shalt  }
0x52: {  	_ =	shalt  }
0x53: {  	_ =	shalt  }
0x54: {  	_ =	shalt  }
0x55: {  	_ =	shalt  }
0x56: {  	_ =	shalt  }
0x57: {  	_ =	shalt  }
0x58: {  	_ =	shalt  }
0x59: {  	_ =	shalt  }
0x5a: {  	_ =	shalt  }
0x5b: {  	_ =	shalt  }
0x5c: {  	_ =	shalt  }
0x5d: {  	_ =	shalt  }
0x5e: {  	_ =	shalt  }
0x5f: {  	_ =	shalt  }
0x60: {  	_ =	shalt  }
0x61: {  	_ =	shalt  }
0x62: {  	_ =	shalt  }
0x63: {  	_ =	shalt  }
0x64: {  	_ =	shalt  }
0x65: {  	_ =	shalt  }
0x66: {  	_ =	shalt  }
0x67: {  	_ =	shalt  }
0x68: {  	_ =	shalt  }
0x69: {  	_ =	shalt  }
0x6a: {  	_ =	shalt  }
0x6b: {  	_ =	shalt  }
0x6c: {  	_ =	shalt  }
0x6d: {  	_ =	shalt  }
0x6e: {  	_ =	shalt  }
0x6f: {  	_ =	shalt  }
0x70: {  	_ =	shalt  }
0x71: {  	_ =	shalt  }
0x72: {  	_ =	shalt  }
0x73: {  	_ =	shalt  }
0x74: {  	_ =	shalt  }
0x75: {  	_ =	shalt  }
0x76: {  	_ =	shalt  }
0x77: {  	_ =	shalt  }
0x78: {  	_ =	shalt  }
0x79: {  	_ =	shalt  }
0x7a: {  	_ =	shalt  }
0x7b: {  	_ =	shalt  }
0x7c: {  	_ =	shalt  }
0x7d: {  	_ =	shalt  }
0x7e: {  	_ =	shalt  }
0x7f: {  	_ =	shalt  }
0x80: {  	_ =	shalt  }
0x81: {  	_ =	shalt  }
0x82: {  	_ =	shalt  }
0x83: {  	_ =	shalt  }
0x84: {  	_ =	shalt  }
0x85: {  	_ =	shalt  }
0x86: {  	_ =	shalt  }
0x87: {  	_ =	shalt  }
.Lfunc_end0:
.L_simem_size_0:
called_computation_lowered:
.L_overlay_start_0:
0x88: {  	s2 =	sld [smem:$0x3FD9]  }
0x89: {  	s3 =	sld [smem:$0x3FFE];
	_ =	sdelay $0x1  }
0x8a: {  	s1 =	srdreg.scid  }
0x8b: {  	s0 =	sand.u32 $0x1, s1  }
0x8c: {  	s17 =	sshll.u32 s0, $0xA;
	s2 =	sadd.s32 s3, s2  }
0x8d: {  	s2 =	sadd.s32 s2, s17  }
0x8e: {  	[smem:$0x3FC6] =	sst s2  }
0x8f: {  	_ = 	snop  }
0x90: {  	s2 =	sld [smem:$0x3FD0];
	(tm) =	ssettm $0x1  }
0x91: {  	s18 =	sld [smem:$0x3FFB];
	_ =	sdelay $0x3  }
0x92: {  	_ =	strace s18  }
0x93: {  	s3 =	sld [smem:$0x3FFC];
	_ =	sdelay $0x3  }
0x94: {  	_ =	strace s3  }
0x95: {  	s3 =	sld [smem:$0x3FFD];
	_ =	sdelay $0x3  }
0x96: {  	_ =	strace s3  }
0x97: {  	_ =	strace $0x8FFFFFFF  }
0x98: {  	s19 =	sld [smem:$0x3FDB];
	_ =	sdelay $0x1  }
0x99: {  	s4 =	simm.s32 $_scs_section_size  }
0x9a: {  	s5 =	simm.s32 $_size__tile_overlayer_lowered;
	s6 =	simm.s32 $_tile_overlayer_lowered  }
0x9b: {  	s22 =	simm.s32 $0x1BFF;
	s21 =	sshll.u32 s6, $0x1;
	s3 =	sadd.s32 s4, s19  }
0x9c: {  	s7 =	simm.s32 $0x0;
	s20 =	sshll.u32 s5, $0x1;
	s5 =	sadd.s32 s21, s3  }
0x9d: {  	[timem:s7], [sflag:s22] =	dma.local [hbm:s5], s20  }
0x9e: {  	_ =	swait.ge [sflag:s22], s20  }
0x9f: {  	s4 =	ssub.s32 $0x0, s20;
	[sflag:s22] =	ssyncset.done $0x0  }
0xa0: {  	[sflag:s22] =	ssyncadd.s32 s4;
	_ =	sdelay $0x1  }
0xa1: {  	s23 =	simm.s32 $0x1B8B  }
0xa2: {  	_ =	swait.ge [sflag:s23], $0x1  }
0xa3: {  	[sflag:s23] =	ssyncset.done $0x0  }
0xa4: {  	s25 =	simm.s32 $0x1B8E;
	s24 =	sld [smem:$0x3FFE];
	[sflag:s23] =	ssyncadd.s32 $0xFFFFFFFF  }
0xa5: {  	s26 =	simm.s32 $execute0_lowered;
	[smem:$0x3FD2] =	sst s25  }
0xa6: {  	s5 =	sshll.u32 s26, $0x1;
	_ =	strace $0x80000046;
	[dreg:$0x1] =	wrdreg $0xFFFFFFFF  }
0xa7: {  	s28 =	simm.s32 $_size_execute0_lowered;
	s3 =	sadd.s32 s3, s5;
	[dreg:$0x0] =	wrdreg $0x0  }
0xa8: {  	s5 =	sshll.u32 s28, $0x1;
	[dreg:$0x2] =	wrdreg s3  }
0xa9: {  	[dreg:$0x3] =	wrdreg s5  }
0xaa: {  	[dreg:$0x4] =	wrdreg $0xC0  }
0xab: {  	_ =	task [dreg:s7], $0x5FFFF  }
0xac: {  	[dreg:$0x1] =	wrdreg $0xFFFFFFFF  }
0xad: {  	[dreg:$0x0] =	wrdreg $0x60  }
0xae: {  	[dreg:$0x2] =	wrdreg s2  }
0xaf: {  	[dreg:$0x3] =	wrdreg s24  }
0xb0: {  	[dreg:$0x4] =	wrdreg $0x9  }
0xb1: {  	_ =	task.clear_ibuf [dreg:s7], $0x5FFFF;
	_ =	strace $0x90000046  }
0xb2: {  	s29 =	simm.s32 $0x9;
	_ =	strace $0x80000048  }
0xb3: {  	_ =	swait.ge [sflag:s29], $0x1  }
0xb4: {  	[sflag:s29] =	ssyncadd.s32 $0xFFFFFFFF  }
0xb5: {  	_ =	strace $0x90000048  }
0xb6: {  	_ =	sfence  }
0xb7: {  	s30 =	sld [smem:$0x0];
	_ =	sdelay $0x2  }
0xb8: {  	s31 =	sshll.u32 s1, $0xD;
	s1 =	sshrl.u32 s1, $0x2  }
0xb9: {  	s3 =	sand.u32 $0x4000, s31;
	s1 =	sadd.s32 s1, s30  }
0xba: {  	s0 =	sor.u32 s3, s0;
	s1 =	sshll.u32 s1, $0x11  }
0xbb: {  	s0 =	sor.u32 s1, s0  }
0xbc: {  	s0 =	sadd.s32 $0x8F2B, s0  }
0xbd: {  	[sflag:s0] =	ssyncadd.remote.s32 $0x1  }
0xbe: {  	_ =	sfence.sel $0xFFFF  }
0xbf: {  	[dreg:$0x0] =	wrdreg $0xFFFFFFFF;
	(pc) =	sbr.abs _section_cstart, $3  }
0xc0: {  	[dreg:$0x1] =	wrdreg $0xFFFFFFFF  }
0xc1: {  	_ =	task.clear_ibuf [dreg:s7], $0x2FFFF;
	_ =	strace $0x9FFFFFFF  }
0xc2: {  	(tm) =	ssettm $0x7FFFFFFF  }
0xc3: {  	_ =	shalt  }
tec
execute0_lowered:
.L_overlay_start_1:
0x0: {  	(tag) =	ssettag $0x1  }
0x1: {  	v0 =	vlaneseq.u32  }
0x2: {  	s0 =	rddreg [dreg:$0x0];
	s4 =	simm.s32 $0x0;
	v54 =	vmul.u32 $0x20, v0  }
0x3: {  	[smem:$0x7FF] =	sst s4  }
0x4: {  	vm0 =	vcmask $0x300;
	s1 =	rddreg [dreg:$0x1];
	v0 =	vimm.s32 $0x0;
	_ =	strace $0x80000047;
	v46 =	vor.u32 $0xE04, v54;
	[tilespmem:$0x1FEF0] =	vst v54  }
0x5: {  	v1 =	vsel vm0, $0x3, v0;
	v0 =	vor.u32 $0x405, v54;
	[tilespmem:$0x1FE10] =	vst v46  }
0x6: {  	v2 =	vor.u32 $0x605, v54;
	[tilespmem:$0x1FE20] =	vst v0  }
0x7: {  	v3 =	vor.u32 $0x805, v54;
	[tilespmem:$0x1FE30] =	vst v2  }
0x8: {  	v4 =	vor.u32 $0xA05, v54;
	[tilespmem:$0x1FE40] =	vst v3  }
0x9: {  	v5 =	vor.u32 $0xC05, v54;
	[tilespmem:$0x1FE50] =	vst v4  }
0xa: {  	v6 =	vor.u32 $0xE05, v54;
	[tilespmem:$0x1FE60] =	vst v5  }
0xb: {  	v7 =	vor.u32 $0x206, v54;
	[tilespmem:$0x1FE70] =	vst v6  }
0xc: {  	v8 =	vor.u32 $0x406, v54;
	[tilespmem:$0x1FE80] =	vst v7  }
0xd: {  	v9 =	vor.u32 $0x606, v54;
	[tilespmem:$0x1FE90] =	vst v8  }
0xe: {  	v10 =	vor.u32 $0x806, v54;
	[tilespmem:$0x1FEA0] =	vst v9  }
0xf: {  	v11 =	vor.u32 $0xA06, v54;
	[tilespmem:$0x1FEB0] =	vst v10  }
0x10: {  	v12 =	vor.u32 $0xC06, v54;
	[tilespmem:$0x1FEC0] =	vst v11  }
0x11: {  	v13 =	vor.u32 $0xE06, v54;
	[tilespmem:$0x1FED0] =	vst v12  }
0x12: {  	v14 =	vor.u32 $0x407, v54;
	[tilespmem:$0x1FEE0] =	vst v13  }
0x13: {  	v30 =	vor.u32 $0x200, v54;
	v15 =	vor.u32 $0x607, v54;
	[tilespmem:$0x1FF00] =	vst v14  }
0x14: {  	v29 =	vor.u32 $0x400, v54;
	v34 =	vor.u32 $0x600, v54;
	v16 =	vor.u32 $0x807, v54;
	[tilespmem:$0x1FF10] =	vst v15  }
0x15: {  	v35 =	vor.u32 $0x800, v54;
	v36 =	vor.u32 $0xA00, v54;
	v17 =	vor.u32 $0xA07, v54;
	[tilespmem:$0x1FF20] =	vst v16  }
0x16: {  	v33 =	vor.u32 $0xC00, v54;
	v38 =	vor.u32 $0xE00, v54;
	v18 =	vor.u32 $0xC07, v54;
	[tilespmem:$0x1FF30] =	vst v17  }
0x17: {  	s2 =	srdreg.scid;
	s3 =	stileid.u32;
	s10 =	simm.s32 $0x6400;
	v39 =	vor.u32 $0x1, v54;
	v40 =	vor.u32 $0x201, v54;
	v19 =	vor.u32 $0x7, v54;
	[tilespmem:$0x1FF40] =	vst v18  }
0x18: {  	s9 =	simm.s32 $0x80;
	s11 =	simm.s32 $0x7400;
	s13 =	simm.s32 $0x8400;
	v41 =	vor.u32 $0x401, v54;
	v42 =	vor.u32 $0x601, v54;
	v22 =	vor.u32 $0x207, v54;
	[tilespmem:$0x1FF50] =	vst v19  }
0x19: {  	s15 =	simm.s32 $0x9400;
	s16 =	simm.s32 $0x1;
	s17 =	simm.s32 $0x1000;
	v43 =	vor.u32 $0x801, v54;
	v44 =	vor.u32 $0xA01, v54;
	v25 =	vor.u32 $0x6, v54;
	[tilespmem:$0x1FF60] =	vst v22  }
0x1a: {  	s18 =	simm.s32 $0xA400;
	s19 =	simm.s32 $0x2;
	s20 =	simm.s32 $0xB400;
	v45 =	vor.u32 $0xC01, v54;
	v27 =	vor.u32 $0xE01, v54;
	v31 =	vor.u32 $0x604, v54;
	[tilespmem:$0x1FF70] =	vst v25  }
0x1b: {  	s21 =	simm.s32 $0x3;
	s2 =	sand.u32 $0x1, s2;
	s3 =	sshll.u32 s3, $0x1;
	v47 =	vor.u32 $0x2, v54;
	v48 =	vor.u32 $0x202, v54;
	v37 =	vor.u32 $0x804, v54;
	[tilespmem:$0x1FF80] =	vst v31  }
0x1c: {  	s22 =	simm.s32 $0xC400;
	s5 =	ssub.s32 $0x2, s2;
	s2 =	sor.u32 s2, s3;
	v49 =	vor.u32 $0x402, v54;
	v50 =	vor.u32 $0x602, v54;
	v23 =	vor.u32 $0xA04, v54;
	[tilespmem:$0x1FF90] =	vst v37  }
0x1d: {  	s23 =	simm.s32 $0x4;
	s24 =	simm.s32 $0xD400;
	v51 =	vor.u32 $0x802, v54;
	v52 =	vor.u32 $0xA02, v54;
	v53 =	vor.u32 $0xC02, v54;
	s7 =	smul.u32 $0xC80, s2;
	[tilespmem:$0x1FFA0] =	vst v23  }
.Ltmp0:
0x1e: {  	s25 =	simm.s32 $0x5;
	s28 =	simm.s32 $0x7;
	v26 =	vor.u32 $0xE02, v54;
	v55 =	vor.u32 $0x3, v54;
	v24 =	vor.u32 $0x404, v54;
	[tilespmem:$0x1FFB0] =	vst v33;
	(pc) =	sbr.rel .LBB2_1-.Ltmp0, $4  }
0x1f: {  	s29 =	simm.s32 $0x8;
	s30 =	simm.s32 $0x0;
	v56 =	vor.u32 $0x203, v54;
	v57 =	vor.u32 $0x403, v54;
	s6 =	sshrl.u32 s5, $0x1;
	v21 =	vor.u32 $0xC04, v54;
	[tilespmem:$0x1FFC0] =	vst v24  }
0x20: {  	s4 =	sadd.s32 $0x600, s1;
	v58 =	vor.u32 $0x603, v54;
	v59 =	vor.u32 $0x803, v54;
	v20 =	vor.u32 $0x5, v54;
	s26 =	ssub.s32 s5, s6;
	[tilespmem:$0x1FFD0] =	vst v21;
	s0 =	sadd.s32 s0, s7  }
0x21: {  	s3 =	sadd.s32 $0xF42A00, s1;
	v60 =	vor.u32 $0xA03, v54;
	v61 =	vor.u32 $0xC03, v54;
	v32 =	vor.u32 $0x205, v54;
	[tilespmem:$0x1FFE0] =	vst v20;
	s31 =	smax.u32 s26, $0x1;
	[dreg:$0x3] =	wrdreg s0  }
0x22: {  	v62 =	vor.u32 $0xE03, v54;
	v63 =	vor.u32 $0x4, v54;
	v28 =	vor.u32 $0x204, v54;
	s5 =	smul.u32 $0xC8, s2;
	[tilespmem:$0x1FFF0] =	vst v32;
	s26 =	simm.s32 $0x6;
	[dreg:$0x4] =	wrdreg s31  }
.LBB2_12:
0x23: {  	_ =	swait.ge [sflag:s25], $0x1000  }
0x24: {  	[sflag:s25] =	ssyncset.done $0x0  }
0x25: {  	[sflag:s25] =	ssyncadd.s32 $0xFFFFF000  }
0x26: {  	_ =	swait.ge [sflag:s26], $0x1000  }
0x27: {  	[sflag:s26] =	ssyncset.done $0x0  }
0x28: {  	[sflag:s26] =	ssyncadd.s32 $0xFFFFF000  }
0x29: {  	_ =	swait.ge [sflag:s28], $0x1000  }
0x2a: {  	[sflag:s28] =	ssyncset.done $0x0  }
0x2b: {  	[sflag:s28] =	ssyncadd.s32 $0xFFFFF000  }
0x2c: {  	_ =	swait.ge [sflag:s29], $0x1000  }
0x2d: {  	s30 =	sadd.s32 $0x1, s30;
	s0 =	rddreg [dreg:$0x4]  }
0x2e: {  	p0 =	sne.s32 s30, s0  }
.Ltmp1:
0x2f: {  	_ = 	snop;
	(pc) =	sbr.rel @!p0 .LBB2_13-.Ltmp1, $4  }
0x30: {  	v54 =	vld [tilespmem:$0x1FEF0]  }
0x31: {  	v25 =	vld [tilespmem:$0x1FF70]  }
0x32: {  	[sflag:s29] =	ssyncset.done $0x0;
	v19 =	vld [tilespmem:$0x1FF50]  }
0x33: {  	v22 =	vld [tilespmem:$0x1FF60];
	[sflag:s29] =	ssyncadd.s32 $0xFFFFF000  }
.LBB2_1:
0x34: {  	s0 =	simm.s32 $0x0;
	s1 =	rddreg [dreg:$0x3];
	s8 =	simm.s32 $0x9  }
0x35: {  	[tilespmem:s0], [sflag:$0x9] =	stream.linear.gather [hbm4b:s1+s0], $0x6400, $0x38;
	[tilespmem:$0xE400] =	vst v63  }
0x36: {  	_ =	swait.ge [sflag:s8], $0x6400  }
0x37: {  	[sflag:s8] =	ssyncset.done $0x0  }
0x38: {  	[sflag:s8] =	ssyncadd.s32 $0xFFFF9C00  }
0x39: {  	[tilespmem:s10], [sflag:$0x1] =	stream.indirect.gather [hbm4b:s3+s9], $0x20, s0, s9, $0xb8;
	[tilespmem:$0xE400] =	vst v63  }
0x3a: {  	_ = 	snop  }
0x3b: {  	[tilespmem:s11], [sflag:$0x2] =	stream.indirect.gather [hbm4b:s3+s9], $0x20, s9, s9, $0xb8;
	[tilespmem:$0xE400] =	vst v63  }
0x3c: {  	s12 =	simm.s32 $0x100  }
0x3d: {  	[tilespmem:s13], [sflag:$0x3] =	stream.indirect.gather [hbm4b:s3+s9], $0x20, s12, s9, $0xb8;
	[tilespmem:$0xE400] =	vst v63  }
0x3e: {  	s14 =	simm.s32 $0x180;
	s31 =	simm.s32 $0x0  }
0x3f: {  	v16 =	vmov v25;
	[tilespmem:s15], [sflag:$0x4] =	stream.indirect.gather [hbm4b:s3+s9], $0x20, s14, s9, $0xb8;
	[tilespmem:$0xE400] =	vst v63  }
.LBB2_2:
0x40: {  	s0 =	simm.s32 $0x0  }
0x41: {  	v0 =	vmov s0  }
0x42: {  	s14 =	simm.s32 $0x7;
	v0 =	vshrl.u32 v0, $0x3  }
0x43: {  	s6 =	simm.s32 $0x1;
	v7 =	vmov s14;
	v0 =	vshll.u32 v0, v1  }
0x44: {  	s1 =	simm.s32 $0x2;
	v7 =	vshrl.u32 v7, $0x3;
	v2 =	vbroadcast v0, $0x0;
	v0 =	vmov s6  }
0x45: {  	v3 =	vmov s1;
	v7 =	vshll.u32 v7, v1;
	v0 =	vshrl.u32 v0, $0x3  }
0x46: {  	v3 =	vshrl.u32 v3, $0x3;
	v7 =	vbroadcast v7, $0x0;
	v0 =	vshll.u32 v0, v1  }
0x47: {  	_ =	swait.ge [sflag:s16], $0x1000;
	v9 =	vbroadcast v0, $0x0;
	v0 =	vshll.u32 v3, v1  }
0x48: {  	v33 =	vmovc v54;
	s7 =	simm.s32 $0x3;
	p0 =	seq.s32 s31, $0x0;
	[sflag:s16] =	ssyncset.done $0x0;
	v10 =	vor.u32 v54, v2;
	v13 =	vor.u32 v19, v7;
	v54 =	vbroadcast v0, $0x0  }
0x49: {  	s8 =	simm.s32 $0x4;
	v4 =	vmov s7;
	s0 =	simm.s32 @!p0 $0x5;
	[sflag:s16] =	ssyncadd.s32 $0xFFFFF000;
	v14 =	vor.u32 v39, v9  }
0x4a: {  	s12 =	simm.s32 $0x5;
	v5 =	vmov s8;
	v4 =	vshrl.u32 v4, $0x3;
	_ =	swait.ge @!p0 [sflag:s0], $0x1000;
	v15 =	vor.u32 v47, v54  }
0x4b: {  	v6 =	vmov s12;
	v5 =	vshrl.u32 v5, $0x3;
	[sflag:s0] =	ssyncset.done @!p0 $0x0;
	v0 =	vshll.u32 v4, v1  }
0x4c: {  	s2 =	simm.s32 $0x6;
	v11 =	vshrl.u32 v6, $0x3;
	[sflag:s0] =	ssyncadd.s32 @!p0 $0xFFFFF000;
	v6 =	vbroadcast v0, $0x0;
	v0 =	vshll.u32 v5, v1  }
0x4d: {  	v8 =	vmov s2;
	v5 =	vbroadcast v0, $0x0;
	v13 =	vld.idx.msk [tilespmem:v13+s10+$0x0], $0xffff  }
0x4e: {  	v12 =	vshrl.u32 v8, $0x3;
	v0 =	vshll.u32 v11, v1;
	v11 =	vor.u32 v55, v6;
	v14 =	vld.idx.msk [tilespmem:v14+s10+$0x0], $0xffff  }
0x4f: {  	v4 =	vbroadcast v0, $0x0;
	v0 =	vshll.u32 v12, v1;
	v12 =	vor.u32 v63, v5;
	v15 =	vld.idx.msk [tilespmem:v15+s10+$0x0], $0xffff  }
0x50: {  	v3 =	vbroadcast v0, $0x0  }
0x51: {  	s14 =	simm.s32 $0xA600;
	v0 =	vor.u32 v20, v4  }
0x52: {  	v10 =	vld.idx.msk [tilespmem:v10+s10+$0x0], $0xffff;
	v16 =	vor.u32 v16, v3;
	[tilespmem:s14+$0x180] =	vst v13  }
0x53: {  	v17 =	vor.u32 v22, v7;
	v11 =	vld.idx.msk [tilespmem:v11+s10+$0x0], $0xffff;
	[tilespmem:s14+$0xFFFFFE80] =	vst v14  }
0x54: {  	v18 =	vor.u32 v40, v9;
	v12 =	vld.idx.msk [tilespmem:v12+s10+$0x0], $0xffff;
	[tilespmem:s14+$0xFFFFFF00] =	vst v15  }
0x55: {  	v8 =	vld [tilespmem:$0x1FE80]  }
0x56: {  	v0 =	vld.idx.msk [tilespmem:v0+s10+$0x0], $0xffff  }
0x57: {  	v16 =	vld.idx.msk [tilespmem:v16+s10+$0x0], $0xffff  }
0x58: {  	v14 =	vld.idx.msk [tilespmem:v17+s10+$0x0], $0xffff  }
0x59: {  	v17 =	vld.idx.msk [tilespmem:v18+s10+$0x0], $0xffff;
	[tilespmem:s14+$0xFFFFFF80] =	vst v11  }
0x5a: {  	v19 =	vor.u32 v48, v54;
	v15 =	vor.u32 v8, v3;
	v8 =	vld [tilespmem:$0x1FF00];
	[tilespmem:s14+$0x0] =	vst v12  }
0x5b: {  	[tilespmem:s14+$0x80] =	vst v0  }
0x5c: {  	[tilespmem:s14+$0x100] =	vst v16  }
0x5d: {  	[tilespmem:s14+$0x190] =	vst v14  }
0x5e: {  	v20 =	vor.u32 v56, v6;
	[tilespmem:s14+$0xFFFFFE00] =	vst v10  }
0x5f: {  	v23 =	vmov v21;
	v21 =	vor.u32 v28, v5;
	v18 =	vld.idx.msk [tilespmem:v19+s10+$0x0], $0xffff;
	[tilespmem:s14+$0xFFFFFE90] =	vst v17  }
0x60: {  	v11 =	vor.u32 v8, v7;
	v8 =	vld [tilespmem:$0x1FE20]  }
0x61: {  	v13 =	vor.u32 v32, v4  }
0x62: {  	v19 =	vor.u32 v30, v2  }
0x63: {  	v20 =	vld.idx.msk [tilespmem:v20+s10+$0x0], $0xffff  }
0x64: {  	v21 =	vld.idx.msk [tilespmem:v21+s10+$0x0], $0xffff;
	[tilespmem:s14+$0xFFFFFF10] =	vst v18  }
0x65: {  	v17 =	vor.u32 v8, v4;
	v8 =	vld [tilespmem:$0x1FF10]  }
0x66: {  	v12 =	vor.u32 v41, v9;
	v13 =	vld.idx.msk [tilespmem:v13+s10+$0x0], $0xffff  }
0x67: {  	v14 =	vld.idx.msk [tilespmem:v19+s10+$0x0], $0xffff  }
0x68: {  	v0 =	vor.u32 v49, v54;
	v11 =	vld.idx.msk [tilespmem:v11+s10+$0x0], $0xffff  }
0x69: {  	v16 =	vor.u32 v57, v6;
	v15 =	vld.idx.msk [tilespmem:v15+s10+$0x0], $0xffff;
	[tilespmem:s14+$0xFFFFFF90] =	vst v20  }
0x6a: {  	v10 =	vor.u32 v24, v5;
	v18 =	vor.u32 v8, v7;
	v8 =	vld [tilespmem:$0x1FE90]  }
0x6b: {  	v12 =	vld.idx.msk [tilespmem:v12+s10+$0x0], $0xffff;
	[tilespmem:s14+$0x10] =	vst v21  }
0x6c: {  	[tilespmem:s14+$0x90] =	vst v13  }
0x6d: {  	v0 =	vld.idx.msk [tilespmem:v0+s10+$0x0], $0xffff;
	[tilespmem:s14+$0x1A0] =	vst v11  }
0x6e: {  	v16 =	vld.idx.msk [tilespmem:v16+s10+$0x0], $0xffff;
	[tilespmem:s14+$0x110] =	vst v15  }
0x6f: {  	[tilespmem:s14+$0xFFFFFE10] =	vst v14;
	v10 =	vld.idx.msk [tilespmem:v10+s10+$0x0], $0xffff;
	v19 =	vor.u32 v8, v3  }
0x70: {  	v20 =	vor.u32 v29, v2;
	[tilespmem:s14+$0xFFFFFEA0] =	vst v12;
	v17 =	vld.idx.msk [tilespmem:v17+s10+$0x0], $0xffff  }
0x71: {  	v8 =	vld [tilespmem:$0x1FF20]  }
0x72: {  	v15 =	vld.idx.msk [tilespmem:v18+s10+$0x0], $0xffff;
	[tilespmem:s14+$0xFFFFFF20] =	vst v0  }
0x73: {  	v0 =	vld [tilespmem:$0x1FE30]  }
0x74: {  	v21 =	vor.u32 v42, v9;
	v18 =	vld.idx.msk [tilespmem:v19+s10+$0x0], $0xffff  }
0x75: {  	v13 =	vor.u32 v50, v54;
	[tilespmem:s14+$0xFFFFFFA0] =	vst v16;
	v19 =	vld.idx.msk [tilespmem:v20+s10+$0x0], $0xffff  }
0x76: {  	v12 =	vor.u32 v8, v7;
	v8 =	vld [tilespmem:$0x1FEA0];
	[tilespmem:s14+$0x20] =	vst v10  }
0x77: {  	[tilespmem:s14+$0x1B0] =	vst v15  }
0x78: {  	v11 =	vor.u32 v58, v6;
	[tilespmem:s14+$0xA0] =	vst v17  }
0x79: {  	v14 =	vor.u32 v31, v5;
	v20 =	vld.idx.msk [tilespmem:v21+s10+$0x0], $0xffff;
	[tilespmem:s14+$0x120] =	vst v18  }
0x7a: {  	v13 =	vld.idx.msk [tilespmem:v13+s10+$0x0], $0xffff;
	[tilespmem:s14+$0xFFFFFE20] =	vst v19  }
0x7b: {  	v16 =	vor.u32 v8, v3;
	v8 =	vld [tilespmem:$0x1FF30]  }
0x7c: {  	v0 =	vor.u32 v0, v4  }
0x7d: {  	v11 =	vld.idx.msk [tilespmem:v11+s10+$0x0], $0xffff;
	v21 =	vor.u32 v34, v2  }
0x7e: {  	v14 =	vld.idx.msk [tilespmem:v14+s10+$0x0], $0xffff;
	[tilespmem:s14+$0xFFFFFEB0] =	vst v20  }
0x7f: {  	v10 =	vor.u32 v43, v9;
	v12 =	vld.idx.msk [tilespmem:v12+s10+$0x0], $0xffff;
	[tilespmem:s14+$0xFFFFFF30] =	vst v13  }
0x80: {  	v18 =	vor.u32 v8, v7;
	v8 =	vld [tilespmem:$0x1FE40]  }
0x81: {  	v0 =	vld.idx.msk [tilespmem:v0+s10+$0x0], $0xffff  }
0x82: {  	v19 =	vld.idx.msk [tilespmem:v21+s10+$0x0], $0xffff  }
0x83: {  	v16 =	vld.idx.msk [tilespmem:v16+s10+$0x0], $0xffff  }
0x84: {  	v10 =	vld.idx.msk [tilespmem:v10+s10+$0x0], $0xffff;
	[tilespmem:s14+$0xFFFFFFB0] =	vst v11  }
0x85: {  	v15 =	vor.u32 v51, v54;
	v13 =	vor.u32 v8, v4;
	v8 =	vld [tilespmem:$0x1FEB0];
	[tilespmem:s14+$0x1C0] =	vst v12  }
0x86: {  	[tilespmem:s14+$0x30] =	vst v14  }
0x87: {  	[tilespmem:s14+$0xB0] =	vst v0  }
0x88: {  	[tilespmem:s14+$0x130] =	vst v16  }
0x89: {  	v17 =	vor.u32 v59, v6;
	v0 =	vld [tilespmem:$0x1FF40];
	[tilespmem:s14+$0xFFFFFE30] =	vst v19  }
0x8a: {  	v15 =	vld.idx.msk [tilespmem:v15+s10+$0x0], $0xffff;
	[tilespmem:s14+$0xFFFFFEC0] =	vst v10  }
0x8b: {  	v11 =	vor.u32 v8, v3;
	v8 =	vld [tilespmem:$0x1FFA0]  }
0x8c: {  	v20 =	vor.u32 v37, v5  }
0x8d: {  	v21 =	vor.u32 v35, v2  }
0x8e: {  	v17 =	vld.idx.msk [tilespmem:v17+s10+$0x0], $0xffff  }
0x8f: {  	v12 =	vor.u32 v44, v9;
	v14 =	vld.idx.msk [tilespmem:v18+s10+$0x0], $0xffff;
	[tilespmem:s14+$0xFFFFFF40] =	vst v15  }
0x90: {  	v10 =	vor.u32 v8, v5;
	v8 =	vld [tilespmem:$0x1FE50]  }
0x91: {  	v20 =	vld.idx.msk [tilespmem:v20+s10+$0x0], $0xffff  }
0x92: {  	v18 =	vor.u32 v52, v54;
	v19 =	vld.idx.msk [tilespmem:v21+s10+$0x0], $0xffff  }
0x93: {  	v13 =	vld.idx.msk [tilespmem:v13+s10+$0x0], $0xffff;
	v0 =	vor.u32 v0, v7  }
0x94: {  	v21 =	vld.idx.msk [tilespmem:v12+s10+$0x0], $0xffff  }
0x95: {  	v16 =	vor.u32 v60, v6;
	v12 =	vor.u32 v8, v4;
	v8 =	vld [tilespmem:$0x1FEC0]  }
0x96: {  	v11 =	vld.idx.msk [tilespmem:v11+s10+$0x0], $0xffff;
	[tilespmem:s14+$0x1D0] =	vst v14  }
0x97: {  	v15 =	vld.idx.msk [tilespmem:v18+s10+$0x0], $0xffff;
	[tilespmem:s14+$0xFFFFFFC0] =	vst v17  }
0x98: {  	[tilespmem:s14+$0x40] =	vst v20;
	v17 =	vld.idx.msk [tilespmem:v0+s10+$0x0], $0xffff  }
0x99: {  	[tilespmem:s14+$0xC0] =	vst v13;
	v0 =	vor.u32 $0xE07, v33;
	v24 =	vld.idx.msk [tilespmem:v10+s10+$0x0], $0xffff  }
0x9a: {  	v18 =	vor.u32 v8, v3;
	v8 =	vmov v23;
	v23 =	vld.idx.msk [tilespmem:v16+s10+$0x0], $0xffff;
	[tilespmem:$0x1FE00] =	vst v0  }
0x9b: {  	[tilespmem:s14+$0x140] =	vst v11  }
0x9c: {  	[tilespmem:s14+$0xFFFFFE40] =	vst v19  }
0x9d: {  	v14 =	vor.u32 v36, v2;
	[tilespmem:s14+$0xFFFFFED0] =	vst v21  }
0x9e: {  	v10 =	vor.u32 v0, v7;
	v0 =	vld [tilespmem:$0x1FE60]  }
0x9f: {  	v22 =	vor.u32 v45, v9;
	_ =	sdelay $0x1  }
0xa0: {  	v31 =	vld.idx.msk [tilespmem:v12+s10+$0x0], $0xffff;
	[tilespmem:s14+$0x1E0] =	vst v17  }
0xa1: {  	v13 =	vor.u32 v53, v54;
	v12 =	vld.idx.msk [tilespmem:v14+s10+$0x0], $0xffff;
	[tilespmem:s14+$0xFFFFFF50] =	vst v15  }
0xa2: {  	v46 =	vor.u32 v0, v4;
	v0 =	vld [tilespmem:$0x1FED0]  }
0xa3: {  	v19 =	vor.u32 v61, v6;
	v11 =	vld.idx.msk [tilespmem:v22+s10+$0x0], $0xffff  }
0xa4: {  	s6 =	simm.s32 $0x8;
	v32 =	vld.idx.msk [tilespmem:v18+s10+$0x0], $0xffff;
	v18 =	vor.u32 v8, v5  }
0xa5: {  	v7 =	vmov s6;
	v16 =	vld.idx.msk [tilespmem:v10+s10+$0x0], $0xffff  }
0xa6: {  	v7 =	vshrl.u32 v7, $0x3;
	v13 =	vld.idx.msk [tilespmem:v13+s10+$0x0], $0xffff  }
0xa7: {  	s12 =	simm.s32 $0xC;
	v7 =	vshll.u32 v7, v1;
	v17 =	vor.u32 v0, v3;
	v0 =	vld [tilespmem:$0x1FFB0];
	[tilespmem:s14+$0xFFFFFFD0] =	vst v23  }
0xa8: {  	s7 =	simm.s32 $0x9;
	s8 =	simm.s32 $0xA;
	v25 =	vmov s12;
	s0 =	sshll.u32 s31, $0x2;
	v7 =	vbroadcast v7, $0x0;
	[tilespmem:s14+$0x50] =	vst v24;
	v14 =	vld.idx.msk [tilespmem:v19+s10+$0x0], $0xffff  }
0xa9: {  	s2 =	simm.s32 $0xB;
	v9 =	vor.u32 v27, v9;
	s6 =	sadd.s32 s5, s0;
	v21 =	vmov s7;
	v22 =	vmov s8;
	[tilespmem:s14+$0xD0] =	vst v31;
	v15 =	vld.idx.msk [tilespmem:v18+s10+$0x0], $0xffff  }
0xaa: {  	s1 =	sshrl.u32 s6, $0x5;
	s7 =	simm.s32 $0xD;
	s8 =	simm.s32 $0xE;
	v21 =	vshrl.u32 v21, $0x3;
	v10 =	vor.u32 v33, v7;
	v22 =	vshrl.u32 v22, $0x3;
	[tilespmem:s14+$0x150] =	vst v32;
	v18 =	vld.idx.msk [tilespmem:v46+s10+$0x0], $0xffff  }
0xab: {  	s6 =	sshll.u32 s6, $0x7;
	s12 =	sshll.u32 s1, $0xC;
	v8 =	vmov s2;
	v23 =	vmov s7;
	v24 =	vmov s8;
	v37 =	vld [tilespmem:$0x1FE10]  }
0xac: {  	s12 =	ssub.s32 s6, s12;
	s6 =	simm.s32 $0xF;
	s2 =	simm.s32 $0x10;
	v19 =	vshrl.u32 v8, $0x3;
	v8 =	vor.u32 v26, v54;
	v31 =	vld [tilespmem:$0x1FE70];
	v20 =	vor.u32 v0, v2  }
.LBB2_3:
0xad: {  	v0 =	vld [tilespmem:$0x1FEE0];
	_ =	sdelay $0x2  }
0xae: {  	[tilespmem:s14+$0xFFFFFE50] =	vst v12;
	v12 =	vld.idx.msk [tilespmem:v17+s10+$0x0], $0xffff  }
0xaf: {  	v6 =	vor.u32 v62, v6;
	v20 =	vld.idx.msk [tilespmem:v20+s10+$0x0], $0xffff  }
0xb0: {  	v54 =	vmovc v26;
	v26 =	vmov s6;
	v17 =	vshrl.u32 v23, $0x3;
	[tilespmem:s14+$0x1F0] =	vst v16;
	v3 =	vor.u32 v0, v3;
	v0 =	vld [tilespmem:$0x1FF50]  }
0xb1: {  	v5 =	vor.u32 v37, v5;
	[tilespmem:s14+$0xFFFFFEE0] =	vst v11;
	v4 =	vor.u32 v31, v4;
	v23 =	vshrl.u32 v26, $0x3;
	v16 =	vld.idx.msk [tilespmem:v10+s10+$0x0], $0xffff  }
0xb2: {  	v11 =	vshll.u32 v21, v1;
	v21 =	vld.idx.msk [tilespmem:v9+s10+$0x0], $0xffff;
	v10 =	vshll.u32 v23, v1;
	[tilespmem:s14+$0xFFFFFF60] =	vst v13  }
0xb3: {  	v9 =	vbroadcast v11, $0x0;
	v11 =	vshll.u32 v22, v1;
	v10 =	vbroadcast v10, $0x0;
	[tilespmem:s14+$0xFFFFFFE0] =	vst v14;
	v13 =	vld.idx.msk [tilespmem:v8+s10+$0x0], $0xffff  }
0xb4: {  	v2 =	vor.u32 v38, v2;
	v8 =	vbroadcast v11, $0x0;
	v11 =	vshll.u32 v19, v1;
	v19 =	vld.idx.msk [tilespmem:v6+s10+$0x0], $0xffff  }
0xb5: {  	v25 =	vshrl.u32 v25, $0x3;
	[tilespmem:s14+$0x60] =	vst v15;
	v14 =	vor.u32 v0, v10;
	v0 =	vld [tilespmem:$0x1FFE0]  }
0xb6: {  	[tilespmem:s14+$0xE0] =	vst v18;
	v22 =	vld.idx.msk [tilespmem:v5+s10+$0x0], $0xffff;
	v6 =	vbroadcast v11, $0x0;
	v11 =	vshll.u32 v25, v1  }
0xb7: {  	v24 =	vshrl.u32 v24, $0x3;
	[tilespmem:s14+$0x160] =	vst v12;
	v5 =	vbroadcast v11, $0x0;
	v11 =	vshll.u32 v17, v1;
	v17 =	vld.idx.msk [tilespmem:v4+s10+$0x0], $0xffff  }
0xb8: {  	[tilespmem:s14+$0xFFFFFE60] =	vst v20;
	v4 =	vbroadcast v11, $0x0;
	v11 =	vshll.u32 v24, v1;
	v20 =	vld.idx.msk [tilespmem:v3+s10+$0x0], $0xffff  }
0xb9: {  	v15 =	vor.u32 v39, v9;
	v3 =	vbroadcast v11, $0x0;
	v11 =	vld.idx.msk [tilespmem:v2+s10+$0x0], $0xffff  }
0xba: {  	v2 =	vmov v7;
	v7 =	vor.u32 v0, v4;
	v0 =	vld [tilespmem:$0x1FF70];
	_ =	sdelay $0x2  }
0xbb: {  	[tilespmem:s14+$0xFFFFFEF0] =	vst v21  }
0xbc: {  	[tilespmem:s14+$0xFFFFFF70] =	vst v13;
	v13 =	vld.idx.msk [tilespmem:v15+s10+$0x0], $0xffff  }
0xbd: {  	v15 =	vor.u32 v0, v3;
	v0 =	vld [tilespmem:$0x1FF60];
	_ =	sdelay $0x3  }
0xbe: {  	v18 =	vor.u32 v47, v8  }
0xbf: {  	[tilespmem:s14+$0xFFFFFFF0] =	vst v19;
	v19 =	vor.u32 v0, v10;
	v0 =	vld [tilespmem:$0x1FFF0]  }
0xc0: {  	[tilespmem:s14+$0x70] =	vst v22  }
0xc1: {  	[tilespmem:s14+$0xF0] =	vst v17  }
0xc2: {  	[tilespmem:s14+$0x170] =	vst v20  }
0xc3: {  	v12 =	vor.u32 v55, v6;
	v18 =	vld.idx.msk [tilespmem:v18+s10+$0x0], $0xffff;
	[tilespmem:s14+$0xFFFFFE70] =	vst v11;
	s14 =	sadd.s32 $0x400, s14  }
0xc4: {  	[tilespmem:s14+$0xFFFFFE80] =	vst v13;
	v13 =	vor.u32 v0, v4;
	v0 =	vld [tilespmem:$0x1FE80];
	_ =	sdelay $0x2  }
0xc5: {  	v14 =	vld.idx.msk [tilespmem:v14+s10+$0x0], $0xffff  }
0xc6: {  	v12 =	vld.idx.msk [tilespmem:v12+s10+$0x0], $0xffff  }
0xc7: {  	[tilespmem:s14+$0xFFFFFF00] =	vst v18;
	v18 =	vor.u32 v0, v3;
	v0 =	vld [tilespmem:$0x1FF00];
	_ =	sdelay $0x2  }
0xc8: {  	[tilespmem:s14+$0x180] =	vst v14  }
0xc9: {  	v21 =	vor.u32 v40, v9;
	v14 =	vld.idx.msk [tilespmem:v19+s10+$0x0], $0xffff  }
0xca: {  	[tilespmem:s14+$0xFFFFFF80] =	vst v12;
	v12 =	vor.u32 v0, v10;
	v0 =	vld [tilespmem:$0x1FFC0];
	_ =	sdelay $0x3  }
0xcb: {  	v17 =	vor.u32 v48, v8;
	v19 =	vld.idx.msk [tilespmem:v21+s10+$0x0], $0xffff  }
0xcc: {  	[tilespmem:s14+$0x190] =	vst v14;
	v14 =	vor.u32 v0, v5;
	v0 =	vld [tilespmem:$0x1FE20];
	_ =	sdelay $0x2  }
0xcd: {  	v23 =	vor.u32 v63, v5  }
0xce: {  	v20 =	vor.u32 v56, v6;
	v17 =	vld.idx.msk [tilespmem:v17+s10+$0x0], $0xffff  }
0xcf: {  	[tilespmem:s14+$0xFFFFFE90] =	vst v19;
	v19 =	vor.u32 v0, v4;
	v0 =	vld [tilespmem:$0x1FF10];
	_ =	sdelay $0x2  }
0xd0: {  	v22 =	vld.idx.msk [tilespmem:v23+s10+$0x0], $0xffff  }
0xd1: {  	v20 =	vld.idx.msk [tilespmem:v20+s10+$0x0], $0xffff;
	v21 =	vor.u32 v30, v2  }
0xd2: {  	[tilespmem:s14+$0xFFFFFF10] =	vst v17;
	v17 =	vor.u32 v0, v10;
	v0 =	vld [tilespmem:$0x1FE90];
	_ =	sdelay $0x2  }
0xd3: {  	[tilespmem:s14+$0xFFFFFE00] =	vst v16;
	v7 =	vld.idx.msk [tilespmem:v7+s10+$0x0], $0xffff  }
0xd4: {  	[tilespmem:s14+$0x0] =	vst v22;
	v22 =	vor.u32 v41, v9;
	v16 =	vld.idx.msk [tilespmem:v21+s10+$0x0], $0xffff  }
0xd5: {  	[tilespmem:s14+$0xFFFFFF90] =	vst v20;
	v20 =	vor.u32 v0, v3;
	v0 =	vld [tilespmem:$0x1FF80];
	_ =	sdelay $0x2  }
0xd6: {  	v15 =	vld.idx.msk [tilespmem:v15+s10+$0x0], $0xffff  }
0xd7: {  	[tilespmem:s14+$0x80] =	vst v7;
	v7 =	vor.u32 v49, v8;
	v21 =	vld.idx.msk [tilespmem:v22+s10+$0x0], $0xffff  }
0xd8: {  	[tilespmem:s14+$0xFFFFFE10] =	vst v16;
	v16 =	vor.u32 v0, v5;
	v0 =	vld [tilespmem:$0x1FF20];
	_ =	sdelay $0x1  }
0xd9: {  	v11 =	vor.u32 v28, v5;
	_ =	sdelay $0x1  }
0xda: {  	[tilespmem:s14+$0x100] =	vst v15;
	v15 =	vor.u32 v57, v6;
	v7 =	vld.idx.msk [tilespmem:v7+s10+$0x0], $0xffff  }
0xdb: {  	[tilespmem:s14+$0xFFFFFEA0] =	vst v21;
	v21 =	vor.u32 v0, v10;
	v0 =	vld [tilespmem:$0x1FE30];
	_ =	sdelay $0x1  }
0xdc: {  	v11 =	vld.idx.msk [tilespmem:v11+s10+$0x0], $0xffff  }
0xdd: {  	v18 =	vld.idx.msk [tilespmem:v18+s10+$0x0], $0xffff  }
0xde: {  	v15 =	vld.idx.msk [tilespmem:v15+s10+$0x0], $0xffff  }
0xdf: {  	[tilespmem:s14+$0xFFFFFF20] =	vst v7;
	v7 =	vor.u32 v0, v4;
	v0 =	vld [tilespmem:$0x1FEA0];
	_ =	sdelay $0x1  }
0xe0: {  	[tilespmem:s14+$0x10] =	vst v11  }
0xe1: {  	v11 =	vor.u32 v42, v9;
	v13 =	vld.idx.msk [tilespmem:v13+s10+$0x0], $0xffff;
	[tilespmem:s14+$0x110] =	vst v18  }
0xe2: {  	v18 =	vld.idx.msk [tilespmem:v20+s10+$0x0], $0xffff  }
0xe3: {  	[tilespmem:s14+$0xFFFFFFA0] =	vst v15;
	v15 =	vor.u32 v0, v3;
	v0 =	vld [tilespmem:$0x1FF30];
	_ =	sdelay $0x2  }
0xe4: {  	v11 =	vld.idx.msk [tilespmem:v11+s10+$0x0], $0xffff  }
0xe5: {  	[tilespmem:s14+$0x90] =	vst v13;
	v13 =	vor.u32 v50, v8;
	v12 =	vld.idx.msk [tilespmem:v12+s10+$0x0], $0xffff  }
0xe6: {  	[tilespmem:s14+$0x120] =	vst v18;
	v18 =	vor.u32 v0, v10;
	v0 =	vld [tilespmem:$0x1FF90];
	_ =	sdelay $0x3  }
0xe7: {  	v13 =	vld.idx.msk [tilespmem:v13+s10+$0x0], $0xffff;
	[tilespmem:s14+$0x1A0] =	vst v12;
	v12 =	vor.u32 v58, v6  }
0xe8: {  	[tilespmem:s14+$0xFFFFFEB0] =	vst v11;
	v11 =	vor.u32 v0, v5;
	v0 =	vld [tilespmem:$0x1FE40]  }
0xe9: {  	v14 =	vld.idx.msk [tilespmem:v14+s10+$0x0], $0xffff  }
0xea: {  	v19 =	vld.idx.msk [tilespmem:v19+s10+$0x0], $0xffff;
	_ =	sdelay $0x1  }
0xeb: {  	v12 =	vld.idx.msk [tilespmem:v12+s10+$0x0], $0xffff  }
0xec: {  	[tilespmem:s14+$0xFFFFFF30] =	vst v13;
	v13 =	vor.u32 v0, v4;
	v0 =	vld [tilespmem:$0x1FEB0]  }
0xed: {  	[tilespmem:s14+$0x20] =	vst v14  }
0xee: {  	v14 =	vor.u32 v43, v9;
	v17 =	vld.idx.msk [tilespmem:v17+s10+$0x0], $0xffff;
	[tilespmem:s14+$0xA0] =	vst v19  }
0xef: {  	v22 =	vor.u32 v29, v2;
	v7 =	vld.idx.msk [tilespmem:v7+s10+$0x0], $0xffff;
	_ =	sdelay $0x1  }
0xf0: {  	[tilespmem:s14+$0xFFFFFFB0] =	vst v12;
	v12 =	vor.u32 v0, v3;
	v0 =	vld [tilespmem:$0x1FF40];
	_ =	sdelay $0x1  }
0xf1: {  	v14 =	vld.idx.msk [tilespmem:v14+s10+$0x0], $0xffff;
	[tilespmem:s14+$0x1B0] =	vst v17;
	v17 =	vor.u32 v51, v8  }
0xf2: {  	v20 =	vld.idx.msk [tilespmem:v22+s10+$0x0], $0xffff;
	[tilespmem:s14+$0xB0] =	vst v7  }
0xf3: {  	v22 =	vor.u32 v34, v2;
	v7 =	vld.idx.msk [tilespmem:v13+s10+$0x0], $0xffff  }
0xf4: {  	v13 =	vor.u32 v0, v10;
	v0 =	vld [tilespmem:$0x1FFA0]  }
0xf5: {  	v16 =	vld.idx.msk [tilespmem:v16+s10+$0x0], $0xffff  }
0xf6: {  	v17 =	vld.idx.msk [tilespmem:v17+s10+$0x0], $0xffff  }
0xf7: {  	[tilespmem:s14+$0xFFFFFE20] =	vst v20;
	v19 =	vld.idx.msk [tilespmem:v21+s10+$0x0], $0xffff  }
0xf8: {  	v20 =	vld.idx.msk [tilespmem:v22+s10+$0x0], $0xffff  }
0xf9: {  	[tilespmem:s14+$0xFFFFFEC0] =	vst v14;
	v14 =	vor.u32 v0, v5;
	v0 =	vld [tilespmem:$0x1FE50]  }
0xfa: {  	v22 =	vor.u32 v35, v2  }
0xfb: {  	[tilespmem:s14+$0x30] =	vst v16  }
0xfc: {  	v21 =	vor.u32 v59, v6;
	[tilespmem:s14+$0x1C0] =	vst v19;
	v15 =	vld.idx.msk [tilespmem:v15+s10+$0x0], $0xffff  }
0xfd: {  	[tilespmem:s14+$0xFFFFFF40] =	vst v17;
	v16 =	vld.idx.msk [tilespmem:v18+s10+$0x0], $0xffff  }
0xfe: {  	[tilespmem:s14+$0xFFFFFE30] =	vst v20;
	v17 =	vor.u32 v0, v4;
	v0 =	vld [tilespmem:$0x1FEC0]  }
0xff: {  	v20 =	vld.idx.msk [tilespmem:v22+s10+$0x0], $0xffff;
	v19 =	vor.u32 v44, v9  }
0x100: {  	v11 =	vld.idx.msk [tilespmem:v11+s10+$0x0], $0xffff  }
0x101: {  	v21 =	vld.idx.msk [tilespmem:v21+s10+$0x0], $0xffff;
	[tilespmem:s14+$0x130] =	vst v15  }
0x102: {  	[tilespmem:s14+$0x1D0] =	vst v16;
	v16 =	vor.u32 v36, v2;
	v12 =	vld.idx.msk [tilespmem:v12+s10+$0x0], $0xffff  }
0x103: {  	v22 =	vor.u32 v0, v3;
	v0 =	vld [tilespmem:$0x1FE00]  }
0x104: {  	[tilespmem:s14+$0xFFFFFE40] =	vst v20;
	v19 =	vld.idx.msk [tilespmem:v19+s10+$0x0], $0xffff  }
0x105: {  	v18 =	vor.u32 v52, v8;
	[tilespmem:s14+$0x40] =	vst v11;
	v11 =	vld [tilespmem:$0x1FFD0]  }
0x106: {  	[tilespmem:s14+$0xFFFFFFC0] =	vst v21;
	v15 =	vor.u32 v60, v6;
	v13 =	vld.idx.msk [tilespmem:v13+s10+$0x0], $0xffff  }
0x107: {  	v21 =	vor.u32 v45, v9;
	[tilespmem:s14+$0x140] =	vst v12;
	v12 =	vld.idx.msk [tilespmem:v16+s10+$0x0], $0xffff  }
0x108: {  	v16 =	vld [tilespmem:$0x1FE60];
	v10 =	vor.u32 v0, v10;
	_ =	sdelay $0x1  }
0x109: {  	v18 =	vld.idx.msk [tilespmem:v18+s10+$0x0], $0xffff  }
0x10a: {  	[tilespmem:s14+$0xFFFFFED0] =	vst v19;
	v15 =	vld.idx.msk [tilespmem:v15+s10+$0x0], $0xffff  }
0x10b: {  	v19 =	vor.u32 v11, v5;
	v11 =	vld.idx.msk [tilespmem:v21+s10+$0x0], $0xffff;
	[tilespmem:s14+$0x1E0] =	vst v13  }
0x10c: {  	v33 =	vmov v29;
	v29 =	vor.u32 v16, v4;
	v16 =	vld.idx.msk [tilespmem:v10+s10+$0x0], $0xffff  }
0x10d: {  	v10 =	vld [tilespmem:$0x1FFB0]  }
0x10e: {  	v24 =	vld.idx.msk [tilespmem:v14+s10+$0x0], $0xffff  }
0x10f: {  	[tilespmem:s14+$0xC0] =	vst v7;
	v14 =	vor.u32 v53, v8;
	v13 =	vld [tilespmem:$0x1FED0]  }
0x110: {  	v46 =	vmov v27;
	v27 =	vor.u32 v61, v6;
	v26 =	vld.idx.msk [tilespmem:v17+s10+$0x0], $0xffff  }
0x111: {  	s7 =	sadd.s32 $0x1, s2;
	v9 =	vor.u32 v46, v9;
	v0 =	vmov v28;
	v28 =	vld.idx.msk [tilespmem:v22+s10+$0x0], $0xffff  }
0x112: {  	p1 =	slt.u32 s2, $0x18;
	s8 =	sadd.s32 $0x2, s2;
	v7 =	vmov s2;
	v21 =	vmov s7;
	s7 =	sadd.s32 $0x3, s2;
	v20 =	vor.u32 v10, v2;
	v10 =	vld [tilespmem:$0x1FEF0]  }
.Ltmp2:
0x113: {  	v32 =	vmovc v30;
	[tilespmem:s14+$0xFFFFFF50] =	vst v18;
	v18 =	vmov s8;
	s8 =	sadd.s32 $0x5, s2;
	v7 =	vshrl.u32 v7, $0x3;
	v30 =	vmov s7;
	(pc) =	sbr.rel @p1 .LBB2_3-.Ltmp2, $4  }
0x114: {  	[tilespmem:s14+$0xFFFFFFD0] =	vst v15;
	v23 =	vmov s8;
	v7 =	vshll.u32 v7, v1;
	v17 =	vor.u32 v13, v3;
	v13 =	vld.idx.msk [tilespmem:v14+s10+$0x0], $0xffff  }
0x115: {  	s7 =	sadd.s32 $0x4, s2;
	v21 =	vshrl.u32 v21, $0x3;
	v7 =	vbroadcast v7, $0x0;
	v8 =	vor.u32 v54, v8;
	v14 =	vld.idx.msk [tilespmem:v27+s10+$0x0], $0xffff;
	[tilespmem:s14+$0x50] =	vst v24  }
0x116: {  	s8 =	sadd.s32 $0x6, s2;
	v25 =	vmov s7;
	v27 =	vmovc v46;
	v15 =	vld.idx.msk [tilespmem:v19+s10+$0x0], $0xffff;
	v19 =	vshrl.u32 v30, $0x3;
	v30 =	vmovc v32;
	[tilespmem:s14+$0xD0] =	vst v26;
	v26 =	vmov v54  }
0x117: {  	s6 =	sadd.s32 $0x7, s2;
	s2 =	sadd.s32 $0x8, s2;
	v24 =	vmov s8;
	v22 =	vshrl.u32 v18, $0x3;
	v18 =	vld.idx.msk [tilespmem:v29+s10+$0x0], $0xffff;
	v29 =	vmovc v33;
	[tilespmem:s14+$0x150] =	vst v28;
	v28 =	vmovc v0;
	v10 =	vor.u32 v10, v7  }
0x118: {  	_ =	sdelay $0x2  }
0x119: {  	[tilespmem:s14+$0xFFFFFE50] =	vst v12  }
0x11a: {  	[tilespmem:s14+$0x1F0] =	vst v16;
	v16 =	vld.idx.msk [tilespmem:v17+s10+$0x0], $0xffff  }
0x11b: {  	v12 =	vshrl.u32 v25, $0x3;
	v25 =	vmov s6;
	[tilespmem:s14+$0xFFFFFEE0] =	vst v11;
	v20 =	vld.idx.msk [tilespmem:v20+s10+$0x0], $0xffff  }
0x11c: {  	v17 =	vshrl.u32 v23, $0x3;
	v23 =	vshrl.u32 v25, $0x3;
	[tilespmem:s14+$0xFFFFFF60] =	vst v13;
	v9 =	vld.idx.msk [tilespmem:v9+s10+$0x0], $0xffff  }
0x11d: {  	v11 =	vshll.u32 v23, v1;
	v23 =	vor.u32 v31, v4;
	v0 =	vld [tilespmem:$0x1FEE0];
	[tilespmem:s14+$0xFFFFFFE0] =	vst v14  }
0x11e: {  	v4 =	vshll.u32 v21, v1;
	v14 =	vor.u32 v38, v2;
	v21 =	vld.idx.msk [tilespmem:v8+s10+$0x0], $0xffff;
	[tilespmem:s14+$0x60] =	vst v15  }
0x11f: {  	v6 =	vor.u32 v62, v6;
	v8 =	vld [tilespmem:$0x1FF50]  }
0x120: {  	v5 =	vor.u32 v37, v5  }
0x121: {  	[tilespmem:s14+$0xE0] =	vst v18  }
0x122: {  	v11 =	vbroadcast v11, $0x0;
	[tilespmem:s14+$0xFFFFFE60] =	vst v20  }
0x123: {  	[tilespmem:s14+$0x160] =	vst v16;
	v13 =	vor.u32 v0, v3;
	v3 =	vbroadcast v4, $0x0;
	v4 =	vshll.u32 v22, v1;
	v14 =	vld.idx.msk [tilespmem:v14+s10+$0x0], $0xffff  }
0x124: {  	[tilespmem:s14+$0xFFFFFEF0] =	vst v9;
	v2 =	vbroadcast v4, $0x0;
	v4 =	vshll.u32 v19, v1;
	v19 =	vld.idx.msk [tilespmem:v6+s10+$0x0], $0xffff;
	v15 =	vor.u32 v8, v11  }
0x125: {  	[tilespmem:s14+$0xFFFFFF70] =	vst v21;
	v6 =	vshll.u32 v12, v1;
	v12 =	vld.idx.msk [tilespmem:v5+s10+$0x0], $0xffff;
	v18 =	vor.u32 v39, v3  }
0x126: {  	v21 =	vld [tilespmem:$0x1FFE0]  }
0x127: {  	v5 =	vbroadcast v6, $0x0;
	v6 =	vshll.u32 v17, v1;
	v17 =	vld.idx.msk [tilespmem:v23+s10+$0x0], $0xffff;
	v16 =	vor.u32 v47, v2  }
0x128: {  	v4 =	vbroadcast v4, $0x0;
	v13 =	vld.idx.msk [tilespmem:v13+s10+$0x0], $0xffff  }
0x129: {  	v15 =	vld.idx.msk [tilespmem:v15+s10+$0x0], $0xffff  }
0x12a: {  	v20 =	vor.u32 v55, v4;
	[tilespmem:s14+$0xFFFFFFF0] =	vst v19;
	v18 =	vld.idx.msk [tilespmem:v18+s10+$0x0], $0xffff  }
0x12b: {  	v6 =	vbroadcast v6, $0x0;
	v9 =	vor.u32 v63, v5;
	v19 =	vld [tilespmem:$0x1FF70]  }
0x12c: {  	[tilespmem:s14+$0x70] =	vst v12;
	v12 =	vld.idx.msk [tilespmem:v16+s10+$0x0], $0xffff  }
0x12d: {  	v21 =	vor.u32 v21, v6;
	v22 =	vld [tilespmem:$0x1FF60];
	[tilespmem:s14+$0xF0] =	vst v17  }
0x12e: {  	v24 =	vshrl.u32 v24, $0x3;
	[tilespmem:s14+$0xFFFFFE70] =	vst v14  }
0x12f: {  	s2 =	sadd.s32 $0x400, s14;
	v8 =	vshll.u32 v24, v1;
	v17 =	vld.idx.msk [tilespmem:v20+s10+$0x0], $0xffff;
	[tilespmem:s14+$0x170] =	vst v13;
	v13 =	vor.u32 v40, v3  }
0x130: {  	v8 =	vbroadcast v8, $0x0;
	v9 =	vld.idx.msk [tilespmem:v9+s10+$0x0], $0xffff;
	[tilespmem:s2+$0x180] =	vst v15  }
0x131: {  	v10 =	vld.idx.msk [tilespmem:v10+s10+$0x0], $0xffff;
	[tilespmem:s2+$0xFFFFFE80] =	vst v18  }
0x132: {  	v20 =	vld.idx.msk [tilespmem:v21+s10+$0x0], $0xffff;
	v19 =	vor.u32 v19, v8;
	[tilespmem:s2+$0xFFFFFF00] =	vst v12  }
0x133: {  	v16 =	vor.u32 v22, v11;
	v12 =	vld [tilespmem:$0x1FFF0]  }
0x134: {  	[tilespmem:s2+$0xFFFFFF80] =	vst v17;
	v13 =	vld.idx.msk [tilespmem:v13+s10+$0x0], $0xffff  }
0x135: {  	v14 =	vor.u32 v48, v2;
	v17 =	vld [tilespmem:$0x1FF00];
	[tilespmem:s2+$0x0] =	vst v9  }
0x136: {  	v15 =	vor.u32 v56, v4;
	v24 =	vld [tilespmem:$0x1FE80]  }
0x137: {  	v18 =	vor.u32 v28, v5;
	v19 =	vld.idx.msk [tilespmem:v19+s10+$0x0], $0xffff  }
0x138: {  	v16 =	vld.idx.msk [tilespmem:v16+s10+$0x0], $0xffff;
	v12 =	vor.u32 v12, v6  }
0x139: {  	[tilespmem:s2+$0x80] =	vst v20  }
0x13a: {  	v14 =	vld.idx.msk [tilespmem:v14+s10+$0x0], $0xffff;
	v20 =	vor.u32 v30, v7;
	[tilespmem:s2+$0xFFFFFE00] =	vst v10  }
0x13b: {  	v15 =	vld.idx.msk [tilespmem:v15+s10+$0x0], $0xffff;
	v17 =	vor.u32 v17, v11;
	[tilespmem:s2+$0xFFFFFE90] =	vst v13  }
0x13c: {  	v18 =	vld.idx.msk [tilespmem:v18+s10+$0x0], $0xffff;
	[tilespmem:s2+$0x100] =	vst v19  }
0x13d: {  	v9 =	vor.u32 v24, v8;
	[tilespmem:s2+$0x190] =	vst v16;
	v12 =	vld.idx.msk [tilespmem:v12+s10+$0x0], $0xffff  }
0x13e: {  	v13 =	vld [tilespmem:$0x1FFC0]  }
0x13f: {  	v19 =	vor.u32 v41, v3;
	[tilespmem:s2+$0xFFFFFF10] =	vst v14;
	v14 =	vld.idx.msk [tilespmem:v20+s10+$0x0], $0xffff  }
0x140: {  	v17 =	vld.idx.msk [tilespmem:v17+s10+$0x0], $0xffff  }
0x141: {  	v16 =	vor.u32 v49, v2;
	v20 =	vld [tilespmem:$0x1FF10]  }
0x142: {  	[tilespmem:s2+$0xFFFFFF90] =	vst v15;
	v9 =	vld.idx.msk [tilespmem:v9+s10+$0x0], $0xffff  }
0x143: {  	v10 =	vor.u32 v57, v4;
	v15 =	vld [tilespmem:$0x1FE20]  }
0x144: {  	[tilespmem:s2+$0x10] =	vst v18;
	v19 =	vld.idx.msk [tilespmem:v19+s10+$0x0], $0xffff  }
0x145: {  	v18 =	vld [tilespmem:$0x1FE90]  }
0x146: {  	v16 =	vld.idx.msk [tilespmem:v16+s10+$0x0], $0xffff;
	[tilespmem:s2+$0x90] =	vst v12  }
0x147: {  	[tilespmem:s2+$0xFFFFFE10] =	vst v14  }
0x148: {  	v10 =	vld.idx.msk [tilespmem:v10+s10+$0x0], $0xffff;
	[tilespmem:s2+$0x1A0] =	vst v17;
	v17 =	vor.u32 v42, v3  }
0x149: {  	[tilespmem:s2+$0x110] =	vst v9  }
0x14a: {  	v13 =	vor.u32 v13, v5;
	[tilespmem:s2+$0xFFFFFEA0] =	vst v19  }
0x14b: {  	v20 =	vor.u32 v20, v11;
	v19 =	vld [tilespmem:$0x1FF20];
	[tilespmem:s2+$0xFFFFFF20] =	vst v16  }
0x14c: {  	v12 =	vor.u32 v29, v7;
	v23 =	vld [tilespmem:$0x1FF80]  }
0x14d: {  	v15 =	vor.u32 v15, v6;
	[tilespmem:s2+$0xFFFFFFA0] =	vst v10;
	v10 =	vld.idx.msk [tilespmem:v17+s10+$0x0], $0xffff  }
0x14e: {  	v18 =	vor.u32 v18, v8;
	v17 =	vld [tilespmem:$0x1FE30]  }
0x14f: {  	v9 =	vor.u32 v50, v2;
	v13 =	vld.idx.msk [tilespmem:v13+s10+$0x0], $0xffff  }
0x150: {  	v20 =	vld.idx.msk [tilespmem:v20+s10+$0x0], $0xffff  }
0x151: {  	v12 =	vld.idx.msk [tilespmem:v12+s10+$0x0], $0xffff  }
0x152: {  	v14 =	vld.idx.msk [tilespmem:v15+s10+$0x0], $0xffff;
	v15 =	vor.u32 v58, v4  }
0x153: {  	v18 =	vld.idx.msk [tilespmem:v18+s10+$0x0], $0xffff;
	v17 =	vor.u32 v17, v6  }
0x154: {  	v9 =	vld.idx.msk [tilespmem:v9+s10+$0x0], $0xffff;
	[tilespmem:s2+$0x20] =	vst v13  }
0x155: {  	v13 =	vld [tilespmem:$0x1FEA0];
	[tilespmem:s2+$0x1B0] =	vst v20;
	v20 =	vor.u32 v34, v7  }
0x156: {  	[tilespmem:s2+$0xFFFFFE20] =	vst v12  }
0x157: {  	v19 =	vor.u32 v19, v11;
	v15 =	vld.idx.msk [tilespmem:v15+s10+$0x0], $0xffff;
	[tilespmem:s2+$0xA0] =	vst v14  }
0x158: {  	v16 =	vor.u32 v23, v5;
	[tilespmem:s2+$0x120] =	vst v18;
	v12 =	vld.idx.msk [tilespmem:v17+s10+$0x0], $0xffff  }
0x159: {  	v17 =	vld [tilespmem:$0x1FF30];
	[tilespmem:s2+$0xFFFFFEB0] =	vst v10  }
0x15a: {  	v14 =	vor.u32 v43, v3;
	[tilespmem:s2+$0xFFFFFF30] =	vst v9;
	v9 =	vld.idx.msk [tilespmem:v20+s10+$0x0], $0xffff  }
0x15b: {  	v13 =	vor.u32 v13, v8;
	v20 =	vld [tilespmem:$0x1FF90]  }
0x15c: {  	v18 =	vor.u32 v51, v2;
	v19 =	vld.idx.msk [tilespmem:v19+s10+$0x0], $0xffff  }
0x15d: {  	v16 =	vld.idx.msk [tilespmem:v16+s10+$0x0], $0xffff;
	[tilespmem:s2+$0xFFFFFFB0] =	vst v15  }
0x15e: {  	v10 =	vor.u32 v59, v4;
	v15 =	vld [tilespmem:$0x1FE40]  }
0x15f: {  	v14 =	vld.idx.msk [tilespmem:v14+s10+$0x0], $0xffff;
	v17 =	vor.u32 v17, v11  }
0x160: {  	v13 =	vld.idx.msk [tilespmem:v13+s10+$0x0], $0xffff;
	v20 =	vor.u32 v20, v5  }
0x161: {  	v18 =	vld.idx.msk [tilespmem:v18+s10+$0x0], $0xffff;
	[tilespmem:s2+$0x1C0] =	vst v19  }
0x162: {  	v19 =	vld [tilespmem:$0x1FEB0]  }
0x163: {  	[tilespmem:s2+$0x30] =	vst v16;
	v10 =	vld.idx.msk [tilespmem:v10+s10+$0x0], $0xffff;
	v15 =	vor.u32 v15, v6  }
0x164: {  	[tilespmem:s2+$0xB0] =	vst v12;
	v17 =	vld.idx.msk [tilespmem:v17+s10+$0x0], $0xffff  }
0x165: {  	v16 =	vor.u32 v35, v7;
	[tilespmem:s2+$0x130] =	vst v13;
	v13 =	vld.idx.msk [tilespmem:v20+s10+$0x0], $0xffff  }
0x166: {  	v20 =	vld [tilespmem:$0x1FF40];
	[tilespmem:s2+$0xFFFFFE30] =	vst v9  }
0x167: {  	[tilespmem:s2+$0xFFFFFEC0] =	vst v14  }
0x168: {  	v12 =	vor.u32 v44, v3;
	[tilespmem:s2+$0xFFFFFF40] =	vst v18;
	v15 =	vld.idx.msk [tilespmem:v15+s10+$0x0], $0xffff  }
0x169: {  	v19 =	vor.u32 v19, v8;
	v18 =	vld [tilespmem:$0x1FFA0]  }
0x16a: {  	v16 =	vld.idx.msk [tilespmem:v16+s10+$0x0], $0xffff;
	[tilespmem:s2+$0x1D0] =	vst v17  }
0x16b: {  	v9 =	vor.u32 v52, v2;
	v17 =	vld [tilespmem:$0x1FE50];
	[tilespmem:s2+$0xFFFFFFC0] =	vst v10  }
0x16c: {  	v20 =	vor.u32 v20, v11;
	v10 =	vld [tilespmem:$0x1FEC0]  }
0x16d: {  	v14 =	vor.u32 v60, v4;
	v12 =	vld.idx.msk [tilespmem:v12+s10+$0x0], $0xffff;
	[tilespmem:s2+$0x40] =	vst v13  }
0x16e: {  	v19 =	vld.idx.msk [tilespmem:v19+s10+$0x0], $0xffff;
	v18 =	vor.u32 v18, v5;
	[tilespmem:s2+$0xC0] =	vst v15  }
0x16f: {  	v13 =	vor.u32 v36, v7;
	v15 =	vld [tilespmem:$0x1FE00]  }
0x170: {  	v9 =	vld.idx.msk [tilespmem:v9+s10+$0x0], $0xffff;
	v17 =	vor.u32 v17, v6  }
0x171: {  	v20 =	vld.idx.msk [tilespmem:v20+s10+$0x0], $0xffff;
	v10 =	vor.u32 v10, v8  }
0x172: {  	v14 =	vld.idx.msk [tilespmem:v14+s10+$0x0], $0xffff  }
0x173: {  	[tilespmem:s2+$0xFFFFFE40] =	vst v16;
	v18 =	vld.idx.msk [tilespmem:v18+s10+$0x0], $0xffff  }
0x174: {  	[tilespmem:s2+$0xFFFFFED0] =	vst v12;
	v13 =	vld.idx.msk [tilespmem:v13+s10+$0x0], $0xffff;
	v11 =	vor.u32 v15, v11  }
0x175: {  	[tilespmem:s2+$0x140] =	vst v19;
	v15 =	vor.u32 v45, v3;
	v17 =	vld.idx.msk [tilespmem:v17+s10+$0x0], $0xffff  }
0x176: {  	[tilespmem:s2+$0x1E0] =	vst v20;
	v10 =	vld.idx.msk [tilespmem:v10+s10+$0x0], $0xffff  }
0x177: {  	v19 =	vld [tilespmem:$0x1FFD0];
	[tilespmem:s2+$0xFFFFFF50] =	vst v9  }
0x178: {  	v9 =	vld [tilespmem:$0x1FE60]  }
0x179: {  	v11 =	vld.idx.msk [tilespmem:v11+s10+$0x0], $0xffff  }
0x17a: {  	[tilespmem:s2+$0xFFFFFFD0] =	vst v14;
	v14 =	vld.idx.msk [tilespmem:v15+s10+$0x0], $0xffff  }
0x17b: {  	v16 =	vor.u32 v53, v2;
	v15 =	vld [tilespmem:$0x1FED0];
	[tilespmem:s2+$0x50] =	vst v18  }
0x17c: {  	v18 =	vld [tilespmem:$0x1FFB0];
	[tilespmem:s2+$0xFFFFFE50] =	vst v13  }
0x17d: {  	v12 =	vor.u32 v61, v4;
	[tilespmem:s2+$0xD0] =	vst v17  }
0x17e: {  	v3 =	vor.u32 v27, v3;
	[tilespmem:s2+$0x150] =	vst v10  }
0x17f: {  	v19 =	vor.u32 v19, v5;
	[tilespmem:s2+$0x1F0] =	vst v11  }
0x180: {  	v16 =	vld.idx.msk [tilespmem:v16+s10+$0x0], $0xffff;
	v9 =	vor.u32 v9, v6;
	[tilespmem:s2+$0xFFFFFEE0] =	vst v14  }
0x181: {  	v15 =	vor.u32 v15, v8;
	v14 =	vld [tilespmem:$0x1FE70]  }
0x182: {  	v12 =	vld.idx.msk [tilespmem:v12+s10+$0x0], $0xffff;
	v18 =	vor.u32 v18, v7  }
0x183: {  	v2 =	vor.u32 v26, v2;
	v3 =	vld.idx.msk [tilespmem:v3+s10+$0x0], $0xffff  }
0x184: {  	v4 =	vor.u32 v62, v4;
	v10 =	vld.idx.msk [tilespmem:v19+s10+$0x0], $0xffff  }
0x185: {  	v5 =	vor.u32 v37, v5;
	v9 =	vld.idx.msk [tilespmem:v9+s10+$0x0], $0xffff  }
0x186: {  	[tilespmem:s2+$0xFFFFFF60] =	vst v16;
	v11 =	vld.idx.msk [tilespmem:v15+s10+$0x0], $0xffff;
	v6 =	vor.u32 v14, v6  }
0x187: {  	v8 =	vor.u32 v0, v8;
	[tilespmem:s2+$0xFFFFFFE0] =	vst v12;
	v13 =	vld.idx.msk [tilespmem:v18+s10+$0x0], $0xffff  }
0x188: {  	v7 =	vor.u32 v38, v7;
	v2 =	vld.idx.msk [tilespmem:v2+s10+$0x0], $0xffff;
	[tilespmem:s2+$0xFFFFFEF0] =	vst v3  }
0x189: {  	v4 =	vld.idx.msk [tilespmem:v4+s10+$0x0], $0xffff;
	[tilespmem:s2+$0x60] =	vst v10  }
0x18a: {  	[tilespmem:s2+$0xE0] =	vst v9;
	v5 =	vld.idx.msk [tilespmem:v5+s10+$0x0], $0xffff  }
0x18b: {  	[tilespmem:s2+$0x160] =	vst v11;
	v6 =	vld.idx.msk [tilespmem:v6+s10+$0x0], $0xffff  }
0x18c: {  	[tilespmem:s2+$0xFFFFFE60] =	vst v13;
	v8 =	vld.idx.msk [tilespmem:v8+s10+$0x0], $0xffff  }
0x18d: {  	[tilespmem:s2+$0xFFFFFF70] =	vst v2;
	v3 =	vld.idx.msk [tilespmem:v7+s10+$0x0], $0xffff  }
0x18e: {  	[tilespmem:s2+$0xFFFFFFF0] =	vst v4  }
0x18f: {  	s1 =	sshll.u32 s1, $0x11;
	[tilespmem:s2+$0x70] =	vst v5  }
0x190: {  	s6 =	simm.s32 $0x1;
	s7 =	simm.s32 $0x2;
	s1 =	sadd.s32 s1, s12;
	[tilespmem:s2+$0xF0] =	vst v6  }
0x191: {  	p1 =	seq.s32 s31, $0x31;
	s8 =	simm.s32 $0x3;
	s1 =	sshrl.u32 s1, $0x3;
	[tilespmem:s2+$0x170] =	vst v8  }
0x192: {  	s12 =	simm.s32 $0x4;
	s1 =	sadd.s32 s4, s1;
	[tilespmem:s2+$0xFFFFFE70] =	vst v3;
	v3 =	vmov s6;
	s6 =	sshll.u32 @!p1 s31, $0x9  }
0x193: {  	[hbm4b:s1+s9] =	stream.strided.scatter [tilespmem:s18], [sflag:$0x5], $0x1000, s17, s9, $0x38;
	[tilespmem:$0xE400] =	vst v63  }
0x194: {  	s14 =	simm.s32 $0x0;
	v4 =	vmov s7;
	s7 =	simm.s32 $0x5;
	s1 =	sand.u32 @!p1 $0x3FFFFE00, s6  }
0x195: {  	v7 =	vmov s7;
	s7 =	simm.s32 @!p1 $0x80;
	v6 =	vmov s12;
	s12 =	simm.s32 @!p1 $0x6400;
	s2 =	sadd.s32 @!p1 $0x200, s1  }
0x196: {  	[tilespmem:s12], [sflag:$0x1] =	stream.indirect.gather @!p1 [hbm4b:s3+s7], $0x20, s2, s7, $0xb8;
	[tilespmem:$0xE400] =	vst v63  }
0x197: {  	v2 =	vmov s14;
	s14 =	simm.s32 $0x7;
	v5 =	vmov s8;
	s8 =	simm.s32 $0x6;
	v25 =	vld [tilespmem:$0x1FEF0];
	_ =	swait.ge [sflag:s19], $0x1000  }
0x198: {  	v9 =	vmov s8;
	v8 =	vmov s14;
	v3 =	vshrl.u32 v3, $0x3;
	v0 =	vld [tilespmem:$0x1FF50]  }
0x199: {  	v11 =	vshrl.u32 v6, $0x3;
	v8 =	vshrl.u32 v8, $0x3;
	v3 =	vshll.u32 v3, v1  }
0x19a: {  	v13 =	vshrl.u32 v9, $0x3;
	v6 =	vshll.u32 v8, v1;
	v9 =	vbroadcast v3, $0x0  }
0x19b: {  	v12 =	vshrl.u32 v7, $0x3;
	v7 =	vbroadcast v6, $0x0;
	[sflag:s19] =	ssyncset.done $0x0  }
0x19c: {  	v4 =	vshrl.u32 v4, $0x3;
	s2 =	simm.s32 @!p0 $0x6;
	v15 =	vor.u32 v39, v9;
	[sflag:s19] =	ssyncadd.s32 $0xFFFFF000  }
0x19d: {  	v5 =	vshrl.u32 v5, $0x3;
	v3 =	vshll.u32 v4, v1;
	_ =	swait.ge @!p0 [sflag:s2], $0x1000;
	v14 =	vor.u32 v0, v7  }
0x19e: {  	v8 =	vbroadcast v3, $0x0;
	v3 =	vshll.u32 v5, v1;
	v0 =	vld [tilespmem:$0x1FFE0]  }
0x19f: {  	v6 =	vbroadcast v3, $0x0;
	v3 =	vshll.u32 v11, v1;
	[sflag:s2] =	ssyncset.done @!p0 $0x0  }
0x1a0: {  	v5 =	vbroadcast v3, $0x0;
	v3 =	vshll.u32 v12, v1;
	[sflag:s2] =	ssyncadd.s32 @!p0 $0xFFFFF000  }
0x1a1: {  	v11 =	vor.u32 v47, v8;
	v4 =	vbroadcast v3, $0x0;
	v15 =	vld.idx.msk [tilespmem:v15+s11+$0x0], $0xffff  }
0x1a2: {  	v2 =	vshrl.u32 v2, $0x3;
	v12 =	vor.u32 v55, v6;
	v14 =	vld.idx.msk [tilespmem:v14+s11+$0x0], $0xffff  }
0x1a3: {  	v3 =	vshll.u32 v13, v1;
	v13 =	vor.u32 v63, v5;
	v16 =	vor.u32 v0, v4;
	v0 =	vld [tilespmem:$0x1FF70]  }
0x1a4: {  	v2 =	vshll.u32 v2, v1  }
0x1a5: {  	v2 =	vbroadcast v2, $0x0  }
0x1a6: {  	v18 =	vor.u32 v22, v7;
	v3 =	vbroadcast v3, $0x0;
	s2 =	simm.s32 $0xB7F0;
	v11 =	vld.idx.msk [tilespmem:v11+s11+$0x0], $0xffff  }
0x1a7: {  	v10 =	vor.u32 v25, v2;
	v12 =	vld.idx.msk [tilespmem:v12+s11+$0x0], $0xffff;
	[tilespmem:s2+$0xFFFFFC90] =	vst v15  }
0x1a8: {  	v13 =	vld.idx.msk [tilespmem:v13+s11+$0x0], $0xffff;
	v17 =	vor.u32 v0, v3;
	[tilespmem:s2+$0xFFFFFF90] =	vst v14  }
0x1a9: {  	v0 =	vld [tilespmem:$0x1FFF0]  }
0x1aa: {  	v16 =	vld.idx.msk [tilespmem:v16+s11+$0x0], $0xffff  }
0x1ab: {  	v15 =	vld.idx.msk [tilespmem:v18+s11+$0x0], $0xffff  }
0x1ac: {  	v10 =	vld.idx.msk [tilespmem:v10+s11+$0x0], $0xffff;
	[tilespmem:s2+$0xFFFFFD10] =	vst v11  }
0x1ad: {  	v19 =	vor.u32 v40, v9;
	[tilespmem:s2+$0xFFFFFD90] =	vst v12;
	v17 =	vld.idx.msk [tilespmem:v17+s11+$0x0], $0xffff  }
0x1ae: {  	v14 =	vor.u32 v0, v4;
	v0 =	vld [tilespmem:$0x1FF00];
	[tilespmem:s2+$0xFFFFFE10] =	vst v13  }
0x1af: {  	[tilespmem:s2+$0xFFFFFE90] =	vst v16  }
0x1b0: {  	[tilespmem:s2+$0xFFFFFFA0] =	vst v15  }
0x1b1: {  	[tilespmem:s2+$0xFFFFFC10] =	vst v10  }
0x1b2: {  	v20 =	vor.u32 v48, v8;
	v18 =	vld.idx.msk [tilespmem:v19+s11+$0x0], $0xffff;
	[tilespmem:s2+$0xFFFFFF10] =	vst v17  }
0x1b3: {  	v12 =	vor.u32 v0, v7;
	v0 =	vld [tilespmem:$0x1FFC0];
	_ =	sdelay $0x1  }
0x1b4: {  	v21 =	vor.u32 v56, v6  }
0x1b5: {  	v22 =	vor.u32 v28, v5  }
0x1b6: {  	v19 =	vld.idx.msk [tilespmem:v20+s11+$0x0], $0xffff;
	v20 =	vor.u32 v30, v2;
	[tilespmem:s2+$0xFFFFFCA0] =	vst v18  }
0x1b7: {  	v10 =	vor.u32 v0, v5;
	v0 =	vld [tilespmem:$0x1FE20];
	_ =	sdelay $0x1  }
0x1b8: {  	v21 =	vld.idx.msk [tilespmem:v21+s11+$0x0], $0xffff  }
0x1b9: {  	v11 =	vor.u32 v24, v3;
	v22 =	vld.idx.msk [tilespmem:v22+s11+$0x0], $0xffff  }
0x1ba: {  	v13 =	vor.u32 v41, v9;
	v15 =	vld.idx.msk [tilespmem:v20+s11+$0x0], $0xffff;
	[tilespmem:s2+$0xFFFFFD20] =	vst v19  }
0x1bb: {  	v18 =	vor.u32 v0, v4;
	v0 =	vld [tilespmem:$0x1FF10]  }
0x1bc: {  	v14 =	vld.idx.msk [tilespmem:v14+s11+$0x0], $0xffff  }
0x1bd: {  	v12 =	vld.idx.msk [tilespmem:v12+s11+$0x0], $0xffff  }
0x1be: {  	v11 =	vld.idx.msk [tilespmem:v11+s11+$0x0], $0xffff  }
0x1bf: {  	v13 =	vld.idx.msk [tilespmem:v13+s11+$0x0], $0xffff;
	[tilespmem:s2+$0xFFFFFDA0] =	vst v21  }
0x1c0: {  	v16 =	vor.u32 v49, v8;
	v19 =	vor.u32 v0, v7;
	v0 =	vld [tilespmem:$0x1FE90];
	[tilespmem:s2+$0xFFFFFE20] =	vst v22  }
0x1c1: {  	[tilespmem:s2+$0xFFFFFEA0] =	vst v14  }
0x1c2: {  	[tilespmem:s2+$0xFFFFFFB0] =	vst v12  }
0x1c3: {  	[tilespmem:s2+$0xFFFFFF20] =	vst v11  }
0x1c4: {  	v17 =	vor.u32 v57, v6;
	[tilespmem:s2+$0xFFFFFC20] =	vst v15  }
0x1c5: {  	v16 =	vld.idx.msk [tilespmem:v16+s11+$0x0], $0xffff;
	[tilespmem:s2+$0xFFFFFCB0] =	vst v13  }
0x1c6: {  	v20 =	vor.u32 v0, v3;
	v0 =	vld [tilespmem:$0x1FF20];
	_ =	sdelay $0x2  }
0x1c7: {  	v17 =	vld.idx.msk [tilespmem:v17+s11+$0x0], $0xffff  }
0x1c8: {  	v21 =	vor.u32 v29, v2;
	v10 =	vld.idx.msk [tilespmem:v10+s11+$0x0], $0xffff;
	[tilespmem:s2+$0xFFFFFD30] =	vst v16  }
0x1c9: {  	v13 =	vor.u32 v0, v7;
	v0 =	vld [tilespmem:$0x1FE30]  }
0x1ca: {  	v11 =	vld.idx.msk [tilespmem:v19+s11+$0x0], $0xffff  }
0x1cb: {  	v18 =	vld.idx.msk [tilespmem:v18+s11+$0x0], $0xffff  }
0x1cc: {  	v19 =	vld.idx.msk [tilespmem:v20+s11+$0x0], $0xffff  }
0x1cd: {  	v22 =	vor.u32 v42, v9;
	v20 =	vld.idx.msk [tilespmem:v21+s11+$0x0], $0xffff;
	[tilespmem:s2+$0xFFFFFDB0] =	vst v17  }
0x1ce: {  	v16 =	vor.u32 v0, v4;
	v0 =	vld [tilespmem:$0x1FEA0];
	[tilespmem:s2+$0xFFFFFE30] =	vst v10  }
0x1cf: {  	[tilespmem:s2+$0xFFFFFFC0] =	vst v11  }
0x1d0: {  	[tilespmem:s2+$0xFFFFFEB0] =	vst v18  }
0x1d1: {  	[tilespmem:s2+$0xFFFFFF30] =	vst v19  }
0x1d2: {  	v14 =	vor.u32 v50, v8;
	v21 =	vld.idx.msk [tilespmem:v22+s11+$0x0], $0xffff;
	[tilespmem:s2+$0xFFFFFC30] =	vst v20  }
0x1d3: {  	v17 =	vor.u32 v0, v3;
	v0 =	vld [tilespmem:$0x1FF30];
	_ =	sdelay $0x3  }
0x1d4: {  	v12 =	vor.u32 v58, v6;
	v14 =	vld.idx.msk [tilespmem:v14+s11+$0x0], $0xffff;
	[tilespmem:s2+$0xFFFFFCC0] =	vst v21  }
0x1d5: {  	v19 =	vor.u32 v0, v7;
	v0 =	vld [tilespmem:$0x1FF90];
	_ =	sdelay $0x1  }
0x1d6: {  	v15 =	vor.u32 v23, v5;
	_ =	sdelay $0x1  }
0x1d7: {  	v12 =	vld.idx.msk [tilespmem:v12+s11+$0x0], $0xffff;
	[tilespmem:s2+$0xFFFFFD40] =	vst v14  }
0x1d8: {  	v21 =	vor.u32 v0, v5;
	v0 =	vld [tilespmem:$0x1FE40]  }
0x1d9: {  	v13 =	vld.idx.msk [tilespmem:v13+s11+$0x0], $0xffff  }
0x1da: {  	v15 =	vld.idx.msk [tilespmem:v15+s11+$0x0], $0xffff  }
0x1db: {  	v22 =	vor.u32 v34, v2;
	v16 =	vld.idx.msk [tilespmem:v16+s11+$0x0], $0xffff  }
0x1dc: {  	v10 =	vor.u32 v43, v9;
	v17 =	vld.idx.msk [tilespmem:v17+s11+$0x0], $0xffff;
	[tilespmem:s2+$0xFFFFFDC0] =	vst v12  }
0x1dd: {  	v14 =	vor.u32 v0, v4;
	v0 =	vld [tilespmem:$0x1FEB0]  }
0x1de: {  	[tilespmem:s2+$0xFFFFFFD0] =	vst v13  }
0x1df: {  	[tilespmem:s2+$0xFFFFFE40] =	vst v15  }
0x1e0: {  	v20 =	vld.idx.msk [tilespmem:v22+s11+$0x0], $0xffff;
	[tilespmem:s2+$0xFFFFFEC0] =	vst v16  }
0x1e1: {  	v11 =	vor.u32 v51, v8;
	v10 =	vld.idx.msk [tilespmem:v10+s11+$0x0], $0xffff;
	[tilespmem:s2+$0xFFFFFF40] =	vst v17  }
0x1e2: {  	v12 =	vor.u32 v0, v3;
	v0 =	vld [tilespmem:$0x1FF40];
	_ =	sdelay $0x2  }
0x1e3: {  	[tilespmem:s2+$0xFFFFFC40] =	vst v20  }
0x1e4: {  	v11 =	vld.idx.msk [tilespmem:v11+s11+$0x0], $0xffff;
	[tilespmem:s2+$0xFFFFFCD0] =	vst v10  }
0x1e5: {  	v16 =	vor.u32 v0, v7;
	v0 =	vld [tilespmem:$0x1FFA0];
	_ =	sdelay $0x1  }
0x1e6: {  	v18 =	vor.u32 v59, v6;
	_ =	sdelay $0x1  }
0x1e7: {  	[tilespmem:s2+$0xFFFFFD50] =	vst v11  }
0x1e8: {  	v10 =	vor.u32 v0, v5;
	v0 =	vld [tilespmem:$0x1FE50]  }
0x1e9: {  	v15 =	vld.idx.msk [tilespmem:v19+s11+$0x0], $0xffff  }
0x1ea: {  	v18 =	vld.idx.msk [tilespmem:v18+s11+$0x0], $0xffff  }
0x1eb: {  	v22 =	vor.u32 v35, v2;
	v21 =	vld.idx.msk [tilespmem:v21+s11+$0x0], $0xffff  }
0x1ec: {  	v13 =	vor.u32 v44, v9;
	v14 =	vld.idx.msk [tilespmem:v14+s11+$0x0], $0xffff  }
0x1ed: {  	v11 =	vor.u32 v0, v4;
	v0 =	vld [tilespmem:$0x1FEC0]  }
0x1ee: {  	[tilespmem:s2+$0xFFFFFFE0] =	vst v15  }
0x1ef: {  	v12 =	vld.idx.msk [tilespmem:v12+s11+$0x0], $0xffff;
	[tilespmem:s2+$0xFFFFFDD0] =	vst v18  }
0x1f0: {  	v20 =	vld.idx.msk [tilespmem:v22+s11+$0x0], $0xffff;
	[tilespmem:s2+$0xFFFFFE50] =	vst v21  }
0x1f1: {  	v13 =	vld.idx.msk [tilespmem:v13+s11+$0x0], $0xffff;
	[tilespmem:s2+$0xFFFFFED0] =	vst v14  }
0x1f2: {  	v22 =	vor.u32 v0, v3;
	v0 =	vld [tilespmem:$0x1FE00];
	_ =	sdelay $0x1  }
0x1f3: {  	v19 =	vor.u32 v52, v8;
	[tilespmem:s2+$0xFFFFFF50] =	vst v12  }
0x1f4: {  	[tilespmem:s2+$0xFFFFFC50] =	vst v20  }
0x1f5: {  	v15 =	vor.u32 v36, v2;
	v21 =	vld.idx.msk [tilespmem:v10+s11+$0x0], $0xffff;
	[tilespmem:s2+$0xFFFFFCE0] =	vst v13  }
0x1f6: {  	v10 =	vor.u32 v0, v7;
	v0 =	vld [tilespmem:$0x1FFD0]  }
0x1f7: {  	v17 =	vor.u32 v60, v6  }
0x1f8: {  	v19 =	vld.idx.msk [tilespmem:v19+s11+$0x0], $0xffff  }
0x1f9: {  	v18 =	vor.u32 v45, v9;
	v16 =	vld.idx.msk [tilespmem:v16+s11+$0x0], $0xffff  }
0x1fa: {  	v12 =	vld.idx.msk [tilespmem:v15+s11+$0x0], $0xffff  }
0x1fb: {  	v15 =	vor.u32 v0, v5;
	v0 =	vld [tilespmem:$0x1FE60]  }
0x1fc: {  	v23 =	vld.idx.msk [tilespmem:v17+s11+$0x0], $0xffff  }
0x1fd: {  	v24 =	vld.idx.msk [tilespmem:v11+s11+$0x0], $0xffff  }
0x1fe: {  	v11 =	vld.idx.msk [tilespmem:v18+s11+$0x0], $0xffff;
	[tilespmem:s2+$0xFFFFFFF0] =	vst v16  }
0x1ff: {  	v14 =	vor.u32 v53, v8;
	[tilespmem:s2+$0xFFFFFD60] =	vst v19;
	v16 =	vld.idx.msk [tilespmem:v10+s11+$0x0], $0xffff  }
0x200: {  	s14 =	simm.s32 $0x8;
	v26 =	vor.u32 v61, v6;
	v18 =	vor.u32 v0, v4;
	v0 =	vld [tilespmem:$0x1FED0]  }
0x201: {  	s7 =	simm.s32 $0x9;
	v7 =	vmov s14;
	v10 =	vld [tilespmem:$0x1FFB0]  }
0x202: {  	s8 =	simm.s32 $0xA;
	v27 =	vmov s7;
	v22 =	vld.idx.msk [tilespmem:v22+s11+$0x0], $0xffff;
	v7 =	vshrl.u32 v7, $0x3  }
0x203: {  	s0 =	sadd.s32 s0, s5;
	v9 =	vor.u32 v46, v9;
	v7 =	vshll.u32 v7, v1;
	v19 =	vmov s8;
	s8 =	simm.s32 $0xD  }
0x204: {  	s12 =	simm.s32 $0xB;
	v8 =	vor.u32 v54, v8;
	s14 =	sadd.s32 $0x1, s0;
	v7 =	vbroadcast v7, $0x0;
	v13 =	vld.idx.msk [tilespmem:v14+s11+$0x0], $0xffff;
	[tilespmem:s2+$0xFFFFFDE0] =	vst v23;
	v23 =	vmov s8  }
0x205: {  	s7 =	simm.s32 $0xC;
	[tilespmem:s2+$0xFFFFFE60] =	vst v21;
	v21 =	vshrl.u32 v27, $0x3;
	v14 =	vld.idx.msk [tilespmem:v26+s11+$0x0], $0xffff;
	v17 =	vor.u32 v0, v3;
	v0 =	vmovc v28;
	v28 =	vmov s12;
	s12 =	sshrl.u32 s14, $0x5  }
0x206: {  	[tilespmem:s2+$0xFFFFFEE0] =	vst v24;
	v20 =	vor.u32 v10, v2;
	v10 =	vor.u32 v25, v7;
	v25 =	vmov s7;
	s7 =	simm.s32 $0xE;
	v15 =	vld.idx.msk [tilespmem:v15+s11+$0x0], $0xffff;
	s14 =	sshll.u32 s14, $0x7;
	s8 =	sshll.u32 s12, $0xC  }
0x207: {  	s6 =	simm.s32 $0x10;
	[tilespmem:s2+$0xFFFFFF60] =	vst v22;
	v22 =	vshrl.u32 v19, $0x3;
	v24 =	vmov s7;
	s7 =	simm.s32 $0xF;
	v18 =	vld.idx.msk [tilespmem:v18+s11+$0x0], $0xffff;
	v19 =	vshrl.u32 v28, $0x3;
	s14 =	ssub.s32 s14, s8  }
.LBB2_5:
0x208: {  	[tilespmem:s2+$0xFFFFFCF0] =	vst v11  }
0x209: {  	v11 =	vshll.u32 v21, v1;
	v21 =	vld.idx.msk [tilespmem:v9+s11+$0x0], $0xffff  }
0x20a: {  	v9 =	vld [tilespmem:$0x1FEE0];
	_ =	sdelay $0x1  }
0x20b: {  	[tilespmem:s2+$0xFFFFFC60] =	vst v12;
	v12 =	vld.idx.msk [tilespmem:v17+s11+$0x0], $0xffff;
	v5 =	vor.u32 v37, v5  }
0x20c: {  	v6 =	vor.u32 v62, v6;
	[tilespmem:s2+$0x0] =	vst v16;
	v20 =	vld.idx.msk [tilespmem:v20+s11+$0x0], $0xffff  }
0x20d: {  	v25 =	vshrl.u32 v25, $0x3;
	v26 =	vmov s7;
	v4 =	vor.u32 v31, v4;
	v16 =	vld.idx.msk [tilespmem:v10+s11+$0x0], $0xffff;
	[tilespmem:s2+$0xFFFFFD70] =	vst v13  }
0x20e: {  	v17 =	vshrl.u32 v23, $0x3;
	v24 =	vshrl.u32 v24, $0x3;
	[tilespmem:s2+$0xFFFFFDF0] =	vst v14;
	v14 =	vld [tilespmem:$0x1FF50];
	v3 =	vor.u32 v9, v3  }
0x20f: {  	v2 =	vor.u32 v38, v2;
	[tilespmem:s2+$0xFFFFFE70] =	vst v15;
	v13 =	vld.idx.msk [tilespmem:v8+s11+$0x0], $0xffff;
	v9 =	vbroadcast v11, $0x0;
	v11 =	vshll.u32 v22, v1  }
0x210: {  	v23 =	vshrl.u32 v26, $0x3;
	v22 =	vld.idx.msk [tilespmem:v5+s11+$0x0], $0xffff;
	v8 =	vbroadcast v11, $0x0;
	v11 =	vshll.u32 v19, v1  }
0x211: {  	v10 =	vshll.u32 v23, v1;
	[tilespmem:s2+$0xFFFFFEF0] =	vst v18;
	v19 =	vld.idx.msk [tilespmem:v6+s11+$0x0], $0xffff;
	v6 =	vbroadcast v11, $0x0;
	v11 =	vshll.u32 v25, v1  }
0x212: {  	[tilespmem:s2+$0xFFFFFF70] =	vst v12;
	v15 =	vor.u32 v39, v9;
	v5 =	vbroadcast v11, $0x0;
	v11 =	vshll.u32 v17, v1;
	v17 =	vld.idx.msk [tilespmem:v4+s11+$0x0], $0xffff  }
0x213: {  	v10 =	vbroadcast v10, $0x0;
	[tilespmem:s2+$0xFFFFFC70] =	vst v20;
	v4 =	vbroadcast v11, $0x0;
	v11 =	vshll.u32 v24, v1;
	v20 =	vld.idx.msk [tilespmem:v3+s11+$0x0], $0xffff  }
0x214: {  	v18 =	vor.u32 v47, v8;
	v3 =	vbroadcast v11, $0x0;
	v11 =	vld.idx.msk [tilespmem:v2+s11+$0x0], $0xffff  }
0x215: {  	[tilespmem:s2+$0xFFFFFD00] =	vst v21;
	v14 =	vor.u32 v14, v10;
	v2 =	vmov v7;
	v7 =	vld [tilespmem:$0x1FFE0]  }
0x216: {  	v12 =	vor.u32 v55, v6;
	[tilespmem:s2+$0xFFFFFE00] =	vst v19;
	v19 =	vld [tilespmem:$0x1FF60]  }
0x217: {  	[tilespmem:s2+$0xFFFFFD80] =	vst v13;
	v23 =	vor.u32 v63, v5;
	v13 =	vld.idx.msk [tilespmem:v15+s11+$0x0], $0xffff  }
0x218: {  	v15 =	vld [tilespmem:$0x1FF70]  }
0x219: {  	[tilespmem:s2+$0xFFFFFE80] =	vst v22;
	v18 =	vld.idx.msk [tilespmem:v18+s11+$0x0], $0xffff  }
0x21a: {  	v14 =	vld.idx.msk [tilespmem:v14+s11+$0x0], $0xffff;
	[tilespmem:s2+$0xFFFFFF00] =	vst v17;
	v17 =	vor.u32 v48, v8  }
0x21b: {  	v12 =	vld.idx.msk [tilespmem:v12+s11+$0x0], $0xffff;
	[tilespmem:s2+$0xFFFFFF80] =	vst v20  }
0x21c: {  	v7 =	vor.u32 v7, v4;
	v22 =	vld.idx.msk [tilespmem:v23+s11+$0x0], $0xffff;
	[tilespmem:s2+$0xFFFFFC80] =	vst v11;
	s2 =	sadd.s32 $0x400, s2  }
0x21d: {  	v20 =	vor.u32 v56, v6;
	[tilespmem:s2+$0xFFFFFC90] =	vst v13;
	v13 =	vld [tilespmem:$0x1FFF0]  }
0x21e: {  	v19 =	vor.u32 v19, v10;
	[tilespmem:s2+$0xFFFFFD10] =	vst v18;
	v18 =	vld [tilespmem:$0x1FE80]  }
0x21f: {  	v21 =	vor.u32 v40, v9;
	v17 =	vld.idx.msk [tilespmem:v17+s11+$0x0], $0xffff  }
0x220: {  	v11 =	vor.u32 v0, v5;
	[tilespmem:s2+$0xFFFFFD90] =	vst v12;
	v12 =	vld [tilespmem:$0x1FF00]  }
0x221: {  	v15 =	vor.u32 v15, v3;
	v7 =	vld.idx.msk [tilespmem:v7+s11+$0x0], $0xffff  }
0x222: {  	[tilespmem:s2+$0xFFFFFF90] =	vst v14;
	v20 =	vld.idx.msk [tilespmem:v20+s11+$0x0], $0xffff  }
0x223: {  	v14 =	vld.idx.msk [tilespmem:v19+s11+$0x0], $0xffff  }
0x224: {  	[tilespmem:s2+$0xFFFFFE10] =	vst v22;
	v19 =	vld.idx.msk [tilespmem:v21+s11+$0x0], $0xffff  }
0x225: {  	v21 =	vor.u32 v30, v2;
	v11 =	vld.idx.msk [tilespmem:v11+s11+$0x0], $0xffff  }
0x226: {  	[tilespmem:s2+$0xFFFFFC10] =	vst v16;
	v15 =	vld.idx.msk [tilespmem:v15+s11+$0x0], $0xffff  }
0x227: {  	v13 =	vor.u32 v13, v4;
	[tilespmem:s2+$0xFFFFFD20] =	vst v17;
	v17 =	vld [tilespmem:$0x1FF10]  }
0x228: {  	v22 =	vor.u32 v41, v9;
	[tilespmem:s2+$0xFFFFFDA0] =	vst v20;
	v20 =	vld [tilespmem:$0x1FE90]  }
0x229: {  	v18 =	vor.u32 v18, v3;
	[tilespmem:s2+$0xFFFFFFA0] =	vst v14;
	v14 =	vld [tilespmem:$0x1FFC0]  }
0x22a: {  	v12 =	vor.u32 v12, v10;
	[tilespmem:s2+$0xFFFFFE90] =	vst v7;
	v16 =	vld.idx.msk [tilespmem:v21+s11+$0x0], $0xffff  }
0x22b: {  	v7 =	vor.u32 v49, v8;
	[tilespmem:s2+$0xFFFFFCA0] =	vst v19;
	v19 =	vld [tilespmem:$0x1FE20]  }
0x22c: {  	v13 =	vld.idx.msk [tilespmem:v13+s11+$0x0], $0xffff  }
0x22d: {  	[tilespmem:s2+$0xFFFFFF10] =	vst v15;
	v15 =	vor.u32 v57, v6;
	v21 =	vld.idx.msk [tilespmem:v22+s11+$0x0], $0xffff  }
0x22e: {  	v18 =	vld.idx.msk [tilespmem:v18+s11+$0x0], $0xffff  }
0x22f: {  	[tilespmem:s2+$0xFFFFFE20] =	vst v11;
	v11 =	vor.u32 v42, v9;
	v12 =	vld.idx.msk [tilespmem:v12+s11+$0x0], $0xffff  }
0x230: {  	v17 =	vor.u32 v17, v10;
	v7 =	vld.idx.msk [tilespmem:v7+s11+$0x0], $0xffff  }
0x231: {  	v20 =	vor.u32 v20, v3;
	[tilespmem:s2+$0xFFFFFC20] =	vst v16;
	v16 =	vld [tilespmem:$0x1FF80]  }
0x232: {  	v22 =	vor.u32 v29, v2;
	v15 =	vld.idx.msk [tilespmem:v15+s11+$0x0], $0xffff  }
0x233: {  	[tilespmem:s2+$0xFFFFFCB0] =	vst v21;
	v21 =	vld [tilespmem:$0x1FF20]  }
0x234: {  	v14 =	vor.u32 v14, v5;
	v11 =	vld.idx.msk [tilespmem:v11+s11+$0x0], $0xffff;
	[tilespmem:s2+$0xFFFFFFB0] =	vst v12  }
0x235: {  	v19 =	vor.u32 v19, v4;
	[tilespmem:s2+$0xFFFFFF20] =	vst v18;
	v17 =	vld.idx.msk [tilespmem:v17+s11+$0x0], $0xffff  }
0x236: {  	[tilespmem:s2+$0xFFFFFEA0] =	vst v13;
	v13 =	vor.u32 v50, v8;
	v18 =	vld.idx.msk [tilespmem:v20+s11+$0x0], $0xffff  }
0x237: {  	v20 =	vld.idx.msk [tilespmem:v22+s11+$0x0], $0xffff  }
0x238: {  	[tilespmem:s2+$0xFFFFFD30] =	vst v7;
	v7 =	vld [tilespmem:$0x1FE30]  }
0x239: {  	v12 =	vor.u32 v58, v6;
	v14 =	vld.idx.msk [tilespmem:v14+s11+$0x0], $0xffff  }
0x23a: {  	v19 =	vld.idx.msk [tilespmem:v19+s11+$0x0], $0xffff  }
0x23b: {  	v22 =	vor.u32 v34, v2;
	v13 =	vld.idx.msk [tilespmem:v13+s11+$0x0], $0xffff  }
0x23c: {  	v16 =	vor.u32 v16, v5;
	[tilespmem:s2+$0xFFFFFDB0] =	vst v15;
	v15 =	vld [tilespmem:$0x1FEA0]  }
0x23d: {  	[tilespmem:s2+$0xFFFFFCC0] =	vst v11;
	v11 =	vld [tilespmem:$0x1FF90]  }
0x23e: {  	v21 =	vor.u32 v21, v10;
	v12 =	vld.idx.msk [tilespmem:v12+s11+$0x0], $0xffff;
	[tilespmem:s2+$0xFFFFFF30] =	vst v18  }
0x23f: {  	[tilespmem:s2+$0xFFFFFC30] =	vst v20;
	v18 =	vld [tilespmem:$0x1FF30]  }
0x240: {  	v7 =	vor.u32 v7, v4;
	[tilespmem:s2+$0xFFFFFE30] =	vst v14;
	v20 =	vld.idx.msk [tilespmem:v22+s11+$0x0], $0xffff  }
0x241: {  	[tilespmem:s2+$0xFFFFFFC0] =	vst v17;
	v17 =	vor.u32 v51, v8;
	v16 =	vld.idx.msk [tilespmem:v16+s11+$0x0], $0xffff  }
0x242: {  	v14 =	vor.u32 v43, v9;
	[tilespmem:s2+$0xFFFFFD40] =	vst v13;
	v13 =	vld [tilespmem:$0x1FE40]  }
0x243: {  	[tilespmem:s2+$0xFFFFFEB0] =	vst v19;
	v15 =	vor.u32 v15, v3;
	v19 =	vld.idx.msk [tilespmem:v21+s11+$0x0], $0xffff  }
0x244: {  	v21 =	vor.u32 v59, v6;
	[tilespmem:s2+$0xFFFFFDC0] =	vst v12;
	v12 =	vld [tilespmem:$0x1FEB0]  }
0x245: {  	v22 =	vor.u32 v35, v2;
	v7 =	vld.idx.msk [tilespmem:v7+s11+$0x0], $0xffff  }
0x246: {  	v18 =	vor.u32 v18, v10;
	v17 =	vld.idx.msk [tilespmem:v17+s11+$0x0], $0xffff  }
0x247: {  	v14 =	vld.idx.msk [tilespmem:v14+s11+$0x0], $0xffff;
	v13 =	vor.u32 v13, v4  }
0x248: {  	[tilespmem:s2+$0xFFFFFC40] =	vst v20;
	v15 =	vld.idx.msk [tilespmem:v15+s11+$0x0], $0xffff  }
0x249: {  	v21 =	vld.idx.msk [tilespmem:v21+s11+$0x0], $0xffff;
	[tilespmem:s2+$0xFFFFFFD0] =	vst v19  }
0x24a: {  	v11 =	vor.u32 v11, v5;
	[tilespmem:s2+$0xFFFFFE40] =	vst v16;
	v20 =	vld.idx.msk [tilespmem:v22+s11+$0x0], $0xffff  }
0x24b: {  	v16 =	vld.idx.msk [tilespmem:v18+s11+$0x0], $0xffff;
	[tilespmem:s2+$0xFFFFFEC0] =	vst v7  }
0x24c: {  	v12 =	vor.u32 v12, v3;
	v7 =	vld.idx.msk [tilespmem:v13+s11+$0x0], $0xffff  }
0x24d: {  	v13 =	vld [tilespmem:$0x1FF40]  }
0x24e: {  	v22 =	vld [tilespmem:$0x1FEC0]  }
0x24f: {  	v19 =	vor.u32 v44, v9;
	v11 =	vld.idx.msk [tilespmem:v11+s11+$0x0], $0xffff;
	[tilespmem:s2+$0xFFFFFD50] =	vst v17  }
0x250: {  	v17 =	vld [tilespmem:$0x1FE50];
	[tilespmem:s2+$0xFFFFFF40] =	vst v15  }
0x251: {  	v12 =	vld.idx.msk [tilespmem:v12+s11+$0x0], $0xffff;
	[tilespmem:s2+$0xFFFFFFE0] =	vst v16;
	v16 =	vor.u32 v36, v2  }
0x252: {  	[tilespmem:s2+$0xFFFFFCD0] =	vst v14;
	v14 =	vld [tilespmem:$0x1FFA0];
	v13 =	vor.u32 v13, v10  }
0x253: {  	[tilespmem:s2+$0xFFFFFED0] =	vst v7;
	v7 =	vld [tilespmem:$0x1FE00]  }
0x254: {  	v19 =	vld.idx.msk [tilespmem:v19+s11+$0x0], $0xffff;
	[tilespmem:s2+$0xFFFFFC50] =	vst v20  }
0x255: {  	v18 =	vor.u32 v52, v8;
	[tilespmem:s2+$0xFFFFFE50] =	vst v11;
	v11 =	vld [tilespmem:$0x1FFD0]  }
0x256: {  	v15 =	vor.u32 v60, v6;
	[tilespmem:s2+$0xFFFFFF50] =	vst v12;
	v12 =	vld.idx.msk [tilespmem:v16+s11+$0x0], $0xffff  }
0x257: {  	[tilespmem:s2+$0xFFFFFDD0] =	vst v21;
	v21 =	vor.u32 v45, v9;
	v13 =	vld.idx.msk [tilespmem:v13+s11+$0x0], $0xffff  }
0x258: {  	v16 =	vld [tilespmem:$0x1FE60];
	v10 =	vor.u32 v7, v10;
	_ =	sdelay $0x1  }
0x259: {  	v18 =	vld.idx.msk [tilespmem:v18+s11+$0x0], $0xffff;
	v14 =	vor.u32 v14, v5  }
0x25a: {  	v17 =	vor.u32 v17, v4;
	v15 =	vld.idx.msk [tilespmem:v15+s11+$0x0], $0xffff;
	[tilespmem:s2+$0xFFFFFCE0] =	vst v19  }
0x25b: {  	v22 =	vor.u32 v22, v3;
	v19 =	vor.u32 v11, v5;
	v11 =	vld.idx.msk [tilespmem:v21+s11+$0x0], $0xffff;
	[tilespmem:s2+$0xFFFFFFF0] =	vst v13  }
0x25c: {  	v29 =	vor.u32 v16, v4;
	v16 =	vld.idx.msk [tilespmem:v10+s11+$0x0], $0xffff  }
0x25d: {  	v10 =	vld [tilespmem:$0x1FFB0]  }
0x25e: {  	v24 =	vld.idx.msk [tilespmem:v14+s11+$0x0], $0xffff  }
0x25f: {  	v26 =	vld.idx.msk [tilespmem:v17+s11+$0x0], $0xffff  }
0x260: {  	v28 =	vld.idx.msk [tilespmem:v22+s11+$0x0], $0xffff  }
0x261: {  	s8 =	sadd.s32 $0x1, s6;
	v27 =	vor.u32 v61, v6;
	[tilespmem:s2+$0xFFFFFD60] =	vst v18;
	v14 =	vor.u32 v53, v8;
	v13 =	vld [tilespmem:$0x1FED0]  }
0x262: {  	p2 =	slt.u32 s6, $0x18;
	v21 =	vmov s8;
	s8 =	sadd.s32 $0x3, s6;
	v7 =	vmov s6;
	[tilespmem:s2+$0xFFFFFDE0] =	vst v15;
	v20 =	vor.u32 v10, v2;
	v10 =	vld [tilespmem:$0x1FEF0]  }
.Ltmp3:
0x263: {  	s7 =	sadd.s32 $0x2, s6;
	v9 =	vor.u32 v46, v9;
	v30 =	vmov s8;
	v7 =	vshrl.u32 v7, $0x3;
	[tilespmem:s2+$0xFFFFFE60] =	vst v24;
	(pc) =	sbr.rel @p2 .LBB2_5-.Ltmp3, $4  }
0x264: {  	s8 =	sadd.s32 $0x5, s6;
	v21 =	vshrl.u32 v21, $0x3;
	v18 =	vmov s7;
	v7 =	vshll.u32 v7, v1;
	[tilespmem:s2+$0xFFFFFEE0] =	vst v26;
	v15 =	vld.idx.msk [tilespmem:v19+s11+$0x0], $0xffff  }
0x265: {  	s7 =	sadd.s32 $0x4, s6;
	v23 =	vmov s8;
	v22 =	vshrl.u32 v18, $0x3;
	v7 =	vbroadcast v7, $0x0;
	v18 =	vld.idx.msk [tilespmem:v29+s11+$0x0], $0xffff  }
0x266: {  	s8 =	sadd.s32 $0x6, s6;
	v25 =	vmov s7;
	v8 =	vor.u32 v54, v8;
	v17 =	vor.u32 v13, v3;
	v13 =	vld.idx.msk [tilespmem:v14+s11+$0x0], $0xffff  }
0x267: {  	s7 =	sadd.s32 $0x7, s6;
	s6 =	sadd.s32 $0x8, s6;
	[tilespmem:s2+$0xFFFFFF60] =	vst v28;
	v24 =	vmov s8;
	v19 =	vshrl.u32 v30, $0x3;
	v30 =	vmovc v32;
	v29 =	vmovc v33;
	v14 =	vld.idx.msk [tilespmem:v27+s11+$0x0], $0xffff;
	v10 =	vor.u32 v10, v7  }
0x268: {  	_ =	sdelay $0x2  }
0x269: {  	[tilespmem:s2+$0xFFFFFC60] =	vst v12  }
0x26a: {  	[tilespmem:s2+$0x0] =	vst v16;
	v16 =	vld.idx.msk [tilespmem:v17+s11+$0x0], $0xffff  }
0x26b: {  	v12 =	vshrl.u32 v25, $0x3;
	v25 =	vmov s7;
	[tilespmem:s2+$0xFFFFFCF0] =	vst v11;
	v20 =	vld.idx.msk [tilespmem:v20+s11+$0x0], $0xffff  }
0x26c: {  	v17 =	vshrl.u32 v23, $0x3;
	v23 =	vshrl.u32 v25, $0x3;
	v9 =	vld.idx.msk [tilespmem:v9+s11+$0x0], $0xffff;
	[tilespmem:s2+$0xFFFFFD70] =	vst v13  }
0x26d: {  	v11 =	vshll.u32 v23, v1;
	v23 =	vor.u32 v31, v4;
	v25 =	vld [tilespmem:$0x1FEE0];
	[tilespmem:s2+$0xFFFFFDF0] =	vst v14  }
0x26e: {  	v4 =	vshll.u32 v21, v1;
	v14 =	vor.u32 v38, v2;
	v21 =	vld.idx.msk [tilespmem:v8+s11+$0x0], $0xffff;
	[tilespmem:s2+$0xFFFFFE70] =	vst v15  }
0x26f: {  	v6 =	vor.u32 v62, v6;
	v8 =	vld [tilespmem:$0x1FF50]  }
0x270: {  	v5 =	vor.u32 v37, v5  }
0x271: {  	[tilespmem:s2+$0xFFFFFEF0] =	vst v18  }
0x272: {  	v11 =	vbroadcast v11, $0x0;
	[tilespmem:s2+$0xFFFFFC70] =	vst v20  }
0x273: {  	[tilespmem:s2+$0xFFFFFF70] =	vst v16;
	v13 =	vor.u32 v25, v3;
	v3 =	vbroadcast v4, $0x0;
	v4 =	vshll.u32 v22, v1;
	v14 =	vld.idx.msk [tilespmem:v14+s11+$0x0], $0xffff  }
0x274: {  	[tilespmem:s2+$0xFFFFFD00] =	vst v9;
	v2 =	vbroadcast v4, $0x0;
	v4 =	vshll.u32 v19, v1;
	v15 =	vor.u32 v8, v11;
	v19 =	vld.idx.msk [tilespmem:v6+s11+$0x0], $0xffff  }
0x275: {  	[tilespmem:s2+$0xFFFFFD80] =	vst v21;
	v6 =	vshll.u32 v12, v1;
	v12 =	vld.idx.msk [tilespmem:v5+s11+$0x0], $0xffff;
	v18 =	vor.u32 v39, v3  }
0x276: {  	v21 =	vld [tilespmem:$0x1FFE0]  }
0x277: {  	v5 =	vbroadcast v6, $0x0;
	v6 =	vshll.u32 v17, v1;
	v17 =	vld.idx.msk [tilespmem:v23+s11+$0x0], $0xffff;
	v16 =	vor.u32 v47, v2  }
0x278: {  	v4 =	vbroadcast v4, $0x0;
	v13 =	vld.idx.msk [tilespmem:v13+s11+$0x0], $0xffff  }
0x279: {  	v15 =	vld.idx.msk [tilespmem:v15+s11+$0x0], $0xffff  }
0x27a: {  	v20 =	vor.u32 v55, v4;
	[tilespmem:s2+$0xFFFFFE00] =	vst v19;
	v18 =	vld.idx.msk [tilespmem:v18+s11+$0x0], $0xffff  }
0x27b: {  	v6 =	vbroadcast v6, $0x0;
	v9 =	vor.u32 v63, v5;
	v19 =	vld [tilespmem:$0x1FF70]  }
0x27c: {  	[tilespmem:s2+$0xFFFFFE80] =	vst v12;
	v12 =	vld.idx.msk [tilespmem:v16+s11+$0x0], $0xffff  }
0x27d: {  	v21 =	vor.u32 v21, v6;
	v22 =	vld [tilespmem:$0x1FF60];
	[tilespmem:s2+$0xFFFFFF00] =	vst v17  }
0x27e: {  	v24 =	vshrl.u32 v24, $0x3;
	[tilespmem:s2+$0xFFFFFC80] =	vst v14  }
0x27f: {  	s8 =	sadd.s32 $0x400, s2;
	v8 =	vshll.u32 v24, v1;
	v17 =	vld.idx.msk [tilespmem:v20+s11+$0x0], $0xffff;
	[tilespmem:s2+$0xFFFFFF80] =	vst v13;
	v13 =	vor.u32 v40, v3  }
0x280: {  	v8 =	vbroadcast v8, $0x0;
	v9 =	vld.idx.msk [tilespmem:v9+s11+$0x0], $0xffff;
	[tilespmem:s8+$0xFFFFFF90] =	vst v15  }
0x281: {  	v10 =	vld.idx.msk [tilespmem:v10+s11+$0x0], $0xffff;
	[tilespmem:s8+$0xFFFFFC90] =	vst v18  }
0x282: {  	v20 =	vld.idx.msk [tilespmem:v21+s11+$0x0], $0xffff;
	v19 =	vor.u32 v19, v8;
	[tilespmem:s8+$0xFFFFFD10] =	vst v12  }
0x283: {  	v16 =	vor.u32 v22, v11;
	v12 =	vld [tilespmem:$0x1FFF0]  }
0x284: {  	[tilespmem:s8+$0xFFFFFD90] =	vst v17;
	v13 =	vld.idx.msk [tilespmem:v13+s11+$0x0], $0xffff  }
0x285: {  	v14 =	vor.u32 v48, v2;
	v17 =	vld [tilespmem:$0x1FF00];
	[tilespmem:s8+$0xFFFFFE10] =	vst v9  }
0x286: {  	v15 =	vor.u32 v56, v4;
	v24 =	vld [tilespmem:$0x1FE80]  }
0x287: {  	v18 =	vor.u32 v0, v5;
	v19 =	vld.idx.msk [tilespmem:v19+s11+$0x0], $0xffff  }
0x288: {  	v16 =	vld.idx.msk [tilespmem:v16+s11+$0x0], $0xffff;
	v12 =	vor.u32 v12, v6  }
0x289: {  	[tilespmem:s8+$0xFFFFFE90] =	vst v20  }
0x28a: {  	v14 =	vld.idx.msk [tilespmem:v14+s11+$0x0], $0xffff;
	v20 =	vor.u32 v30, v7;
	[tilespmem:s8+$0xFFFFFC10] =	vst v10  }
0x28b: {  	v15 =	vld.idx.msk [tilespmem:v15+s11+$0x0], $0xffff;
	v17 =	vor.u32 v17, v11;
	[tilespmem:s8+$0xFFFFFCA0] =	vst v13  }
0x28c: {  	v18 =	vld.idx.msk [tilespmem:v18+s11+$0x0], $0xffff;
	[tilespmem:s8+$0xFFFFFF10] =	vst v19  }
0x28d: {  	v9 =	vor.u32 v24, v8;
	[tilespmem:s8+$0xFFFFFFA0] =	vst v16;
	v12 =	vld.idx.msk [tilespmem:v12+s11+$0x0], $0xffff  }
0x28e: {  	v13 =	vld [tilespmem:$0x1FFC0]  }
0x28f: {  	v19 =	vor.u32 v41, v3;
	[tilespmem:s8+$0xFFFFFD20] =	vst v14;
	v14 =	vld.idx.msk [tilespmem:v20+s11+$0x0], $0xffff  }
0x290: {  	v17 =	vld.idx.msk [tilespmem:v17+s11+$0x0], $0xffff  }
0x291: {  	v16 =	vor.u32 v49, v2;
	v20 =	vld [tilespmem:$0x1FF10]  }
0x292: {  	[tilespmem:s8+$0xFFFFFDA0] =	vst v15;
	v9 =	vld.idx.msk [tilespmem:v9+s11+$0x0], $0xffff  }
0x293: {  	v10 =	vor.u32 v57, v4;
	v15 =	vld [tilespmem:$0x1FE20]  }
0x294: {  	[tilespmem:s8+$0xFFFFFE20] =	vst v18;
	v19 =	vld.idx.msk [tilespmem:v19+s11+$0x0], $0xffff  }
0x295: {  	v18 =	vld [tilespmem:$0x1FE90]  }
0x296: {  	v16 =	vld.idx.msk [tilespmem:v16+s11+$0x0], $0xffff;
	[tilespmem:s8+$0xFFFFFEA0] =	vst v12  }
0x297: {  	[tilespmem:s8+$0xFFFFFC20] =	vst v14  }
0x298: {  	v10 =	vld.idx.msk [tilespmem:v10+s11+$0x0], $0xffff;
	[tilespmem:s8+$0xFFFFFFB0] =	vst v17;
	v17 =	vor.u32 v42, v3  }
0x299: {  	[tilespmem:s8+$0xFFFFFF20] =	vst v9  }
0x29a: {  	v13 =	vor.u32 v13, v5;
	[tilespmem:s8+$0xFFFFFCB0] =	vst v19  }
0x29b: {  	v20 =	vor.u32 v20, v11;
	v19 =	vld [tilespmem:$0x1FF20];
	[tilespmem:s8+$0xFFFFFD30] =	vst v16  }
0x29c: {  	v12 =	vor.u32 v29, v7;
	v23 =	vld [tilespmem:$0x1FF80]  }
0x29d: {  	v15 =	vor.u32 v15, v6;
	[tilespmem:s8+$0xFFFFFDB0] =	vst v10;
	v10 =	vld.idx.msk [tilespmem:v17+s11+$0x0], $0xffff  }
0x29e: {  	v18 =	vor.u32 v18, v8;
	v17 =	vld [tilespmem:$0x1FE30]  }
0x29f: {  	v9 =	vor.u32 v50, v2;
	v13 =	vld.idx.msk [tilespmem:v13+s11+$0x0], $0xffff  }
0x2a0: {  	v20 =	vld.idx.msk [tilespmem:v20+s11+$0x0], $0xffff  }
0x2a1: {  	v12 =	vld.idx.msk [tilespmem:v12+s11+$0x0], $0xffff  }
0x2a2: {  	v14 =	vld.idx.msk [tilespmem:v15+s11+$0x0], $0xffff;
	v15 =	vor.u32 v58, v4  }
0x2a3: {  	v18 =	vld.idx.msk [tilespmem:v18+s11+$0x0], $0xffff;
	v17 =	vor.u32 v17, v6  }
0x2a4: {  	v9 =	vld.idx.msk [tilespmem:v9+s11+$0x0], $0xffff;
	[tilespmem:s8+$0xFFFFFE30] =	vst v13  }
0x2a5: {  	v13 =	vld [tilespmem:$0x1FEA0];
	[tilespmem:s8+$0xFFFFFFC0] =	vst v20;
	v20 =	vor.u32 v34, v7  }
0x2a6: {  	[tilespmem:s8+$0xFFFFFC30] =	vst v12  }
0x2a7: {  	v19 =	vor.u32 v19, v11;
	v15 =	vld.idx.msk [tilespmem:v15+s11+$0x0], $0xffff;
	[tilespmem:s8+$0xFFFFFEB0] =	vst v14  }
0x2a8: {  	v16 =	vor.u32 v23, v5;
	[tilespmem:s8+$0xFFFFFF30] =	vst v18;
	v12 =	vld.idx.msk [tilespmem:v17+s11+$0x0], $0xffff  }
0x2a9: {  	v17 =	vld [tilespmem:$0x1FF30];
	[tilespmem:s8+$0xFFFFFCC0] =	vst v10  }
0x2aa: {  	v14 =	vor.u32 v43, v3;
	[tilespmem:s8+$0xFFFFFD40] =	vst v9;
	v9 =	vld.idx.msk [tilespmem:v20+s11+$0x0], $0xffff  }
0x2ab: {  	v13 =	vor.u32 v13, v8;
	v20 =	vld [tilespmem:$0x1FF90]  }
0x2ac: {  	v18 =	vor.u32 v51, v2;
	v19 =	vld.idx.msk [tilespmem:v19+s11+$0x0], $0xffff  }
0x2ad: {  	v16 =	vld.idx.msk [tilespmem:v16+s11+$0x0], $0xffff;
	[tilespmem:s8+$0xFFFFFDC0] =	vst v15  }
0x2ae: {  	v10 =	vor.u32 v59, v4;
	v15 =	vld [tilespmem:$0x1FE40]  }
0x2af: {  	v14 =	vld.idx.msk [tilespmem:v14+s11+$0x0], $0xffff;
	v17 =	vor.u32 v17, v11  }
0x2b0: {  	v13 =	vld.idx.msk [tilespmem:v13+s11+$0x0], $0xffff;
	v20 =	vor.u32 v20, v5  }
0x2b1: {  	v18 =	vld.idx.msk [tilespmem:v18+s11+$0x0], $0xffff;
	[tilespmem:s8+$0xFFFFFFD0] =	vst v19  }
0x2b2: {  	v19 =	vld [tilespmem:$0x1FEB0]  }
0x2b3: {  	[tilespmem:s8+$0xFFFFFE40] =	vst v16;
	v10 =	vld.idx.msk [tilespmem:v10+s11+$0x0], $0xffff;
	v15 =	vor.u32 v15, v6  }
0x2b4: {  	[tilespmem:s8+$0xFFFFFEC0] =	vst v12;
	v17 =	vld.idx.msk [tilespmem:v17+s11+$0x0], $0xffff  }
0x2b5: {  	v16 =	vor.u32 v35, v7;
	[tilespmem:s8+$0xFFFFFF40] =	vst v13;
	v13 =	vld.idx.msk [tilespmem:v20+s11+$0x0], $0xffff  }
0x2b6: {  	v20 =	vld [tilespmem:$0x1FF40];
	[tilespmem:s8+$0xFFFFFC40] =	vst v9  }
0x2b7: {  	[tilespmem:s8+$0xFFFFFCD0] =	vst v14  }
0x2b8: {  	v12 =	vor.u32 v44, v3;
	[tilespmem:s8+$0xFFFFFD50] =	vst v18;
	v15 =	vld.idx.msk [tilespmem:v15+s11+$0x0], $0xffff  }
0x2b9: {  	v19 =	vor.u32 v19, v8;
	v18 =	vld [tilespmem:$0x1FFA0]  }
0x2ba: {  	v16 =	vld.idx.msk [tilespmem:v16+s11+$0x0], $0xffff;
	[tilespmem:s8+$0xFFFFFFE0] =	vst v17  }
0x2bb: {  	v9 =	vor.u32 v52, v2;
	v17 =	vld [tilespmem:$0x1FE50];
	[tilespmem:s8+$0xFFFFFDD0] =	vst v10  }
0x2bc: {  	v20 =	vor.u32 v20, v11;
	v10 =	vld [tilespmem:$0x1FEC0]  }
0x2bd: {  	v14 =	vor.u32 v60, v4;
	v12 =	vld.idx.msk [tilespmem:v12+s11+$0x0], $0xffff;
	[tilespmem:s8+$0xFFFFFE50] =	vst v13  }
0x2be: {  	v19 =	vld.idx.msk [tilespmem:v19+s11+$0x0], $0xffff;
	v18 =	vor.u32 v18, v5;
	[tilespmem:s8+$0xFFFFFED0] =	vst v15  }
0x2bf: {  	v13 =	vor.u32 v36, v7;
	v15 =	vld [tilespmem:$0x1FE00]  }
0x2c0: {  	v9 =	vld.idx.msk [tilespmem:v9+s11+$0x0], $0xffff;
	v17 =	vor.u32 v17, v6  }
0x2c1: {  	v20 =	vld.idx.msk [tilespmem:v20+s11+$0x0], $0xffff;
	v10 =	vor.u32 v10, v8  }
0x2c2: {  	v14 =	vld.idx.msk [tilespmem:v14+s11+$0x0], $0xffff  }
0x2c3: {  	[tilespmem:s8+$0xFFFFFC50] =	vst v16;
	v18 =	vld.idx.msk [tilespmem:v18+s11+$0x0], $0xffff  }
0x2c4: {  	[tilespmem:s8+$0xFFFFFCE0] =	vst v12;
	v13 =	vld.idx.msk [tilespmem:v13+s11+$0x0], $0xffff;
	v11 =	vor.u32 v15, v11  }
0x2c5: {  	[tilespmem:s8+$0xFFFFFF50] =	vst v19;
	v15 =	vor.u32 v45, v3;
	v17 =	vld.idx.msk [tilespmem:v17+s11+$0x0], $0xffff  }
0x2c6: {  	[tilespmem:s8+$0xFFFFFFF0] =	vst v20;
	v10 =	vld.idx.msk [tilespmem:v10+s11+$0x0], $0xffff  }
0x2c7: {  	v19 =	vld [tilespmem:$0x1FFD0];
	[tilespmem:s8+$0xFFFFFD60] =	vst v9  }
0x2c8: {  	v9 =	vld [tilespmem:$0x1FE60]  }
0x2c9: {  	v11 =	vld.idx.msk [tilespmem:v11+s11+$0x0], $0xffff  }
0x2ca: {  	[tilespmem:s8+$0xFFFFFDE0] =	vst v14;
	v14 =	vld.idx.msk [tilespmem:v15+s11+$0x0], $0xffff  }
0x2cb: {  	v15 =	vld [tilespmem:$0x1FED0];
	[tilespmem:s8+$0xFFFFFE60] =	vst v18  }
0x2cc: {  	v16 =	vor.u32 v53, v2;
	v18 =	vld [tilespmem:$0x1FFB0];
	[tilespmem:s8+$0xFFFFFC60] =	vst v13  }
0x2cd: {  	v12 =	vor.u32 v61, v4;
	[tilespmem:s8+$0xFFFFFEE0] =	vst v17  }
0x2ce: {  	v3 =	vor.u32 v46, v3;
	[tilespmem:s8+$0xFFFFFF60] =	vst v10  }
0x2cf: {  	v19 =	vor.u32 v19, v5;
	[tilespmem:s8+$0x0] =	vst v11  }
0x2d0: {  	v9 =	vor.u32 v9, v6;
	v13 =	vld [tilespmem:$0x1FE10]  }
0x2d1: {  	v16 =	vld.idx.msk [tilespmem:v16+s11+$0x0], $0xffff;
	v15 =	vor.u32 v15, v8  }
0x2d2: {  	v12 =	vld.idx.msk [tilespmem:v12+s11+$0x0], $0xffff;
	[tilespmem:s8+$0xFFFFFCF0] =	vst v14;
	v18 =	vor.u32 v18, v7  }
0x2d3: {  	v2 =	vor.u32 v54, v2;
	v3 =	vld.idx.msk [tilespmem:v3+s11+$0x0], $0xffff  }
0x2d4: {  	v4 =	vor.u32 v62, v4;
	v10 =	vld.idx.msk [tilespmem:v19+s11+$0x0], $0xffff  }
0x2d5: {  	v9 =	vld.idx.msk [tilespmem:v9+s11+$0x0], $0xffff;
	v5 =	vor.u32 v13, v5  }
0x2d6: {  	v6 =	vor.u32 v31, v6;
	[tilespmem:s8+$0xFFFFFD70] =	vst v16;
	v11 =	vld.idx.msk [tilespmem:v15+s11+$0x0], $0xffff  }
0x2d7: {  	v8 =	vor.u32 v25, v8;
	[tilespmem:s8+$0xFFFFFDF0] =	vst v12;
	v13 =	vld.idx.msk [tilespmem:v18+s11+$0x0], $0xffff  }
0x2d8: {  	v7 =	vor.u32 v38, v7;
	v2 =	vld.idx.msk [tilespmem:v2+s11+$0x0], $0xffff;
	[tilespmem:s8+$0xFFFFFD00] =	vst v3  }
0x2d9: {  	v4 =	vld.idx.msk [tilespmem:v4+s11+$0x0], $0xffff;
	[tilespmem:s8+$0xFFFFFE70] =	vst v10  }
0x2da: {  	[tilespmem:s8+$0xFFFFFEF0] =	vst v9;
	v5 =	vld.idx.msk [tilespmem:v5+s11+$0x0], $0xffff  }
0x2db: {  	[tilespmem:s8+$0xFFFFFF70] =	vst v11;
	v6 =	vld.idx.msk [tilespmem:v6+s11+$0x0], $0xffff  }
0x2dc: {  	[tilespmem:s8+$0xFFFFFC70] =	vst v13;
	v8 =	vld.idx.msk [tilespmem:v8+s11+$0x0], $0xffff  }
0x2dd: {  	[tilespmem:s8+$0xFFFFFD80] =	vst v2;
	v3 =	vld.idx.msk [tilespmem:v7+s11+$0x0], $0xffff  }
0x2de: {  	s6 =	sshll.u32 s12, $0x11;
	[tilespmem:s8+$0xFFFFFE00] =	vst v4  }
0x2df: {  	s6 =	sadd.s32 s6, s14;
	[tilespmem:s8+$0xFFFFFE80] =	vst v5  }
0x2e0: {  	s6 =	sshrl.u32 s6, $0x3;
	[tilespmem:s8+$0xFFFFFF00] =	vst v6  }
0x2e1: {  	s12 =	simm.s32 $0x2;
	s14 =	simm.s32 $0x0;
	s7 =	sadd.s32 s4, s6;
	[tilespmem:s8+$0xFFFFFF80] =	vst v8  }
0x2e2: {  	s6 =	sadd.s32 @!p1 $0x280, s1;
	v2 =	vmov s14;
	s14 =	simm.s32 $0x3;
	[tilespmem:s8+$0xFFFFFC80] =	vst v3;
	s8 =	simm.s32 $0x1  }
0x2e3: {  	[hbm4b:s7+s9] =	stream.strided.scatter [tilespmem:s20], [sflag:$0x6], $0x1000, s17, s9, $0x38;
	[tilespmem:$0xE400] =	vst v63  }
0x2e4: {  	v4 =	vmov s12;
	s12 =	simm.s32 $0x7;
	v2 =	vshrl.u32 v2, $0x3;
	v3 =	vmov s8;
	s7 =	simm.s32 $0x4;
	s8 =	simm.s32 $0x5  }
0x2e5: {  	v5 =	vmov s14;
	s14 =	simm.s32 $0x6;
	v6 =	vmov s7;
	v7 =	vmov s8;
	s7 =	simm.s32 @!p1 $0x80;
	s8 =	simm.s32 @!p1 $0x7400  }
0x2e6: {  	v4 =	vshrl.u32 v4, $0x3;
	v2 =	vshll.u32 v2, v1;
	v25 =	vld [tilespmem:$0x1FEF0];
	v3 =	vshrl.u32 v3, $0x3;
	[tilespmem:s8], [sflag:$0x2] =	stream.indirect.gather @!p1 [hbm4b:s3+s7], $0x20, s6, s7, $0xb8  }
0x2e7: {  	v8 =	vmov s12;
	v9 =	vmov s14;
	v3 =	vshll.u32 v3, v1;
	_ =	swait.ge [sflag:s21], $0x1000  }
0x2e8: {  	v13 =	vshrl.u32 v9, $0x3;
	v9 =	vbroadcast v3, $0x0;
	v3 =	vshll.u32 v4, v1;
	v4 =	vld [tilespmem:$0x1FF50]  }
0x2e9: {  	v2 =	vbroadcast v2, $0x0;
	v8 =	vshrl.u32 v8, $0x3;
	[sflag:s21] =	ssyncset.done $0x0  }
0x2ea: {  	s2 =	simm.s32 @!p0 $0x7;
	v5 =	vshrl.u32 v5, $0x3;
	v11 =	vshrl.u32 v6, $0x3;
	v6 =	vshll.u32 v8, v1;
	[sflag:s21] =	ssyncadd.s32 $0xFFFFF000  }
0x2eb: {  	v12 =	vshrl.u32 v7, $0x3;
	v7 =	vbroadcast v6, $0x0;
	v10 =	vor.u32 v25, v2;
	_ =	swait.ge @!p0 [sflag:s2], $0x1000  }
0x2ec: {  	v8 =	vbroadcast v3, $0x0;
	v3 =	vshll.u32 v5, v1;
	v15 =	vor.u32 v39, v9;
	v16 =	vld [tilespmem:$0x1FFE0]  }
0x2ed: {  	v6 =	vbroadcast v3, $0x0;
	v3 =	vshll.u32 v11, v1;
	v17 =	vld [tilespmem:$0x1FF70];
	v14 =	vor.u32 v4, v7  }
0x2ee: {  	v11 =	vor.u32 v47, v8;
	v5 =	vbroadcast v3, $0x0;
	v3 =	vshll.u32 v12, v1;
	[sflag:s2] =	ssyncset.done @!p0 $0x0  }
0x2ef: {  	v12 =	vor.u32 v55, v6;
	[sflag:s2] =	ssyncadd.s32 @!p0 $0xFFFFF000;
	v4 =	vbroadcast v3, $0x0;
	v3 =	vshll.u32 v13, v1  }
0x2f0: {  	v13 =	vor.u32 v63, v5;
	v10 =	vld.idx.msk [tilespmem:v10+s13+$0x0], $0xffff;
	v3 =	vbroadcast v3, $0x0  }
0x2f1: {  	v15 =	vld.idx.msk [tilespmem:v15+s13+$0x0], $0xffff;
	v16 =	vor.u32 v16, v4  }
0x2f2: {  	v17 =	vor.u32 v17, v3;
	v14 =	vld.idx.msk [tilespmem:v14+s13+$0x0], $0xffff  }
0x2f3: {  	v11 =	vld.idx.msk [tilespmem:v11+s13+$0x0], $0xffff  }
0x2f4: {  	v18 =	vor.u32 v22, v7;
	v12 =	vld.idx.msk [tilespmem:v12+s13+$0x0], $0xffff  }
0x2f5: {  	v19 =	vor.u32 v40, v9;
	s2 =	simm.s32 $0xC7F0;
	v13 =	vld.idx.msk [tilespmem:v13+s13+$0x0], $0xffff  }
0x2f6: {  	[tilespmem:s2+$0xFFFFFC90] =	vst v15;
	v16 =	vld.idx.msk [tilespmem:v16+s13+$0x0], $0xffff  }
0x2f7: {  	v20 =	vor.u32 v48, v8;
	v17 =	vld.idx.msk [tilespmem:v17+s13+$0x0], $0xffff;
	[tilespmem:s2+$0xFFFFFF90] =	vst v14  }
0x2f8: {  	v21 =	vor.u32 v56, v6;
	v14 =	vld [tilespmem:$0x1FFF0]  }
0x2f9: {  	v22 =	vor.u32 v0, v5;
	v15 =	vld.idx.msk [tilespmem:v18+s13+$0x0], $0xffff;
	[tilespmem:s2+$0xFFFFFD10] =	vst v11  }
0x2fa: {  	v18 =	vld.idx.msk [tilespmem:v19+s13+$0x0], $0xffff;
	v11 =	vor.u32 v24, v3;
	[tilespmem:s2+$0xFFFFFD90] =	vst v12  }
0x2fb: {  	v12 =	vld [tilespmem:$0x1FF00];
	[tilespmem:s2+$0xFFFFFE10] =	vst v13  }
0x2fc: {  	v19 =	vld.idx.msk [tilespmem:v20+s13+$0x0], $0xffff;
	v20 =	vor.u32 v30, v2;
	[tilespmem:s2+$0xFFFFFC10] =	vst v10  }
0x2fd: {  	v21 =	vld.idx.msk [tilespmem:v21+s13+$0x0], $0xffff;
	[tilespmem:s2+$0xFFFFFE90] =	vst v16  }
0x2fe: {  	v13 =	vor.u32 v41, v9;
	v22 =	vld.idx.msk [tilespmem:v22+s13+$0x0], $0xffff;
	[tilespmem:s2+$0xFFFFFF10] =	vst v17  }
0x2ff: {  	v11 =	vld.idx.msk [tilespmem:v11+s13+$0x0], $0xffff;
	[tilespmem:s2+$0xFFFFFFA0] =	vst v15  }
0x300: {  	v10 =	vld [tilespmem:$0x1FFC0]  }
0x301: {  	v14 =	vor.u32 v14, v4;
	v15 =	vld.idx.msk [tilespmem:v20+s13+$0x0], $0xffff;
	[tilespmem:s2+$0xFFFFFCA0] =	vst v18  }
0x302: {  	v12 =	vor.u32 v12, v7;
	v18 =	vld [tilespmem:$0x1FE20]  }
0x303: {  	v13 =	vld.idx.msk [tilespmem:v13+s13+$0x0], $0xffff;
	[tilespmem:s2+$0xFFFFFD20] =	vst v19  }
0x304: {  	v16 =	vor.u32 v49, v8;
	v19 =	vld [tilespmem:$0x1FF10];
	[tilespmem:s2+$0xFFFFFDA0] =	vst v21  }
0x305: {  	v17 =	vor.u32 v57, v6;
	v20 =	vld [tilespmem:$0x1FE90]  }
0x306: {  	v14 =	vld.idx.msk [tilespmem:v14+s13+$0x0], $0xffff;
	v10 =	vor.u32 v10, v5  }
0x307: {  	[tilespmem:s2+$0xFFFFFE20] =	vst v22;
	v12 =	vld.idx.msk [tilespmem:v12+s13+$0x0], $0xffff;
	v18 =	vor.u32 v18, v4  }
0x308: {  	[tilespmem:s2+$0xFFFFFF20] =	vst v11  }
0x309: {  	v16 =	vld.idx.msk [tilespmem:v16+s13+$0x0], $0xffff;
	[tilespmem:s2+$0xFFFFFC20] =	vst v15;
	v19 =	vor.u32 v19, v7  }
0x30a: {  	v17 =	vld.idx.msk [tilespmem:v17+s13+$0x0], $0xffff;
	[tilespmem:s2+$0xFFFFFCB0] =	vst v13  }
0x30b: {  	v20 =	vor.u32 v20, v3;
	[tilespmem:s2+$0xFFFFFEA0] =	vst v14;
	v10 =	vld.idx.msk [tilespmem:v10+s13+$0x0], $0xffff  }
0x30c: {  	v21 =	vor.u32 v29, v2;
	[tilespmem:s2+$0xFFFFFFB0] =	vst v12;
	v18 =	vld.idx.msk [tilespmem:v18+s13+$0x0], $0xffff  }
0x30d: {  	v13 =	vld [tilespmem:$0x1FF20]  }
0x30e: {  	v22 =	vor.u32 v42, v9;
	[tilespmem:s2+$0xFFFFFD30] =	vst v16;
	v11 =	vld.idx.msk [tilespmem:v19+s13+$0x0], $0xffff  }
0x30f: {  	v14 =	vor.u32 v50, v8;
	v16 =	vld [tilespmem:$0x1FE30]  }
0x310: {  	v12 =	vor.u32 v58, v6;
	v19 =	vld.idx.msk [tilespmem:v20+s13+$0x0], $0xffff  }
0x311: {  	v15 =	vor.u32 v23, v5;
	[tilespmem:s2+$0xFFFFFDB0] =	vst v17;
	v20 =	vld.idx.msk [tilespmem:v21+s13+$0x0], $0xffff  }
0x312: {  	v17 =	vld [tilespmem:$0x1FEA0];
	[tilespmem:s2+$0xFFFFFE30] =	vst v10  }
0x313: {  	v21 =	vld.idx.msk [tilespmem:v22+s13+$0x0], $0xffff;
	v22 =	vor.u32 v34, v2;
	[tilespmem:s2+$0xFFFFFEB0] =	vst v18  }
0x314: {  	v14 =	vld.idx.msk [tilespmem:v14+s13+$0x0], $0xffff;
	[tilespmem:s2+$0xFFFFFFC0] =	vst v11  }
0x315: {  	v12 =	vld.idx.msk [tilespmem:v12+s13+$0x0], $0xffff;
	v10 =	vor.u32 v43, v9;
	[tilespmem:s2+$0xFFFFFF30] =	vst v19  }
0x316: {  	v13 =	vor.u32 v13, v7;
	v15 =	vld.idx.msk [tilespmem:v15+s13+$0x0], $0xffff;
	[tilespmem:s2+$0xFFFFFC30] =	vst v20  }
0x317: {  	v16 =	vor.u32 v16, v4;
	v19 =	vld [tilespmem:$0x1FF30]  }
0x318: {  	v17 =	vor.u32 v17, v3;
	v20 =	vld.idx.msk [tilespmem:v22+s13+$0x0], $0xffff;
	[tilespmem:s2+$0xFFFFFCC0] =	vst v21  }
0x319: {  	v21 =	vld [tilespmem:$0x1FF90]  }
0x31a: {  	v10 =	vld.idx.msk [tilespmem:v10+s13+$0x0], $0xffff  }
0x31b: {  	v13 =	vld.idx.msk [tilespmem:v13+s13+$0x0], $0xffff  }
0x31c: {  	v16 =	vld.idx.msk [tilespmem:v16+s13+$0x0], $0xffff  }
0x31d: {  	v11 =	vor.u32 v51, v8;
	[tilespmem:s2+$0xFFFFFD40] =	vst v14;
	v17 =	vld.idx.msk [tilespmem:v17+s13+$0x0], $0xffff  }
0x31e: {  	v14 =	vld [tilespmem:$0x1FE40];
	[tilespmem:s2+$0xFFFFFDC0] =	vst v12  }
0x31f: {  	v18 =	vor.u32 v59, v6;
	v12 =	vld [tilespmem:$0x1FEB0];
	[tilespmem:s2+$0xFFFFFE40] =	vst v15  }
0x320: {  	[tilespmem:s2+$0xFFFFFFD0] =	vst v13  }
0x321: {  	v19 =	vor.u32 v19, v7;
	[tilespmem:s2+$0xFFFFFEC0] =	vst v16  }
0x322: {  	v11 =	vld.idx.msk [tilespmem:v11+s13+$0x0], $0xffff;
	v21 =	vor.u32 v21, v5;
	[tilespmem:s2+$0xFFFFFF40] =	vst v17  }
0x323: {  	v16 =	vld [tilespmem:$0x1FF40];
	[tilespmem:s2+$0xFFFFFC40] =	vst v20  }
0x324: {  	v22 =	vor.u32 v35, v2;
	v18 =	vld.idx.msk [tilespmem:v18+s13+$0x0], $0xffff;
	[tilespmem:s2+$0xFFFFFCD0] =	vst v10  }
0x325: {  	v14 =	vor.u32 v14, v4;
	v10 =	vld [tilespmem:$0x1FFA0]  }
0x326: {  	v12 =	vor.u32 v12, v3;
	v15 =	vld.idx.msk [tilespmem:v19+s13+$0x0], $0xffff  }
0x327: {  	v21 =	vld.idx.msk [tilespmem:v21+s13+$0x0], $0xffff;
	[tilespmem:s2+$0xFFFFFD50] =	vst v11  }
0x328: {  	v13 =	vor.u32 v44, v9;
	v11 =	vld [tilespmem:$0x1FE50]  }
0x329: {  	v19 =	vor.u32 v52, v8;
	v20 =	vld.idx.msk [tilespmem:v22+s13+$0x0], $0xffff  }
0x32a: {  	v14 =	vld.idx.msk [tilespmem:v14+s13+$0x0], $0xffff;
	v10 =	vor.u32 v10, v5  }
0x32b: {  	v12 =	vld.idx.msk [tilespmem:v12+s13+$0x0], $0xffff  }
0x32c: {  	v22 =	vld [tilespmem:$0x1FEC0];
	[tilespmem:s2+$0xFFFFFDD0] =	vst v18;
	v16 =	vor.u32 v16, v7  }
0x32d: {  	v13 =	vld.idx.msk [tilespmem:v13+s13+$0x0], $0xffff;
	[tilespmem:s2+$0xFFFFFFE0] =	vst v15;
	v11 =	vor.u32 v11, v4  }
0x32e: {  	v19 =	vld.idx.msk [tilespmem:v19+s13+$0x0], $0xffff;
	[tilespmem:s2+$0xFFFFFE50] =	vst v21  }
0x32f: {  	[tilespmem:s2+$0xFFFFFED0] =	vst v14;
	v21 =	vld.idx.msk [tilespmem:v10+s13+$0x0], $0xffff  }
0x330: {  	v10 =	vld [tilespmem:$0x1FE00];
	[tilespmem:s2+$0xFFFFFF50] =	vst v12  }
0x331: {  	v17 =	vor.u32 v60, v6;
	v16 =	vld.idx.msk [tilespmem:v16+s13+$0x0], $0xffff;
	[tilespmem:s2+$0xFFFFFC50] =	vst v20  }
0x332: {  	v15 =	vor.u32 v36, v2;
	[tilespmem:s2+$0xFFFFFCE0] =	vst v13;
	v24 =	vld.idx.msk [tilespmem:v11+s13+$0x0], $0xffff  }
0x333: {  	v18 =	vor.u32 v45, v9;
	v11 =	vld [tilespmem:$0x1FFD0]  }
0x334: {  	v13 =	vld [tilespmem:$0x1FE60]  }
0x335: {  	v10 =	vor.u32 v10, v7  }
0x336: {  	v23 =	vld.idx.msk [tilespmem:v17+s13+$0x0], $0xffff  }
0x337: {  	v22 =	vor.u32 v22, v3;
	v12 =	vld.idx.msk [tilespmem:v15+s13+$0x0], $0xffff;
	[tilespmem:s2+$0xFFFFFD60] =	vst v19  }
0x338: {  	[tilespmem:s2+$0xFFFFFFF0] =	vst v16;
	v15 =	vor.u32 v11, v5;
	v11 =	vld.idx.msk [tilespmem:v18+s13+$0x0], $0xffff  }
0x339: {  	v14 =	vor.u32 v53, v8;
	v18 =	vor.u32 v13, v4;
	v13 =	vld [tilespmem:$0x1FED0]  }
0x33a: {  	s7 =	simm.s32 $0x8;
	v26 =	vor.u32 v61, v6;
	v16 =	vld.idx.msk [tilespmem:v10+s13+$0x0], $0xffff  }
0x33b: {  	s14 =	simm.s32 $0xB;
	v7 =	vmov s7;
	v10 =	vld [tilespmem:$0x1FFB0]  }
0x33c: {  	v28 =	vmov s14;
	s8 =	simm.s32 $0x9;
	v22 =	vld.idx.msk [tilespmem:v22+s13+$0x0], $0xffff;
	v7 =	vshrl.u32 v7, $0x3  }
0x33d: {  	v27 =	vmov s8;
	v9 =	vor.u32 v46, v9;
	v7 =	vshll.u32 v7, v1  }
0x33e: {  	s12 =	simm.s32 $0xA;
	s14 =	simm.s32 $0xD;
	s8 =	sadd.s32 $0x2, s0;
	v8 =	vor.u32 v54, v8;
	v7 =	vbroadcast v7, $0x0;
	[tilespmem:s2+$0xFFFFFDE0] =	vst v23;
	v17 =	vor.u32 v13, v3;
	v13 =	vld.idx.msk [tilespmem:v14+s13+$0x0], $0xffff  }
0x33f: {  	v19 =	vmov s12;
	s12 =	sshrl.u32 s8, $0x5;
	s7 =	simm.s32 $0xC;
	[tilespmem:s2+$0xFFFFFE60] =	vst v21;
	v23 =	vmov s14;
	v21 =	vshrl.u32 v27, $0x3;
	v14 =	vld.idx.msk [tilespmem:v26+s13+$0x0], $0xffff  }
0x340: {  	s8 =	sshll.u32 s8, $0x7;
	s14 =	sshll.u32 s12, $0xC;
	[tilespmem:s2+$0xFFFFFEE0] =	vst v24;
	v15 =	vld.idx.msk [tilespmem:v15+s13+$0x0], $0xffff;
	v20 =	vor.u32 v10, v2;
	v10 =	vor.u32 v25, v7;
	v25 =	vmov s7;
	s7 =	simm.s32 $0xE  }
0x341: {  	s6 =	simm.s32 $0x10;
	[tilespmem:s2+$0xFFFFFF60] =	vst v22;
	v22 =	vshrl.u32 v19, $0x3;
	v19 =	vshrl.u32 v28, $0x3;
	s14 =	ssub.s32 s8, s14;
	v18 =	vld.idx.msk [tilespmem:v18+s13+$0x0], $0xffff;
	v24 =	vmov s7;
	s7 =	simm.s32 $0xF  }
.LBB2_7:
0x342: {  	[tilespmem:s2+$0xFFFFFCF0] =	vst v11  }
0x343: {  	v11 =	vshll.u32 v21, v1;
	v21 =	vld.idx.msk [tilespmem:v9+s13+$0x0], $0xffff  }
0x344: {  	v9 =	vld [tilespmem:$0x1FEE0];
	_ =	sdelay $0x1  }
0x345: {  	[tilespmem:s2+$0xFFFFFC60] =	vst v12;
	v12 =	vld.idx.msk [tilespmem:v17+s13+$0x0], $0xffff;
	v5 =	vor.u32 v37, v5  }
0x346: {  	v6 =	vor.u32 v62, v6;
	[tilespmem:s2+$0x0] =	vst v16;
	v20 =	vld.idx.msk [tilespmem:v20+s13+$0x0], $0xffff  }
0x347: {  	v25 =	vshrl.u32 v25, $0x3;
	v26 =	vmov s7;
	v4 =	vor.u32 v31, v4;
	v16 =	vld.idx.msk [tilespmem:v10+s13+$0x0], $0xffff;
	[tilespmem:s2+$0xFFFFFD70] =	vst v13  }
0x348: {  	v17 =	vshrl.u32 v23, $0x3;
	v24 =	vshrl.u32 v24, $0x3;
	[tilespmem:s2+$0xFFFFFDF0] =	vst v14;
	v14 =	vld [tilespmem:$0x1FF50];
	v3 =	vor.u32 v9, v3  }
0x349: {  	v2 =	vor.u32 v38, v2;
	[tilespmem:s2+$0xFFFFFE70] =	vst v15;
	v13 =	vld.idx.msk [tilespmem:v8+s13+$0x0], $0xffff;
	v9 =	vbroadcast v11, $0x0;
	v11 =	vshll.u32 v22, v1  }
0x34a: {  	v23 =	vshrl.u32 v26, $0x3;
	v22 =	vld.idx.msk [tilespmem:v5+s13+$0x0], $0xffff;
	v8 =	vbroadcast v11, $0x0;
	v11 =	vshll.u32 v19, v1  }
0x34b: {  	v10 =	vshll.u32 v23, v1;
	[tilespmem:s2+$0xFFFFFEF0] =	vst v18;
	v19 =	vld.idx.msk [tilespmem:v6+s13+$0x0], $0xffff;
	v6 =	vbroadcast v11, $0x0;
	v11 =	vshll.u32 v25, v1  }
0x34c: {  	[tilespmem:s2+$0xFFFFFF70] =	vst v12;
	v15 =	vor.u32 v39, v9;
	v5 =	vbroadcast v11, $0x0;
	v11 =	vshll.u32 v17, v1;
	v17 =	vld.idx.msk [tilespmem:v4+s13+$0x0], $0xffff  }
0x34d: {  	v10 =	vbroadcast v10, $0x0;
	[tilespmem:s2+$0xFFFFFC70] =	vst v20;
	v4 =	vbroadcast v11, $0x0;
	v11 =	vshll.u32 v24, v1;
	v20 =	vld.idx.msk [tilespmem:v3+s13+$0x0], $0xffff  }
0x34e: {  	v18 =	vor.u32 v47, v8;
	v3 =	vbroadcast v11, $0x0;
	v11 =	vld.idx.msk [tilespmem:v2+s13+$0x0], $0xffff  }
0x34f: {  	[tilespmem:s2+$0xFFFFFD00] =	vst v21;
	v14 =	vor.u32 v14, v10;
	v2 =	vmov v7;
	v7 =	vld [tilespmem:$0x1FFE0]  }
0x350: {  	v12 =	vor.u32 v55, v6;
	[tilespmem:s2+$0xFFFFFE00] =	vst v19;
	v19 =	vld [tilespmem:$0x1FF60]  }
0x351: {  	[tilespmem:s2+$0xFFFFFD80] =	vst v13;
	v23 =	vor.u32 v63, v5;
	v13 =	vld.idx.msk [tilespmem:v15+s13+$0x0], $0xffff  }
0x352: {  	v15 =	vld [tilespmem:$0x1FF70]  }
0x353: {  	[tilespmem:s2+$0xFFFFFE80] =	vst v22;
	v18 =	vld.idx.msk [tilespmem:v18+s13+$0x0], $0xffff  }
0x354: {  	v14 =	vld.idx.msk [tilespmem:v14+s13+$0x0], $0xffff;
	[tilespmem:s2+$0xFFFFFF00] =	vst v17;
	v17 =	vor.u32 v48, v8  }
0x355: {  	v12 =	vld.idx.msk [tilespmem:v12+s13+$0x0], $0xffff;
	[tilespmem:s2+$0xFFFFFF80] =	vst v20  }
0x356: {  	v7 =	vor.u32 v7, v4;
	v22 =	vld.idx.msk [tilespmem:v23+s13+$0x0], $0xffff;
	[tilespmem:s2+$0xFFFFFC80] =	vst v11;
	s2 =	sadd.s32 $0x400, s2  }
0x357: {  	v20 =	vor.u32 v56, v6;
	[tilespmem:s2+$0xFFFFFC90] =	vst v13;
	v13 =	vld [tilespmem:$0x1FFF0]  }
0x358: {  	v19 =	vor.u32 v19, v10;
	[tilespmem:s2+$0xFFFFFD10] =	vst v18;
	v18 =	vld [tilespmem:$0x1FE80]  }
0x359: {  	v21 =	vor.u32 v40, v9;
	v17 =	vld.idx.msk [tilespmem:v17+s13+$0x0], $0xffff  }
0x35a: {  	v11 =	vor.u32 v0, v5;
	[tilespmem:s2+$0xFFFFFD90] =	vst v12;
	v12 =	vld [tilespmem:$0x1FF00]  }
0x35b: {  	v15 =	vor.u32 v15, v3;
	v7 =	vld.idx.msk [tilespmem:v7+s13+$0x0], $0xffff  }
0x35c: {  	[tilespmem:s2+$0xFFFFFF90] =	vst v14;
	v20 =	vld.idx.msk [tilespmem:v20+s13+$0x0], $0xffff  }
0x35d: {  	v14 =	vld.idx.msk [tilespmem:v19+s13+$0x0], $0xffff  }
0x35e: {  	[tilespmem:s2+$0xFFFFFE10] =	vst v22;
	v19 =	vld.idx.msk [tilespmem:v21+s13+$0x0], $0xffff  }
0x35f: {  	v21 =	vor.u32 v30, v2;
	v11 =	vld.idx.msk [tilespmem:v11+s13+$0x0], $0xffff  }
0x360: {  	[tilespmem:s2+$0xFFFFFC10] =	vst v16;
	v15 =	vld.idx.msk [tilespmem:v15+s13+$0x0], $0xffff  }
0x361: {  	v13 =	vor.u32 v13, v4;
	[tilespmem:s2+$0xFFFFFD20] =	vst v17;
	v17 =	vld [tilespmem:$0x1FF10]  }
0x362: {  	v22 =	vor.u32 v41, v9;
	[tilespmem:s2+$0xFFFFFDA0] =	vst v20;
	v20 =	vld [tilespmem:$0x1FE90]  }
0x363: {  	v18 =	vor.u32 v18, v3;
	[tilespmem:s2+$0xFFFFFFA0] =	vst v14;
	v14 =	vld [tilespmem:$0x1FFC0]  }
0x364: {  	v12 =	vor.u32 v12, v10;
	[tilespmem:s2+$0xFFFFFE90] =	vst v7;
	v16 =	vld.idx.msk [tilespmem:v21+s13+$0x0], $0xffff  }
0x365: {  	v7 =	vor.u32 v49, v8;
	[tilespmem:s2+$0xFFFFFCA0] =	vst v19;
	v19 =	vld [tilespmem:$0x1FE20]  }
0x366: {  	v13 =	vld.idx.msk [tilespmem:v13+s13+$0x0], $0xffff  }
0x367: {  	[tilespmem:s2+$0xFFFFFF10] =	vst v15;
	v15 =	vor.u32 v57, v6;
	v21 =	vld.idx.msk [tilespmem:v22+s13+$0x0], $0xffff  }
0x368: {  	v18 =	vld.idx.msk [tilespmem:v18+s13+$0x0], $0xffff  }
0x369: {  	[tilespmem:s2+$0xFFFFFE20] =	vst v11;
	v11 =	vor.u32 v42, v9;
	v12 =	vld.idx.msk [tilespmem:v12+s13+$0x0], $0xffff  }
0x36a: {  	v17 =	vor.u32 v17, v10;
	v7 =	vld.idx.msk [tilespmem:v7+s13+$0x0], $0xffff  }
0x36b: {  	v20 =	vor.u32 v20, v3;
	[tilespmem:s2+$0xFFFFFC20] =	vst v16;
	v16 =	vld [tilespmem:$0x1FF80]  }
0x36c: {  	v22 =	vor.u32 v29, v2;
	v15 =	vld.idx.msk [tilespmem:v15+s13+$0x0], $0xffff  }
0x36d: {  	[tilespmem:s2+$0xFFFFFCB0] =	vst v21;
	v21 =	vld [tilespmem:$0x1FF20]  }
0x36e: {  	v14 =	vor.u32 v14, v5;
	v11 =	vld.idx.msk [tilespmem:v11+s13+$0x0], $0xffff;
	[tilespmem:s2+$0xFFFFFFB0] =	vst v12  }
0x36f: {  	v19 =	vor.u32 v19, v4;
	[tilespmem:s2+$0xFFFFFF20] =	vst v18;
	v17 =	vld.idx.msk [tilespmem:v17+s13+$0x0], $0xffff  }
0x370: {  	[tilespmem:s2+$0xFFFFFEA0] =	vst v13;
	v13 =	vor.u32 v50, v8;
	v18 =	vld.idx.msk [tilespmem:v20+s13+$0x0], $0xffff  }
0x371: {  	v20 =	vld.idx.msk [tilespmem:v22+s13+$0x0], $0xffff  }
0x372: {  	[tilespmem:s2+$0xFFFFFD30] =	vst v7;
	v7 =	vld [tilespmem:$0x1FE30]  }
0x373: {  	v12 =	vor.u32 v58, v6;
	v14 =	vld.idx.msk [tilespmem:v14+s13+$0x0], $0xffff  }
0x374: {  	v19 =	vld.idx.msk [tilespmem:v19+s13+$0x0], $0xffff  }
0x375: {  	v22 =	vor.u32 v34, v2;
	v13 =	vld.idx.msk [tilespmem:v13+s13+$0x0], $0xffff  }
0x376: {  	v16 =	vor.u32 v16, v5;
	[tilespmem:s2+$0xFFFFFDB0] =	vst v15;
	v15 =	vld [tilespmem:$0x1FEA0]  }
0x377: {  	[tilespmem:s2+$0xFFFFFCC0] =	vst v11;
	v11 =	vld [tilespmem:$0x1FF90]  }
0x378: {  	v21 =	vor.u32 v21, v10;
	v12 =	vld.idx.msk [tilespmem:v12+s13+$0x0], $0xffff;
	[tilespmem:s2+$0xFFFFFF30] =	vst v18  }
0x379: {  	[tilespmem:s2+$0xFFFFFC30] =	vst v20;
	v18 =	vld [tilespmem:$0x1FF30]  }
0x37a: {  	v7 =	vor.u32 v7, v4;
	[tilespmem:s2+$0xFFFFFE30] =	vst v14;
	v20 =	vld.idx.msk [tilespmem:v22+s13+$0x0], $0xffff  }
0x37b: {  	[tilespmem:s2+$0xFFFFFFC0] =	vst v17;
	v17 =	vor.u32 v51, v8;
	v16 =	vld.idx.msk [tilespmem:v16+s13+$0x0], $0xffff  }
0x37c: {  	v14 =	vor.u32 v43, v9;
	[tilespmem:s2+$0xFFFFFD40] =	vst v13;
	v13 =	vld [tilespmem:$0x1FE40]  }
0x37d: {  	[tilespmem:s2+$0xFFFFFEB0] =	vst v19;
	v15 =	vor.u32 v15, v3;
	v19 =	vld.idx.msk [tilespmem:v21+s13+$0x0], $0xffff  }
0x37e: {  	v21 =	vor.u32 v59, v6;
	[tilespmem:s2+$0xFFFFFDC0] =	vst v12;
	v12 =	vld [tilespmem:$0x1FEB0]  }
0x37f: {  	v22 =	vor.u32 v35, v2;
	v7 =	vld.idx.msk [tilespmem:v7+s13+$0x0], $0xffff  }
0x380: {  	v18 =	vor.u32 v18, v10;
	v17 =	vld.idx.msk [tilespmem:v17+s13+$0x0], $0xffff  }
0x381: {  	v14 =	vld.idx.msk [tilespmem:v14+s13+$0x0], $0xffff;
	v13 =	vor.u32 v13, v4  }
0x382: {  	[tilespmem:s2+$0xFFFFFC40] =	vst v20;
	v15 =	vld.idx.msk [tilespmem:v15+s13+$0x0], $0xffff  }
0x383: {  	v21 =	vld.idx.msk [tilespmem:v21+s13+$0x0], $0xffff;
	[tilespmem:s2+$0xFFFFFFD0] =	vst v19  }
0x384: {  	v11 =	vor.u32 v11, v5;
	[tilespmem:s2+$0xFFFFFE40] =	vst v16;
	v20 =	vld.idx.msk [tilespmem:v22+s13+$0x0], $0xffff  }
0x385: {  	v16 =	vld.idx.msk [tilespmem:v18+s13+$0x0], $0xffff;
	[tilespmem:s2+$0xFFFFFEC0] =	vst v7  }
0x386: {  	v12 =	vor.u32 v12, v3;
	v7 =	vld.idx.msk [tilespmem:v13+s13+$0x0], $0xffff  }
0x387: {  	v13 =	vld [tilespmem:$0x1FF40]  }
0x388: {  	v22 =	vld [tilespmem:$0x1FEC0]  }
0x389: {  	v19 =	vor.u32 v44, v9;
	v11 =	vld.idx.msk [tilespmem:v11+s13+$0x0], $0xffff;
	[tilespmem:s2+$0xFFFFFD50] =	vst v17  }
0x38a: {  	v17 =	vld [tilespmem:$0x1FE50];
	[tilespmem:s2+$0xFFFFFF40] =	vst v15  }
0x38b: {  	v12 =	vld.idx.msk [tilespmem:v12+s13+$0x0], $0xffff;
	[tilespmem:s2+$0xFFFFFFE0] =	vst v16;
	v16 =	vor.u32 v36, v2  }
0x38c: {  	[tilespmem:s2+$0xFFFFFCD0] =	vst v14;
	v14 =	vld [tilespmem:$0x1FFA0];
	v13 =	vor.u32 v13, v10  }
0x38d: {  	[tilespmem:s2+$0xFFFFFED0] =	vst v7;
	v7 =	vld [tilespmem:$0x1FE00]  }
0x38e: {  	v19 =	vld.idx.msk [tilespmem:v19+s13+$0x0], $0xffff;
	[tilespmem:s2+$0xFFFFFC50] =	vst v20  }
0x38f: {  	v18 =	vor.u32 v52, v8;
	[tilespmem:s2+$0xFFFFFE50] =	vst v11;
	v11 =	vld [tilespmem:$0x1FFD0]  }
0x390: {  	v15 =	vor.u32 v60, v6;
	[tilespmem:s2+$0xFFFFFF50] =	vst v12;
	v12 =	vld.idx.msk [tilespmem:v16+s13+$0x0], $0xffff  }
0x391: {  	[tilespmem:s2+$0xFFFFFDD0] =	vst v21;
	v21 =	vor.u32 v45, v9;
	v13 =	vld.idx.msk [tilespmem:v13+s13+$0x0], $0xffff  }
0x392: {  	v16 =	vld [tilespmem:$0x1FE60];
	v10 =	vor.u32 v7, v10;
	_ =	sdelay $0x1  }
0x393: {  	v18 =	vld.idx.msk [tilespmem:v18+s13+$0x0], $0xffff;
	v14 =	vor.u32 v14, v5  }
0x394: {  	v17 =	vor.u32 v17, v4;
	v15 =	vld.idx.msk [tilespmem:v15+s13+$0x0], $0xffff;
	[tilespmem:s2+$0xFFFFFCE0] =	vst v19  }
0x395: {  	v22 =	vor.u32 v22, v3;
	v19 =	vor.u32 v11, v5;
	v11 =	vld.idx.msk [tilespmem:v21+s13+$0x0], $0xffff;
	[tilespmem:s2+$0xFFFFFFF0] =	vst v13  }
0x396: {  	v29 =	vor.u32 v16, v4;
	v16 =	vld.idx.msk [tilespmem:v10+s13+$0x0], $0xffff  }
0x397: {  	v10 =	vld [tilespmem:$0x1FFB0]  }
0x398: {  	v24 =	vld.idx.msk [tilespmem:v14+s13+$0x0], $0xffff  }
0x399: {  	v26 =	vld.idx.msk [tilespmem:v17+s13+$0x0], $0xffff  }
0x39a: {  	v28 =	vld.idx.msk [tilespmem:v22+s13+$0x0], $0xffff  }
0x39b: {  	s8 =	sadd.s32 $0x1, s6;
	v27 =	vor.u32 v61, v6;
	[tilespmem:s2+$0xFFFFFD60] =	vst v18;
	v14 =	vor.u32 v53, v8;
	v13 =	vld [tilespmem:$0x1FED0]  }
0x39c: {  	p2 =	slt.u32 s6, $0x18;
	v21 =	vmov s8;
	s8 =	sadd.s32 $0x3, s6;
	v7 =	vmov s6;
	[tilespmem:s2+$0xFFFFFDE0] =	vst v15;
	v20 =	vor.u32 v10, v2;
	v10 =	vld [tilespmem:$0x1FEF0]  }
.Ltmp4:
0x39d: {  	s7 =	sadd.s32 $0x2, s6;
	v9 =	vor.u32 v46, v9;
	v30 =	vmov s8;
	v7 =	vshrl.u32 v7, $0x3;
	[tilespmem:s2+$0xFFFFFE60] =	vst v24;
	(pc) =	sbr.rel @p2 .LBB2_7-.Ltmp4, $4  }
0x39e: {  	s8 =	sadd.s32 $0x5, s6;
	v21 =	vshrl.u32 v21, $0x3;
	v18 =	vmov s7;
	v7 =	vshll.u32 v7, v1;
	[tilespmem:s2+$0xFFFFFEE0] =	vst v26;
	v15 =	vld.idx.msk [tilespmem:v19+s13+$0x0], $0xffff  }
0x39f: {  	s7 =	sadd.s32 $0x4, s6;
	v23 =	vmov s8;
	v22 =	vshrl.u32 v18, $0x3;
	v7 =	vbroadcast v7, $0x0;
	v18 =	vld.idx.msk [tilespmem:v29+s13+$0x0], $0xffff  }
0x3a0: {  	s8 =	sadd.s32 $0x6, s6;
	v25 =	vmov s7;
	v8 =	vor.u32 v54, v8;
	v17 =	vor.u32 v13, v3;
	v13 =	vld.idx.msk [tilespmem:v14+s13+$0x0], $0xffff  }
0x3a1: {  	s7 =	sadd.s32 $0x7, s6;
	s6 =	sadd.s32 $0x8, s6;
	[tilespmem:s2+$0xFFFFFF60] =	vst v28;
	v24 =	vmov s8;
	v19 =	vshrl.u32 v30, $0x3;
	v30 =	vmovc v32;
	v29 =	vmovc v33;
	v14 =	vld.idx.msk [tilespmem:v27+s13+$0x0], $0xffff;
	v10 =	vor.u32 v10, v7  }
0x3a2: {  	_ =	sdelay $0x2  }
0x3a3: {  	[tilespmem:s2+$0xFFFFFC60] =	vst v12  }
0x3a4: {  	[tilespmem:s2+$0x0] =	vst v16;
	v16 =	vld.idx.msk [tilespmem:v17+s13+$0x0], $0xffff  }
0x3a5: {  	v12 =	vshrl.u32 v25, $0x3;
	v25 =	vmov s7;
	[tilespmem:s2+$0xFFFFFCF0] =	vst v11;
	v20 =	vld.idx.msk [tilespmem:v20+s13+$0x0], $0xffff  }
0x3a6: {  	v17 =	vshrl.u32 v23, $0x3;
	v23 =	vshrl.u32 v25, $0x3;
	v9 =	vld.idx.msk [tilespmem:v9+s13+$0x0], $0xffff;
	[tilespmem:s2+$0xFFFFFD70] =	vst v13  }
0x3a7: {  	v11 =	vshll.u32 v23, v1;
	v23 =	vor.u32 v31, v4;
	v25 =	vld [tilespmem:$0x1FEE0];
	[tilespmem:s2+$0xFFFFFDF0] =	vst v14  }
0x3a8: {  	v4 =	vshll.u32 v21, v1;
	v14 =	vor.u32 v38, v2;
	v21 =	vld.idx.msk [tilespmem:v8+s13+$0x0], $0xffff;
	[tilespmem:s2+$0xFFFFFE70] =	vst v15  }
0x3a9: {  	v6 =	vor.u32 v62, v6;
	v8 =	vld [tilespmem:$0x1FF50]  }
0x3aa: {  	v5 =	vor.u32 v37, v5  }
0x3ab: {  	[tilespmem:s2+$0xFFFFFEF0] =	vst v18  }
0x3ac: {  	v11 =	vbroadcast v11, $0x0;
	[tilespmem:s2+$0xFFFFFC70] =	vst v20  }
0x3ad: {  	[tilespmem:s2+$0xFFFFFF70] =	vst v16;
	v13 =	vor.u32 v25, v3;
	v3 =	vbroadcast v4, $0x0;
	v4 =	vshll.u32 v22, v1;
	v14 =	vld.idx.msk [tilespmem:v14+s13+$0x0], $0xffff  }
0x3ae: {  	[tilespmem:s2+$0xFFFFFD00] =	vst v9;
	v2 =	vbroadcast v4, $0x0;
	v4 =	vshll.u32 v19, v1;
	v15 =	vor.u32 v8, v11;
	v19 =	vld.idx.msk [tilespmem:v6+s13+$0x0], $0xffff  }
0x3af: {  	[tilespmem:s2+$0xFFFFFD80] =	vst v21;
	v6 =	vshll.u32 v12, v1;
	v12 =	vld.idx.msk [tilespmem:v5+s13+$0x0], $0xffff;
	v18 =	vor.u32 v39, v3  }
0x3b0: {  	v21 =	vld [tilespmem:$0x1FFE0]  }
0x3b1: {  	v5 =	vbroadcast v6, $0x0;
	v6 =	vshll.u32 v17, v1;
	v17 =	vld.idx.msk [tilespmem:v23+s13+$0x0], $0xffff;
	v16 =	vor.u32 v47, v2  }
0x3b2: {  	v4 =	vbroadcast v4, $0x0;
	v13 =	vld.idx.msk [tilespmem:v13+s13+$0x0], $0xffff  }
0x3b3: {  	v15 =	vld.idx.msk [tilespmem:v15+s13+$0x0], $0xffff  }
0x3b4: {  	v20 =	vor.u32 v55, v4;
	[tilespmem:s2+$0xFFFFFE00] =	vst v19;
	v18 =	vld.idx.msk [tilespmem:v18+s13+$0x0], $0xffff  }
0x3b5: {  	v6 =	vbroadcast v6, $0x0;
	v9 =	vor.u32 v63, v5;
	v19 =	vld [tilespmem:$0x1FF70]  }
0x3b6: {  	[tilespmem:s2+$0xFFFFFE80] =	vst v12;
	v12 =	vld.idx.msk [tilespmem:v16+s13+$0x0], $0xffff  }
0x3b7: {  	v21 =	vor.u32 v21, v6;
	v22 =	vld [tilespmem:$0x1FF60];
	[tilespmem:s2+$0xFFFFFF00] =	vst v17  }
0x3b8: {  	v24 =	vshrl.u32 v24, $0x3;
	[tilespmem:s2+$0xFFFFFC80] =	vst v14  }
0x3b9: {  	s8 =	sadd.s32 $0x400, s2;
	v8 =	vshll.u32 v24, v1;
	v17 =	vld.idx.msk [tilespmem:v20+s13+$0x0], $0xffff;
	[tilespmem:s2+$0xFFFFFF80] =	vst v13;
	v13 =	vor.u32 v40, v3  }
0x3ba: {  	v8 =	vbroadcast v8, $0x0;
	v9 =	vld.idx.msk [tilespmem:v9+s13+$0x0], $0xffff;
	[tilespmem:s8+$0xFFFFFF90] =	vst v15  }
0x3bb: {  	v10 =	vld.idx.msk [tilespmem:v10+s13+$0x0], $0xffff;
	[tilespmem:s8+$0xFFFFFC90] =	vst v18  }
0x3bc: {  	v20 =	vld.idx.msk [tilespmem:v21+s13+$0x0], $0xffff;
	v19 =	vor.u32 v19, v8;
	[tilespmem:s8+$0xFFFFFD10] =	vst v12  }
0x3bd: {  	v16 =	vor.u32 v22, v11;
	v12 =	vld [tilespmem:$0x1FFF0]  }
0x3be: {  	[tilespmem:s8+$0xFFFFFD90] =	vst v17;
	v13 =	vld.idx.msk [tilespmem:v13+s13+$0x0], $0xffff  }
0x3bf: {  	v14 =	vor.u32 v48, v2;
	v17 =	vld [tilespmem:$0x1FF00];
	[tilespmem:s8+$0xFFFFFE10] =	vst v9  }
0x3c0: {  	v15 =	vor.u32 v56, v4;
	v24 =	vld [tilespmem:$0x1FE80]  }
0x3c1: {  	v18 =	vor.u32 v0, v5;
	v19 =	vld.idx.msk [tilespmem:v19+s13+$0x0], $0xffff  }
0x3c2: {  	v16 =	vld.idx.msk [tilespmem:v16+s13+$0x0], $0xffff;
	v12 =	vor.u32 v12, v6  }
0x3c3: {  	[tilespmem:s8+$0xFFFFFE90] =	vst v20  }
0x3c4: {  	v14 =	vld.idx.msk [tilespmem:v14+s13+$0x0], $0xffff;
	v20 =	vor.u32 v30, v7;
	[tilespmem:s8+$0xFFFFFC10] =	vst v10  }
0x3c5: {  	v15 =	vld.idx.msk [tilespmem:v15+s13+$0x0], $0xffff;
	v17 =	vor.u32 v17, v11;
	[tilespmem:s8+$0xFFFFFCA0] =	vst v13  }
0x3c6: {  	v18 =	vld.idx.msk [tilespmem:v18+s13+$0x0], $0xffff;
	[tilespmem:s8+$0xFFFFFF10] =	vst v19  }
0x3c7: {  	v9 =	vor.u32 v24, v8;
	[tilespmem:s8+$0xFFFFFFA0] =	vst v16;
	v12 =	vld.idx.msk [tilespmem:v12+s13+$0x0], $0xffff  }
0x3c8: {  	v13 =	vld [tilespmem:$0x1FFC0]  }
0x3c9: {  	v19 =	vor.u32 v41, v3;
	[tilespmem:s8+$0xFFFFFD20] =	vst v14;
	v14 =	vld.idx.msk [tilespmem:v20+s13+$0x0], $0xffff  }
0x3ca: {  	v17 =	vld.idx.msk [tilespmem:v17+s13+$0x0], $0xffff  }
0x3cb: {  	v16 =	vor.u32 v49, v2;
	v20 =	vld [tilespmem:$0x1FF10]  }
0x3cc: {  	[tilespmem:s8+$0xFFFFFDA0] =	vst v15;
	v9 =	vld.idx.msk [tilespmem:v9+s13+$0x0], $0xffff  }
0x3cd: {  	v10 =	vor.u32 v57, v4;
	v15 =	vld [tilespmem:$0x1FE20]  }
0x3ce: {  	[tilespmem:s8+$0xFFFFFE20] =	vst v18;
	v19 =	vld.idx.msk [tilespmem:v19+s13+$0x0], $0xffff  }
0x3cf: {  	v18 =	vld [tilespmem:$0x1FE90]  }
0x3d0: {  	v16 =	vld.idx.msk [tilespmem:v16+s13+$0x0], $0xffff;
	[tilespmem:s8+$0xFFFFFEA0] =	vst v12  }
0x3d1: {  	[tilespmem:s8+$0xFFFFFC20] =	vst v14  }
0x3d2: {  	v10 =	vld.idx.msk [tilespmem:v10+s13+$0x0], $0xffff;
	[tilespmem:s8+$0xFFFFFFB0] =	vst v17;
	v17 =	vor.u32 v42, v3  }
0x3d3: {  	[tilespmem:s8+$0xFFFFFF20] =	vst v9  }
0x3d4: {  	v13 =	vor.u32 v13, v5;
	[tilespmem:s8+$0xFFFFFCB0] =	vst v19  }
0x3d5: {  	v20 =	vor.u32 v20, v11;
	v19 =	vld [tilespmem:$0x1FF20];
	[tilespmem:s8+$0xFFFFFD30] =	vst v16  }
0x3d6: {  	v12 =	vor.u32 v29, v7;
	v23 =	vld [tilespmem:$0x1FF80]  }
0x3d7: {  	v15 =	vor.u32 v15, v6;
	[tilespmem:s8+$0xFFFFFDB0] =	vst v10;
	v10 =	vld.idx.msk [tilespmem:v17+s13+$0x0], $0xffff  }
0x3d8: {  	v18 =	vor.u32 v18, v8;
	v17 =	vld [tilespmem:$0x1FE30]  }
0x3d9: {  	v9 =	vor.u32 v50, v2;
	v13 =	vld.idx.msk [tilespmem:v13+s13+$0x0], $0xffff  }
0x3da: {  	v20 =	vld.idx.msk [tilespmem:v20+s13+$0x0], $0xffff  }
0x3db: {  	v12 =	vld.idx.msk [tilespmem:v12+s13+$0x0], $0xffff  }
0x3dc: {  	v14 =	vld.idx.msk [tilespmem:v15+s13+$0x0], $0xffff;
	v15 =	vor.u32 v58, v4  }
0x3dd: {  	v18 =	vld.idx.msk [tilespmem:v18+s13+$0x0], $0xffff;
	v17 =	vor.u32 v17, v6  }
0x3de: {  	v9 =	vld.idx.msk [tilespmem:v9+s13+$0x0], $0xffff;
	[tilespmem:s8+$0xFFFFFE30] =	vst v13  }
0x3df: {  	v13 =	vld [tilespmem:$0x1FEA0];
	[tilespmem:s8+$0xFFFFFFC0] =	vst v20;
	v20 =	vor.u32 v34, v7  }
0x3e0: {  	[tilespmem:s8+$0xFFFFFC30] =	vst v12  }
0x3e1: {  	v19 =	vor.u32 v19, v11;
	v15 =	vld.idx.msk [tilespmem:v15+s13+$0x0], $0xffff;
	[tilespmem:s8+$0xFFFFFEB0] =	vst v14  }
0x3e2: {  	v16 =	vor.u32 v23, v5;
	[tilespmem:s8+$0xFFFFFF30] =	vst v18;
	v12 =	vld.idx.msk [tilespmem:v17+s13+$0x0], $0xffff  }
0x3e3: {  	v17 =	vld [tilespmem:$0x1FF30];
	[tilespmem:s8+$0xFFFFFCC0] =	vst v10  }
0x3e4: {  	v14 =	vor.u32 v43, v3;
	[tilespmem:s8+$0xFFFFFD40] =	vst v9;
	v9 =	vld.idx.msk [tilespmem:v20+s13+$0x0], $0xffff  }
0x3e5: {  	v13 =	vor.u32 v13, v8;
	v20 =	vld [tilespmem:$0x1FF90]  }
0x3e6: {  	v18 =	vor.u32 v51, v2;
	v19 =	vld.idx.msk [tilespmem:v19+s13+$0x0], $0xffff  }
0x3e7: {  	v16 =	vld.idx.msk [tilespmem:v16+s13+$0x0], $0xffff;
	[tilespmem:s8+$0xFFFFFDC0] =	vst v15  }
0x3e8: {  	v10 =	vor.u32 v59, v4;
	v15 =	vld [tilespmem:$0x1FE40]  }
0x3e9: {  	v14 =	vld.idx.msk [tilespmem:v14+s13+$0x0], $0xffff;
	v17 =	vor.u32 v17, v11  }
0x3ea: {  	v13 =	vld.idx.msk [tilespmem:v13+s13+$0x0], $0xffff;
	v20 =	vor.u32 v20, v5  }
0x3eb: {  	v18 =	vld.idx.msk [tilespmem:v18+s13+$0x0], $0xffff;
	[tilespmem:s8+$0xFFFFFFD0] =	vst v19  }
0x3ec: {  	v19 =	vld [tilespmem:$0x1FEB0]  }
0x3ed: {  	[tilespmem:s8+$0xFFFFFE40] =	vst v16;
	v10 =	vld.idx.msk [tilespmem:v10+s13+$0x0], $0xffff;
	v15 =	vor.u32 v15, v6  }
0x3ee: {  	v16 =	vor.u32 v35, v7;
	[tilespmem:s8+$0xFFFFFEC0] =	vst v12;
	v17 =	vld.idx.msk [tilespmem:v17+s13+$0x0], $0xffff  }
0x3ef: {  	[tilespmem:s8+$0xFFFFFF40] =	vst v13;
	v13 =	vld.idx.msk [tilespmem:v20+s13+$0x0], $0xffff  }
0x3f0: {  	v20 =	vld [tilespmem:$0x1FF40]  }
0x3f1: {  	[tilespmem:s8+$0xFFFFFC40] =	vst v9  }
0x3f2: {  	v12 =	vor.u32 v44, v3;
	[tilespmem:s8+$0xFFFFFCD0] =	vst v14;
	v15 =	vld.idx.msk [tilespmem:v15+s13+$0x0], $0xffff  }
0x3f3: {  	[tilespmem:s8+$0xFFFFFD50] =	vst v18;
	v16 =	vld.idx.msk [tilespmem:v16+s13+$0x0], $0xffff  }
0x3f4: {  	v19 =	vor.u32 v19, v8;
	v18 =	vld [tilespmem:$0x1FFA0];
	[tilespmem:s8+$0xFFFFFFE0] =	vst v17  }
0x3f5: {  	v20 =	vor.u32 v20, v11;
	v17 =	vld [tilespmem:$0x1FE50];
	[tilespmem:s8+$0xFFFFFDD0] =	vst v10  }
0x3f6: {  	v9 =	vor.u32 v52, v2;
	v10 =	vld [tilespmem:$0x1FEC0];
	[tilespmem:s8+$0xFFFFFE50] =	vst v13  }
0x3f7: {  	v12 =	vld.idx.msk [tilespmem:v12+s13+$0x0], $0xffff;
	[tilespmem:s8+$0xFFFFFED0] =	vst v15  }
0x3f8: {  	v14 =	vor.u32 v60, v4;
	v15 =	vld [tilespmem:$0x1FE00]  }
0x3f9: {  	v19 =	vld.idx.msk [tilespmem:v19+s13+$0x0], $0xffff;
	v18 =	vor.u32 v18, v5  }
0x3fa: {  	v13 =	vor.u32 v36, v7;
	v20 =	vld.idx.msk [tilespmem:v20+s13+$0x0], $0xffff  }
0x3fb: {  	v9 =	vld.idx.msk [tilespmem:v9+s13+$0x0], $0xffff  }
0x3fc: {  	[tilespmem:s8+$0xFFFFFC50] =	vst v16  }
0x3fd: {  	v14 =	vld.idx.msk [tilespmem:v14+s13+$0x0], $0xffff;
	[tilespmem:s8+$0xFFFFFCE0] =	vst v12;
	v11 =	vor.u32 v15, v11;
	v15 =	vor.u32 v45, v3  }
0x3fe: {  	[tilespmem:s8+$0xFFFFFF50] =	vst v19;
	v18 =	vld.idx.msk [tilespmem:v18+s13+$0x0], $0xffff  }
0x3ff: {  	v13 =	vld.idx.msk [tilespmem:v13+s13+$0x0], $0xffff;
	[tilespmem:s8+$0xFFFFFFF0] =	vst v20  }
0x400: {  	v17 =	vor.u32 v17, v6;
	v19 =	vld [tilespmem:$0x1FFD0];
	[tilespmem:s8+$0xFFFFFD60] =	vst v9  }
0x401: {  	v10 =	vor.u32 v10, v8;
	v9 =	vld [tilespmem:$0x1FE60]  }
0x402: {  	[tilespmem:s8+$0xFFFFFDE0] =	vst v14;
	v14 =	vld.idx.msk [tilespmem:v15+s13+$0x0], $0xffff  }
0x403: {  	v16 =	vor.u32 v53, v2;
	v15 =	vld [tilespmem:$0x1FED0];
	[tilespmem:s8+$0xFFFFFE60] =	vst v18  }
0x404: {  	v12 =	vor.u32 v61, v4;
	v18 =	vld [tilespmem:$0x1FFB0]  }
0x405: {  	v3 =	vor.u32 v46, v3;
	v17 =	vld.idx.msk [tilespmem:v17+s13+$0x0], $0xffff  }
0x406: {  	v10 =	vld.idx.msk [tilespmem:v10+s13+$0x0], $0xffff;
	v19 =	vor.u32 v19, v5  }
0x407: {  	v11 =	vld.idx.msk [tilespmem:v11+s13+$0x0], $0xffff;
	v9 =	vor.u32 v9, v6  }
0x408: {  	v16 =	vld.idx.msk [tilespmem:v16+s13+$0x0], $0xffff;
	[tilespmem:s8+$0xFFFFFC60] =	vst v13;
	v15 =	vor.u32 v15, v8  }
0x409: {  	v12 =	vld.idx.msk [tilespmem:v12+s13+$0x0], $0xffff;
	[tilespmem:s8+$0xFFFFFCF0] =	vst v14;
	v18 =	vor.u32 v18, v7  }
0x40a: {  	v2 =	vor.u32 v54, v2;
	[tilespmem:s8+$0xFFFFFEE0] =	vst v17;
	v3 =	vld.idx.msk [tilespmem:v3+s13+$0x0], $0xffff  }
0x40b: {  	v4 =	vor.u32 v62, v4;
	[tilespmem:s8+$0xFFFFFF60] =	vst v10;
	v10 =	vld.idx.msk [tilespmem:v19+s13+$0x0], $0xffff  }
0x40c: {  	v5 =	vor.u32 v37, v5;
	[tilespmem:s8+$0x0] =	vst v11;
	v9 =	vld.idx.msk [tilespmem:v9+s13+$0x0], $0xffff  }
0x40d: {  	v6 =	vor.u32 v31, v6;
	[tilespmem:s8+$0xFFFFFD70] =	vst v16;
	v11 =	vld.idx.msk [tilespmem:v15+s13+$0x0], $0xffff  }
0x40e: {  	v8 =	vor.u32 v25, v8;
	[tilespmem:s8+$0xFFFFFDF0] =	vst v12;
	v13 =	vld.idx.msk [tilespmem:v18+s13+$0x0], $0xffff  }
0x40f: {  	v2 =	vld.idx.msk [tilespmem:v2+s13+$0x0], $0xffff;
	v7 =	vor.u32 v38, v7;
	[tilespmem:s8+$0xFFFFFD00] =	vst v3  }
0x410: {  	v4 =	vld.idx.msk [tilespmem:v4+s13+$0x0], $0xffff;
	[tilespmem:s8+$0xFFFFFE70] =	vst v10  }
0x411: {  	[tilespmem:s8+$0xFFFFFEF0] =	vst v9;
	v5 =	vld.idx.msk [tilespmem:v5+s13+$0x0], $0xffff  }
0x412: {  	[tilespmem:s8+$0xFFFFFF70] =	vst v11;
	v6 =	vld.idx.msk [tilespmem:v6+s13+$0x0], $0xffff  }
0x413: {  	[tilespmem:s8+$0xFFFFFC70] =	vst v13;
	v8 =	vld.idx.msk [tilespmem:v8+s13+$0x0], $0xffff  }
0x414: {  	[tilespmem:s8+$0xFFFFFD80] =	vst v2;
	v3 =	vld.idx.msk [tilespmem:v7+s13+$0x0], $0xffff  }
0x415: {  	s6 =	sshll.u32 s12, $0x11;
	[tilespmem:s8+$0xFFFFFE00] =	vst v4  }
0x416: {  	s6 =	sadd.s32 s6, s14;
	[tilespmem:s8+$0xFFFFFE80] =	vst v5  }
0x417: {  	s12 =	simm.s32 $0x0;
	s7 =	simm.s32 $0x2;
	s6 =	sshrl.u32 s6, $0x3;
	[tilespmem:s8+$0xFFFFFF00] =	vst v6  }
0x418: {  	s1 =	sadd.s32 @!p1 $0x300, s1;
	s14 =	sadd.s32 s4, s6;
	s6 =	simm.s32 $0x1;
	[tilespmem:s8+$0xFFFFFF80] =	vst v8  }
0x419: {  	v2 =	vmov s12;
	s12 =	simm.s32 $0x4;
	v4 =	vmov s7;
	s7 =	simm.s32 $0x7;
	[tilespmem:s8+$0xFFFFFC80] =	vst v3;
	s8 =	simm.s32 $0x3  }
0x41a: {  	v2 =	vshrl.u32 v2, $0x3;
	[hbm4b:s14+s9] =	stream.strided.scatter [tilespmem:s22], [sflag:$0x7], $0x1000, s17, s9, $0x38;
	[tilespmem:$0xE400] =	vst v63  }
0x41b: {  	v8 =	vmov s7;
	s7 =	simm.s32 @!p1 $0x8400;
	v3 =	vmov s6;
	s6 =	simm.s32 @!p1 $0x80;
	v5 =	vmov s8;
	s8 =	simm.s32 $0x6  }
0x41c: {  	v2 =	vshll.u32 v2, v1;
	v4 =	vshrl.u32 v4, $0x3;
	v3 =	vshrl.u32 v3, $0x3;
	[tilespmem:s7], [sflag:$0x3] =	stream.indirect.gather @!p1 [hbm4b:s3+s6], $0x20, s1, s6, $0xb8;
	[tilespmem:$0xE400] =	vst v63  }
0x41d: {  	v6 =	vmov s12;
	v25 =	vld [tilespmem:$0x1FEF0];
	v9 =	vmov s8;
	v3 =	vshll.u32 v3, v1;
	_ =	swait.ge [sflag:s23], $0x1000  }
0x41e: {  	v13 =	vshrl.u32 v9, $0x3;
	v9 =	vbroadcast v3, $0x0;
	v3 =	vshll.u32 v4, v1;
	v4 =	vld [tilespmem:$0x1FF50]  }
0x41f: {  	v2 =	vbroadcast v2, $0x0;
	v11 =	vshrl.u32 v6, $0x3;
	v8 =	vshrl.u32 v8, $0x3;
	s14 =	simm.s32 $0x5;
	[sflag:s23] =	ssyncset.done $0x0  }
0x420: {  	v6 =	vshll.u32 v8, v1;
	v7 =	vmov s14;
	v5 =	vshrl.u32 v5, $0x3;
	s1 =	simm.s32 @!p0 $0x8;
	[sflag:s23] =	ssyncadd.s32 $0xFFFFF000  }
0x421: {  	v12 =	vshrl.u32 v7, $0x3;
	v7 =	vbroadcast v6, $0x0;
	v15 =	vor.u32 v39, v9;
	_ =	swait.ge @!p0 [sflag:s1], $0x1000  }
0x422: {  	v8 =	vbroadcast v3, $0x0;
	v3 =	vshll.u32 v5, v1;
	v10 =	vor.u32 v25, v2;
	v16 =	vld [tilespmem:$0x1FFE0]  }
0x423: {  	v6 =	vbroadcast v3, $0x0;
	v3 =	vshll.u32 v11, v1;
	v17 =	vld [tilespmem:$0x1FF70];
	v14 =	vor.u32 v4, v7  }
0x424: {  	v11 =	vor.u32 v47, v8;
	v5 =	vbroadcast v3, $0x0;
	v3 =	vshll.u32 v12, v1;
	[sflag:s1] =	ssyncset.done @!p0 $0x0  }
0x425: {  	v12 =	vor.u32 v55, v6;
	[sflag:s1] =	ssyncadd.s32 @!p0 $0xFFFFF000;
	v4 =	vbroadcast v3, $0x0;
	v3 =	vshll.u32 v13, v1  }
0x426: {  	v13 =	vor.u32 v63, v5;
	v15 =	vld.idx.msk [tilespmem:v15+s15+$0x0], $0xffff;
	v3 =	vbroadcast v3, $0x0  }
0x427: {  	v10 =	vld.idx.msk [tilespmem:v10+s15+$0x0], $0xffff;
	v16 =	vor.u32 v16, v4  }
0x428: {  	v17 =	vor.u32 v17, v3;
	v14 =	vld.idx.msk [tilespmem:v14+s15+$0x0], $0xffff  }
0x429: {  	v11 =	vld.idx.msk [tilespmem:v11+s15+$0x0], $0xffff  }
0x42a: {  	v18 =	vor.u32 v22, v7;
	v12 =	vld.idx.msk [tilespmem:v12+s15+$0x0], $0xffff  }
0x42b: {  	s2 =	simm.s32 $0xD7F0;
	v19 =	vor.u32 v40, v9;
	v13 =	vld.idx.msk [tilespmem:v13+s15+$0x0], $0xffff  }
0x42c: {  	[tilespmem:s2+$0xFFFFFC90] =	vst v15;
	v16 =	vld.idx.msk [tilespmem:v16+s15+$0x0], $0xffff  }
0x42d: {  	v20 =	vor.u32 v48, v8;
	v17 =	vld.idx.msk [tilespmem:v17+s15+$0x0], $0xffff;
	[tilespmem:s2+$0xFFFFFF90] =	vst v14  }
0x42e: {  	v21 =	vor.u32 v56, v6;
	v14 =	vld [tilespmem:$0x1FFF0]  }
0x42f: {  	v22 =	vor.u32 v0, v5;
	v15 =	vld.idx.msk [tilespmem:v18+s15+$0x0], $0xffff;
	[tilespmem:s2+$0xFFFFFD10] =	vst v11  }
0x430: {  	v18 =	vld.idx.msk [tilespmem:v19+s15+$0x0], $0xffff;
	v11 =	vor.u32 v24, v3;
	[tilespmem:s2+$0xFFFFFD90] =	vst v12  }
0x431: {  	v12 =	vld [tilespmem:$0x1FF00];
	[tilespmem:s2+$0xFFFFFE10] =	vst v13  }
0x432: {  	v19 =	vld.idx.msk [tilespmem:v20+s15+$0x0], $0xffff;
	v20 =	vor.u32 v30, v2;
	[tilespmem:s2+$0xFFFFFC10] =	vst v10  }
0x433: {  	v21 =	vld.idx.msk [tilespmem:v21+s15+$0x0], $0xffff;
	[tilespmem:s2+$0xFFFFFE90] =	vst v16  }
0x434: {  	v13 =	vor.u32 v41, v9;
	v22 =	vld.idx.msk [tilespmem:v22+s15+$0x0], $0xffff;
	[tilespmem:s2+$0xFFFFFF10] =	vst v17  }
0x435: {  	v11 =	vld.idx.msk [tilespmem:v11+s15+$0x0], $0xffff;
	[tilespmem:s2+$0xFFFFFFA0] =	vst v15  }
0x436: {  	v10 =	vld [tilespmem:$0x1FFC0]  }
0x437: {  	v14 =	vor.u32 v14, v4;
	v15 =	vld.idx.msk [tilespmem:v20+s15+$0x0], $0xffff;
	[tilespmem:s2+$0xFFFFFCA0] =	vst v18  }
0x438: {  	v12 =	vor.u32 v12, v7;
	v18 =	vld [tilespmem:$0x1FE20]  }
0x439: {  	v13 =	vld.idx.msk [tilespmem:v13+s15+$0x0], $0xffff;
	[tilespmem:s2+$0xFFFFFD20] =	vst v19  }
0x43a: {  	v16 =	vor.u32 v49, v8;
	v19 =	vld [tilespmem:$0x1FF10];
	[tilespmem:s2+$0xFFFFFDA0] =	vst v21  }
0x43b: {  	v17 =	vor.u32 v57, v6;
	v20 =	vld [tilespmem:$0x1FE90]  }
0x43c: {  	v14 =	vld.idx.msk [tilespmem:v14+s15+$0x0], $0xffff;
	v10 =	vor.u32 v10, v5  }
0x43d: {  	[tilespmem:s2+$0xFFFFFE20] =	vst v22;
	v12 =	vld.idx.msk [tilespmem:v12+s15+$0x0], $0xffff;
	v18 =	vor.u32 v18, v4  }
0x43e: {  	[tilespmem:s2+$0xFFFFFF20] =	vst v11  }
0x43f: {  	v16 =	vld.idx.msk [tilespmem:v16+s15+$0x0], $0xffff;
	[tilespmem:s2+$0xFFFFFC20] =	vst v15;
	v19 =	vor.u32 v19, v7  }
0x440: {  	v17 =	vld.idx.msk [tilespmem:v17+s15+$0x0], $0xffff;
	[tilespmem:s2+$0xFFFFFCB0] =	vst v13  }
0x441: {  	v20 =	vor.u32 v20, v3;
	[tilespmem:s2+$0xFFFFFEA0] =	vst v14;
	v10 =	vld.idx.msk [tilespmem:v10+s15+$0x0], $0xffff  }
0x442: {  	v21 =	vor.u32 v29, v2;
	[tilespmem:s2+$0xFFFFFFB0] =	vst v12;
	v18 =	vld.idx.msk [tilespmem:v18+s15+$0x0], $0xffff  }
0x443: {  	v13 =	vld [tilespmem:$0x1FF20]  }
0x444: {  	v22 =	vor.u32 v42, v9;
	[tilespmem:s2+$0xFFFFFD30] =	vst v16;
	v11 =	vld.idx.msk [tilespmem:v19+s15+$0x0], $0xffff  }
0x445: {  	v14 =	vor.u32 v50, v8;
	v16 =	vld [tilespmem:$0x1FE30]  }
0x446: {  	v12 =	vor.u32 v58, v6;
	v19 =	vld.idx.msk [tilespmem:v20+s15+$0x0], $0xffff  }
0x447: {  	v15 =	vor.u32 v23, v5;
	[tilespmem:s2+$0xFFFFFDB0] =	vst v17;
	v20 =	vld.idx.msk [tilespmem:v21+s15+$0x0], $0xffff  }
0x448: {  	v17 =	vld [tilespmem:$0x1FEA0];
	[tilespmem:s2+$0xFFFFFE30] =	vst v10  }
0x449: {  	v21 =	vld.idx.msk [tilespmem:v22+s15+$0x0], $0xffff;
	v22 =	vor.u32 v34, v2;
	[tilespmem:s2+$0xFFFFFEB0] =	vst v18  }
0x44a: {  	v14 =	vld.idx.msk [tilespmem:v14+s15+$0x0], $0xffff;
	[tilespmem:s2+$0xFFFFFFC0] =	vst v11  }
0x44b: {  	v12 =	vld.idx.msk [tilespmem:v12+s15+$0x0], $0xffff;
	v10 =	vor.u32 v43, v9;
	[tilespmem:s2+$0xFFFFFF30] =	vst v19  }
0x44c: {  	v13 =	vor.u32 v13, v7;
	v15 =	vld.idx.msk [tilespmem:v15+s15+$0x0], $0xffff;
	[tilespmem:s2+$0xFFFFFC30] =	vst v20  }
0x44d: {  	v16 =	vor.u32 v16, v4;
	v19 =	vld [tilespmem:$0x1FF30]  }
0x44e: {  	v17 =	vor.u32 v17, v3;
	v20 =	vld.idx.msk [tilespmem:v22+s15+$0x0], $0xffff;
	[tilespmem:s2+$0xFFFFFCC0] =	vst v21  }
0x44f: {  	v21 =	vld [tilespmem:$0x1FF90]  }
0x450: {  	v10 =	vld.idx.msk [tilespmem:v10+s15+$0x0], $0xffff  }
0x451: {  	v13 =	vld.idx.msk [tilespmem:v13+s15+$0x0], $0xffff  }
0x452: {  	v16 =	vld.idx.msk [tilespmem:v16+s15+$0x0], $0xffff  }
0x453: {  	v11 =	vor.u32 v51, v8;
	[tilespmem:s2+$0xFFFFFD40] =	vst v14;
	v17 =	vld.idx.msk [tilespmem:v17+s15+$0x0], $0xffff  }
0x454: {  	v14 =	vld [tilespmem:$0x1FE40];
	[tilespmem:s2+$0xFFFFFDC0] =	vst v12  }
0x455: {  	v18 =	vor.u32 v59, v6;
	v12 =	vld [tilespmem:$0x1FEB0];
	[tilespmem:s2+$0xFFFFFE40] =	vst v15  }
0x456: {  	[tilespmem:s2+$0xFFFFFFD0] =	vst v13  }
0x457: {  	v19 =	vor.u32 v19, v7;
	[tilespmem:s2+$0xFFFFFEC0] =	vst v16  }
0x458: {  	v11 =	vld.idx.msk [tilespmem:v11+s15+$0x0], $0xffff;
	v21 =	vor.u32 v21, v5;
	[tilespmem:s2+$0xFFFFFF40] =	vst v17  }
0x459: {  	v16 =	vld [tilespmem:$0x1FF40];
	[tilespmem:s2+$0xFFFFFC40] =	vst v20  }
0x45a: {  	v22 =	vor.u32 v35, v2;
	v18 =	vld.idx.msk [tilespmem:v18+s15+$0x0], $0xffff;
	[tilespmem:s2+$0xFFFFFCD0] =	vst v10  }
0x45b: {  	v14 =	vor.u32 v14, v4;
	v10 =	vld [tilespmem:$0x1FFA0]  }
0x45c: {  	v12 =	vor.u32 v12, v3;
	v15 =	vld.idx.msk [tilespmem:v19+s15+$0x0], $0xffff  }
0x45d: {  	v21 =	vld.idx.msk [tilespmem:v21+s15+$0x0], $0xffff;
	[tilespmem:s2+$0xFFFFFD50] =	vst v11  }
0x45e: {  	v13 =	vor.u32 v44, v9;
	v11 =	vld [tilespmem:$0x1FE50]  }
0x45f: {  	v19 =	vor.u32 v52, v8;
	v20 =	vld.idx.msk [tilespmem:v22+s15+$0x0], $0xffff  }
0x460: {  	v14 =	vld.idx.msk [tilespmem:v14+s15+$0x0], $0xffff;
	v10 =	vor.u32 v10, v5  }
0x461: {  	v12 =	vld.idx.msk [tilespmem:v12+s15+$0x0], $0xffff  }
0x462: {  	v22 =	vld [tilespmem:$0x1FEC0];
	[tilespmem:s2+$0xFFFFFDD0] =	vst v18;
	v16 =	vor.u32 v16, v7  }
0x463: {  	v13 =	vld.idx.msk [tilespmem:v13+s15+$0x0], $0xffff;
	[tilespmem:s2+$0xFFFFFFE0] =	vst v15;
	v11 =	vor.u32 v11, v4  }
0x464: {  	v19 =	vld.idx.msk [tilespmem:v19+s15+$0x0], $0xffff;
	[tilespmem:s2+$0xFFFFFE50] =	vst v21  }
0x465: {  	[tilespmem:s2+$0xFFFFFED0] =	vst v14;
	v21 =	vld.idx.msk [tilespmem:v10+s15+$0x0], $0xffff  }
0x466: {  	v10 =	vld [tilespmem:$0x1FE00];
	[tilespmem:s2+$0xFFFFFF50] =	vst v12  }
0x467: {  	v16 =	vld.idx.msk [tilespmem:v16+s15+$0x0], $0xffff;
	[tilespmem:s2+$0xFFFFFC50] =	vst v20  }
0x468: {  	v17 =	vor.u32 v60, v6;
	[tilespmem:s2+$0xFFFFFCE0] =	vst v13;
	v24 =	vld.idx.msk [tilespmem:v11+s15+$0x0], $0xffff  }
0x469: {  	v18 =	vor.u32 v45, v9;
	v11 =	vld [tilespmem:$0x1FFD0]  }
0x46a: {  	v13 =	vld [tilespmem:$0x1FE60]  }
0x46b: {  	v10 =	vor.u32 v10, v7;
	_ =	sdelay $0x1  }
0x46c: {  	v17 =	vld.idx.msk [tilespmem:v17+s15+$0x0], $0xffff;
	v22 =	vor.u32 v22, v3;
	[tilespmem:s2+$0xFFFFFD60] =	vst v19  }
0x46d: {  	v15 =	vor.u32 v36, v2;
	[tilespmem:s2+$0xFFFFFFF0] =	vst v16;
	v26 =	vor.u32 v11, v5;
	v11 =	vld.idx.msk [tilespmem:v18+s15+$0x0], $0xffff  }
0x46e: {  	v14 =	vor.u32 v53, v8;
	v18 =	vor.u32 v13, v4;
	v13 =	vld [tilespmem:$0x1FED0]  }
0x46f: {  	s12 =	simm.s32 $0x8;
	v20 =	vor.u32 v61, v6;
	v16 =	vld.idx.msk [tilespmem:v10+s15+$0x0], $0xffff  }
0x470: {  	s14 =	simm.s32 $0x9;
	v7 =	vmov s12;
	v10 =	vld [tilespmem:$0x1FFB0]  }
0x471: {  	s8 =	simm.s32 $0xB;
	v27 =	vmov s14;
	s6 =	simm.s32 $0xA;
	v22 =	vld.idx.msk [tilespmem:v22+s15+$0x0], $0xffff;
	v7 =	vshrl.u32 v7, $0x3  }
0x472: {  	v33 =	vmovc v29;
	v28 =	vmov s6;
	v29 =	vmov s8;
	v12 =	vld.idx.msk [tilespmem:v15+s15+$0x0], $0xffff;
	v7 =	vshll.u32 v7, v1  }
0x473: {  	s7 =	sadd.s32 $0x3, s0;
	s14 =	simm.s32 $0xD;
	v9 =	vor.u32 v46, v9;
	v7 =	vbroadcast v7, $0x0;
	[tilespmem:s2+$0xFFFFFDE0] =	vst v17;
	v15 =	vor.u32 v13, v3;
	v13 =	vld.idx.msk [tilespmem:v14+s15+$0x0], $0xffff  }
0x474: {  	s0 =	sshrl.u32 s7, $0x5;
	v23 =	vmov s14;
	v8 =	vor.u32 v54, v8;
	s12 =	simm.s32 $0xC;
	[tilespmem:s2+$0xFFFFFE60] =	vst v21;
	v21 =	vshrl.u32 v27, $0x3;
	v14 =	vld.idx.msk [tilespmem:v20+s15+$0x0], $0xffff  }
0x475: {  	s8 =	simm.s32 $0xE;
	s14 =	sshll.u32 s0, $0xC;
	[tilespmem:s2+$0xFFFFFEE0] =	vst v24;
	v17 =	vld.idx.msk [tilespmem:v26+s15+$0x0], $0xffff;
	v19 =	vor.u32 v10, v2;
	v10 =	vor.u32 v25, v7;
	v25 =	vmov s12;
	s12 =	sshll.u32 s7, $0x7  }
0x476: {  	s6 =	simm.s32 $0x10;
	v24 =	vmov s8;
	[tilespmem:s2+$0xFFFFFF60] =	vst v22;
	v22 =	vshrl.u32 v28, $0x3;
	v20 =	vshrl.u32 v29, $0x3;
	v18 =	vld.idx.msk [tilespmem:v18+s15+$0x0], $0xffff;
	s1 =	ssub.s32 s12, s14;
	s12 =	simm.s32 $0xF  }
.LBB2_9:
0x477: {  	[tilespmem:s2+$0xFFFFFCF0] =	vst v11  }
0x478: {  	v11 =	vshll.u32 v21, v1;
	v21 =	vld.idx.msk [tilespmem:v9+s15+$0x0], $0xffff  }
0x479: {  	v9 =	vld [tilespmem:$0x1FEE0];
	_ =	sdelay $0x1  }
0x47a: {  	[tilespmem:s2+$0xFFFFFC60] =	vst v12;
	v12 =	vld.idx.msk [tilespmem:v15+s15+$0x0], $0xffff;
	v5 =	vor.u32 v37, v5  }
0x47b: {  	v26 =	vmov s12;
	v6 =	vor.u32 v62, v6;
	v15 =	vshrl.u32 v23, $0x3;
	[tilespmem:s2+$0xFFFFFDF0] =	vst v14;
	v14 =	vld [tilespmem:$0x1FF50]  }
0x47c: {  	[tilespmem:s2+$0x0] =	vst v16;
	v4 =	vor.u32 v31, v4;
	v2 =	vor.u32 v38, v2;
	v23 =	vshrl.u32 v26, $0x3;
	v19 =	vld.idx.msk [tilespmem:v19+s15+$0x0], $0xffff  }
0x47d: {  	v16 =	vld.idx.msk [tilespmem:v10+s15+$0x0], $0xffff;
	v10 =	vshll.u32 v23, v1;
	[tilespmem:s2+$0xFFFFFD70] =	vst v13;
	v3 =	vor.u32 v9, v3  }
0x47e: {  	v10 =	vbroadcast v10, $0x0;
	[tilespmem:s2+$0xFFFFFE70] =	vst v17;
	v13 =	vld.idx.msk [tilespmem:v8+s15+$0x0], $0xffff;
	v9 =	vbroadcast v11, $0x0;
	v11 =	vshll.u32 v22, v1  }
0x47f: {  	v25 =	vshrl.u32 v25, $0x3;
	v22 =	vld.idx.msk [tilespmem:v5+s15+$0x0], $0xffff;
	v8 =	vbroadcast v11, $0x0;
	v11 =	vshll.u32 v20, v1  }
0x480: {  	[tilespmem:s2+$0xFFFFFEF0] =	vst v18;
	v14 =	vor.u32 v14, v10;
	v20 =	vld.idx.msk [tilespmem:v6+s15+$0x0], $0xffff;
	v6 =	vbroadcast v11, $0x0;
	v11 =	vshll.u32 v25, v1  }
0x481: {  	v24 =	vshrl.u32 v24, $0x3;
	[tilespmem:s2+$0xFFFFFF70] =	vst v12;
	v5 =	vbroadcast v11, $0x0;
	v11 =	vshll.u32 v15, v1;
	v15 =	vld.idx.msk [tilespmem:v4+s15+$0x0], $0xffff  }
0x482: {  	[tilespmem:s2+$0xFFFFFC70] =	vst v19;
	v17 =	vor.u32 v39, v9;
	v4 =	vbroadcast v11, $0x0;
	v11 =	vshll.u32 v24, v1;
	v19 =	vld.idx.msk [tilespmem:v3+s15+$0x0], $0xffff  }
0x483: {  	v18 =	vor.u32 v47, v8;
	v3 =	vbroadcast v11, $0x0;
	v11 =	vld.idx.msk [tilespmem:v2+s15+$0x0], $0xffff  }
0x484: {  	v2 =	vmov v7;
	v7 =	vld [tilespmem:$0x1FFE0]  }
0x485: {  	[tilespmem:s2+$0xFFFFFD00] =	vst v21;
	v12 =	vor.u32 v55, v6;
	v14 =	vld.idx.msk [tilespmem:v14+s15+$0x0], $0xffff  }
0x486: {  	v23 =	vor.u32 v63, v5;
	[tilespmem:s2+$0xFFFFFE00] =	vst v20;
	v20 =	vld [tilespmem:$0x1FF60]  }
0x487: {  	[tilespmem:s2+$0xFFFFFD80] =	vst v13;
	v13 =	vld.idx.msk [tilespmem:v17+s15+$0x0], $0xffff  }
0x488: {  	[tilespmem:s2+$0xFFFFFE80] =	vst v22;
	v18 =	vld.idx.msk [tilespmem:v18+s15+$0x0], $0xffff  }
0x489: {  	v17 =	vld [tilespmem:$0x1FF70];
	[tilespmem:s2+$0xFFFFFF00] =	vst v15;
	v15 =	vor.u32 v48, v8  }
0x48a: {  	v12 =	vld.idx.msk [tilespmem:v12+s15+$0x0], $0xffff;
	[tilespmem:s2+$0xFFFFFF80] =	vst v19  }
0x48b: {  	v7 =	vor.u32 v7, v4;
	v22 =	vld.idx.msk [tilespmem:v23+s15+$0x0], $0xffff;
	[tilespmem:s2+$0xFFFFFC80] =	vst v11;
	s2 =	sadd.s32 $0x400, s2  }
0x48c: {  	v19 =	vor.u32 v56, v6;
	[tilespmem:s2+$0xFFFFFC90] =	vst v13;
	v13 =	vld [tilespmem:$0x1FFF0]  }
0x48d: {  	v20 =	vor.u32 v20, v10;
	[tilespmem:s2+$0xFFFFFD10] =	vst v18;
	v18 =	vld [tilespmem:$0x1FE80]  }
0x48e: {  	v21 =	vor.u32 v40, v9;
	v15 =	vld.idx.msk [tilespmem:v15+s15+$0x0], $0xffff  }
0x48f: {  	v11 =	vor.u32 v0, v5;
	[tilespmem:s2+$0xFFFFFD90] =	vst v12;
	v12 =	vld [tilespmem:$0x1FF00]  }
0x490: {  	v17 =	vor.u32 v17, v3;
	v7 =	vld.idx.msk [tilespmem:v7+s15+$0x0], $0xffff  }
0x491: {  	[tilespmem:s2+$0xFFFFFF90] =	vst v14;
	v19 =	vld.idx.msk [tilespmem:v19+s15+$0x0], $0xffff  }
0x492: {  	v14 =	vld.idx.msk [tilespmem:v20+s15+$0x0], $0xffff  }
0x493: {  	[tilespmem:s2+$0xFFFFFE10] =	vst v22;
	v20 =	vld.idx.msk [tilespmem:v21+s15+$0x0], $0xffff  }
0x494: {  	v21 =	vor.u32 v30, v2;
	v11 =	vld.idx.msk [tilespmem:v11+s15+$0x0], $0xffff  }
0x495: {  	[tilespmem:s2+$0xFFFFFC10] =	vst v16;
	v17 =	vld.idx.msk [tilespmem:v17+s15+$0x0], $0xffff  }
0x496: {  	v13 =	vor.u32 v13, v4;
	[tilespmem:s2+$0xFFFFFD20] =	vst v15;
	v15 =	vld [tilespmem:$0x1FF10]  }
0x497: {  	v22 =	vor.u32 v41, v9;
	[tilespmem:s2+$0xFFFFFDA0] =	vst v19;
	v19 =	vld [tilespmem:$0x1FE90]  }
0x498: {  	v18 =	vor.u32 v18, v3;
	[tilespmem:s2+$0xFFFFFFA0] =	vst v14;
	v14 =	vld [tilespmem:$0x1FFC0]  }
0x499: {  	v12 =	vor.u32 v12, v10;
	[tilespmem:s2+$0xFFFFFE90] =	vst v7;
	v16 =	vld.idx.msk [tilespmem:v21+s15+$0x0], $0xffff  }
0x49a: {  	v7 =	vor.u32 v49, v8;
	[tilespmem:s2+$0xFFFFFCA0] =	vst v20;
	v20 =	vld [tilespmem:$0x1FE20]  }
0x49b: {  	v13 =	vld.idx.msk [tilespmem:v13+s15+$0x0], $0xffff  }
0x49c: {  	[tilespmem:s2+$0xFFFFFF10] =	vst v17;
	v17 =	vor.u32 v57, v6;
	v21 =	vld.idx.msk [tilespmem:v22+s15+$0x0], $0xffff  }
0x49d: {  	v18 =	vld.idx.msk [tilespmem:v18+s15+$0x0], $0xffff  }
0x49e: {  	[tilespmem:s2+$0xFFFFFE20] =	vst v11;
	v11 =	vor.u32 v42, v9;
	v12 =	vld.idx.msk [tilespmem:v12+s15+$0x0], $0xffff  }
0x49f: {  	v15 =	vor.u32 v15, v10;
	v7 =	vld.idx.msk [tilespmem:v7+s15+$0x0], $0xffff  }
0x4a0: {  	v19 =	vor.u32 v19, v3;
	[tilespmem:s2+$0xFFFFFC20] =	vst v16;
	v16 =	vld [tilespmem:$0x1FF80]  }
0x4a1: {  	v22 =	vor.u32 v33, v2;
	v17 =	vld.idx.msk [tilespmem:v17+s15+$0x0], $0xffff  }
0x4a2: {  	[tilespmem:s2+$0xFFFFFCB0] =	vst v21;
	v21 =	vld [tilespmem:$0x1FF20]  }
0x4a3: {  	v14 =	vor.u32 v14, v5;
	v11 =	vld.idx.msk [tilespmem:v11+s15+$0x0], $0xffff;
	[tilespmem:s2+$0xFFFFFFB0] =	vst v12  }
0x4a4: {  	v20 =	vor.u32 v20, v4;
	[tilespmem:s2+$0xFFFFFF20] =	vst v18;
	v15 =	vld.idx.msk [tilespmem:v15+s15+$0x0], $0xffff  }
0x4a5: {  	[tilespmem:s2+$0xFFFFFEA0] =	vst v13;
	v13 =	vor.u32 v50, v8;
	v18 =	vld.idx.msk [tilespmem:v19+s15+$0x0], $0xffff  }
0x4a6: {  	v19 =	vld.idx.msk [tilespmem:v22+s15+$0x0], $0xffff  }
0x4a7: {  	[tilespmem:s2+$0xFFFFFD30] =	vst v7;
	v7 =	vld [tilespmem:$0x1FE30]  }
0x4a8: {  	v12 =	vor.u32 v58, v6;
	v14 =	vld.idx.msk [tilespmem:v14+s15+$0x0], $0xffff  }
0x4a9: {  	v20 =	vld.idx.msk [tilespmem:v20+s15+$0x0], $0xffff  }
0x4aa: {  	v22 =	vor.u32 v34, v2;
	v13 =	vld.idx.msk [tilespmem:v13+s15+$0x0], $0xffff;
	[tilespmem:s2+$0xFFFFFDB0] =	vst v17  }
0x4ab: {  	v17 =	vld [tilespmem:$0x1FEA0];
	[tilespmem:s2+$0xFFFFFCC0] =	vst v11  }
0x4ac: {  	v16 =	vor.u32 v16, v5;
	v11 =	vld [tilespmem:$0x1FF90];
	[tilespmem:s2+$0xFFFFFFC0] =	vst v15  }
0x4ad: {  	v21 =	vor.u32 v21, v10;
	v12 =	vld.idx.msk [tilespmem:v12+s15+$0x0], $0xffff;
	[tilespmem:s2+$0xFFFFFF30] =	vst v18  }
0x4ae: {  	[tilespmem:s2+$0xFFFFFC30] =	vst v19;
	v18 =	vld [tilespmem:$0x1FF30]  }
0x4af: {  	v7 =	vor.u32 v7, v4;
	[tilespmem:s2+$0xFFFFFE30] =	vst v14;
	v19 =	vld.idx.msk [tilespmem:v22+s15+$0x0], $0xffff  }
0x4b0: {  	v15 =	vor.u32 v51, v8;
	[tilespmem:s2+$0xFFFFFD40] =	vst v13;
	v13 =	vld [tilespmem:$0x1FE40]  }
0x4b1: {  	v14 =	vor.u32 v43, v9;
	v16 =	vld.idx.msk [tilespmem:v16+s15+$0x0], $0xffff  }
0x4b2: {  	[tilespmem:s2+$0xFFFFFEB0] =	vst v20;
	v17 =	vor.u32 v17, v3;
	v20 =	vld.idx.msk [tilespmem:v21+s15+$0x0], $0xffff  }
0x4b3: {  	v21 =	vor.u32 v59, v6;
	[tilespmem:s2+$0xFFFFFDC0] =	vst v12;
	v12 =	vld [tilespmem:$0x1FEB0]  }
0x4b4: {  	v22 =	vor.u32 v35, v2;
	v7 =	vld.idx.msk [tilespmem:v7+s15+$0x0], $0xffff  }
0x4b5: {  	v15 =	vld.idx.msk [tilespmem:v15+s15+$0x0], $0xffff;
	v13 =	vor.u32 v13, v4  }
0x4b6: {  	v14 =	vld.idx.msk [tilespmem:v14+s15+$0x0], $0xffff  }
0x4b7: {  	v17 =	vld.idx.msk [tilespmem:v17+s15+$0x0], $0xffff  }
0x4b8: {  	v11 =	vor.u32 v11, v5;
	[tilespmem:s2+$0xFFFFFC40] =	vst v19;
	v21 =	vld.idx.msk [tilespmem:v21+s15+$0x0], $0xffff  }
0x4b9: {  	v19 =	vld.idx.msk [tilespmem:v22+s15+$0x0], $0xffff;
	[tilespmem:s2+$0xFFFFFEC0] =	vst v7  }
0x4ba: {  	v18 =	vor.u32 v18, v10;
	v7 =	vld.idx.msk [tilespmem:v13+s15+$0x0], $0xffff  }
0x4bb: {  	v13 =	vld [tilespmem:$0x1FF40]  }
0x4bc: {  	[tilespmem:s2+$0xFFFFFE40] =	vst v16;
	v22 =	vld [tilespmem:$0x1FEC0]  }
0x4bd: {  	[tilespmem:s2+$0xFFFFFFD0] =	vst v20;
	v20 =	vor.u32 v44, v9;
	v11 =	vld.idx.msk [tilespmem:v11+s15+$0x0], $0xffff  }
0x4be: {  	[tilespmem:s2+$0xFFFFFD50] =	vst v15;
	v15 =	vld [tilespmem:$0x1FE50]  }
0x4bf: {  	v12 =	vor.u32 v12, v3;
	v16 =	vld.idx.msk [tilespmem:v18+s15+$0x0], $0xffff  }
0x4c0: {  	[tilespmem:s2+$0xFFFFFCD0] =	vst v14;
	v14 =	vld [tilespmem:$0x1FFA0];
	v13 =	vor.u32 v13, v10  }
0x4c1: {  	v18 =	vor.u32 v52, v8;
	[tilespmem:s2+$0xFFFFFED0] =	vst v7;
	v7 =	vld [tilespmem:$0x1FE00]  }
0x4c2: {  	[tilespmem:s2+$0xFFFFFF40] =	vst v17;
	v17 =	vor.u32 v60, v6;
	v20 =	vld.idx.msk [tilespmem:v20+s15+$0x0], $0xffff  }
0x4c3: {  	[tilespmem:s2+$0xFFFFFE50] =	vst v11;
	v11 =	vld [tilespmem:$0x1FFD0];
	v15 =	vor.u32 v15, v4  }
0x4c4: {  	v12 =	vld.idx.msk [tilespmem:v12+s15+$0x0], $0xffff;
	[tilespmem:s2+$0xFFFFFFE0] =	vst v16;
	v16 =	vor.u32 v36, v2  }
0x4c5: {  	v13 =	vld.idx.msk [tilespmem:v13+s15+$0x0], $0xffff  }
0x4c6: {  	[tilespmem:s2+$0xFFFFFDD0] =	vst v21;
	v18 =	vld.idx.msk [tilespmem:v18+s15+$0x0], $0xffff;
	v10 =	vor.u32 v7, v10  }
0x4c7: {  	v17 =	vld.idx.msk [tilespmem:v17+s15+$0x0], $0xffff  }
0x4c8: {  	[tilespmem:s2+$0xFFFFFC50] =	vst v19;
	v14 =	vor.u32 v14, v5;
	v26 =	vld.idx.msk [tilespmem:v15+s15+$0x0], $0xffff  }
0x4c9: {  	[tilespmem:s2+$0xFFFFFF50] =	vst v12;
	v12 =	vld.idx.msk [tilespmem:v16+s15+$0x0], $0xffff  }
0x4ca: {  	v22 =	vor.u32 v22, v3;
	v15 =	vld [tilespmem:$0x1FE60];
	[tilespmem:s2+$0xFFFFFFF0] =	vst v13  }
0x4cb: {  	v16 =	vld.idx.msk [tilespmem:v10+s15+$0x0], $0xffff  }
0x4cc: {  	v10 =	vld [tilespmem:$0x1FFB0]  }
0x4cd: {  	v21 =	vor.u32 v45, v9;
	v24 =	vld.idx.msk [tilespmem:v14+s15+$0x0], $0xffff  }
0x4ce: {  	[tilespmem:s2+$0xFFFFFCE0] =	vst v20;
	v20 =	vor.u32 v11, v5  }
0x4cf: {  	v28 =	vld.idx.msk [tilespmem:v22+s15+$0x0], $0xffff;
	v29 =	vor.u32 v15, v4  }
0x4d0: {  	s8 =	sadd.s32 $0x3, s6;
	v27 =	vor.u32 v61, v6;
	[tilespmem:s2+$0xFFFFFD60] =	vst v18;
	v14 =	vor.u32 v53, v8;
	v13 =	vld [tilespmem:$0x1FED0]  }
0x4d1: {  	p0 =	slt.u32 s6, $0x18;
	s12 =	sadd.s32 $0x5, s6;
	v30 =	vmov s8;
	s8 =	sadd.s32 $0x4, s6;
	v7 =	vmov s6;
	[tilespmem:s2+$0xFFFFFDE0] =	vst v17;
	v19 =	vor.u32 v10, v2;
	v10 =	vld [tilespmem:$0x1FEF0]  }
.Ltmp5:
0x4d2: {  	s14 =	sadd.s32 $0x2, s6;
	v23 =	vmov s12;
	v25 =	vmov s8;
	v11 =	vld.idx.msk [tilespmem:v21+s15+$0x0], $0xffff;
	v7 =	vshrl.u32 v7, $0x3;
	[tilespmem:s2+$0xFFFFFE60] =	vst v24;
	(pc) =	sbr.rel @p0 .LBB2_9-.Ltmp5, $4  }
0x4d3: {  	s7 =	sadd.s32 $0x1, s6;
	v9 =	vor.u32 v46, v9;
	v18 =	vmov s14;
	v7 =	vshll.u32 v7, v1;
	[tilespmem:s2+$0xFFFFFEE0] =	vst v26;
	v17 =	vld.idx.msk [tilespmem:v20+s15+$0x0], $0xffff  }
0x4d4: {  	v21 =	vmov s7;
	v22 =	vshrl.u32 v18, $0x3;
	v7 =	vbroadcast v7, $0x0;
	v18 =	vld.idx.msk [tilespmem:v29+s15+$0x0], $0xffff  }
0x4d5: {  	v21 =	vshrl.u32 v21, $0x3;
	s14 =	sadd.s32 $0x6, s6;
	v8 =	vor.u32 v54, v8;
	v15 =	vor.u32 v13, v3;
	v13 =	vld.idx.msk [tilespmem:v14+s15+$0x0], $0xffff  }
0x4d6: {  	s12 =	sadd.s32 $0x7, s6;
	s6 =	sadd.s32 $0x8, s6;
	[tilespmem:s2+$0xFFFFFF60] =	vst v28;
	v24 =	vmov s14;
	v20 =	vshrl.u32 v30, $0x3;
	v30 =	vmovc v32;
	v14 =	vld.idx.msk [tilespmem:v27+s15+$0x0], $0xffff;
	v10 =	vor.u32 v10, v7  }
0x4d7: {  	_ =	sdelay $0x2  }
0x4d8: {  	[tilespmem:s2+$0xFFFFFC60] =	vst v12  }
0x4d9: {  	v6 =	vor.u32 v62, v6;
	[tilespmem:s2+$0xFFFFFCF0] =	vst v11;
	v15 =	vld.idx.msk [tilespmem:v15+s15+$0x0], $0xffff  }
0x4da: {  	[tilespmem:s2+$0x0] =	vst v16;
	v9 =	vld.idx.msk [tilespmem:v9+s15+$0x0], $0xffff  }
0x4db: {  	v26 =	vmov v54;
	v54 =	vmov s12;
	v5 =	vor.u32 v37, v5;
	[tilespmem:s2+$0xFFFFFD70] =	vst v13;
	v13 =	vld.idx.msk [tilespmem:v19+s15+$0x0], $0xffff  }
0x4dc: {  	v32 =	vshrl.u32 v54, $0x3;
	v54 =	vshll.u32 v20, v1;
	[tilespmem:s2+$0xFFFFFDF0] =	vst v14;
	v8 =	vld.idx.msk [tilespmem:v8+s15+$0x0], $0xffff  }
0x4dd: {  	v16 =	vshrl.u32 v24, $0x3;
	v19 =	vor.u32 v31, v4;
	v4 =	vbroadcast v54, $0x0;
	v24 =	vld [tilespmem:$0x1FEE0];
	[tilespmem:s2+$0xFFFFFE70] =	vst v17  }
0x4de: {  	v27 =	vmov v46;
	v46 =	vshll.u32 v22, v1;
	v17 =	vor.u32 v38, v2;
	[tilespmem:s2+$0xFFFFFEF0] =	vst v18;
	v20 =	vld.idx.msk [tilespmem:v6+s15+$0x0], $0xffff  }
0x4df: {  	v12 =	vshrl.u32 v25, $0x3;
	v2 =	vbroadcast v46, $0x0;
	v46 =	vor.u32 v55, v4;
	v18 =	vld [tilespmem:$0x1FF50]  }
0x4e0: {  	v11 =	vshll.u32 v32, v1;
	v32 =	vshll.u32 v12, v1;
	[tilespmem:s2+$0xFFFFFF70] =	vst v15;
	v12 =	vld.idx.msk [tilespmem:v5+s15+$0x0], $0xffff  }
0x4e1: {  	[tilespmem:s2+$0xFFFFFD00] =	vst v9  }
0x4e2: {  	[tilespmem:s2+$0xFFFFFC70] =	vst v13;
	v13 =	vor.u32 v47, v2;
	v19 =	vld.idx.msk [tilespmem:v19+s15+$0x0], $0xffff  }
0x4e3: {  	v29 =	vmov v37;
	v37 =	vshll.u32 v21, v1;
	v11 =	vbroadcast v11, $0x0;
	[tilespmem:s2+$0xFFFFFD80] =	vst v8;
	v54 =	vld.idx.msk [tilespmem:v17+s15+$0x0], $0xffff  }
0x4e4: {  	v14 =	vor.u32 v24, v3;
	v3 =	vbroadcast v37, $0x0;
	[tilespmem:s2+$0xFFFFFE00] =	vst v20;
	v9 =	vld.idx.msk [tilespmem:v46+s15+$0x0], $0xffff  }
0x4e5: {  	v5 =	vbroadcast v32, $0x0;
	v18 =	vor.u32 v18, v11;
	v32 =	vld [tilespmem:$0x1FFE0];
	[tilespmem:s2+$0xFFFFFE80] =	vst v12  }
0x4e6: {  	v23 =	vshrl.u32 v23, $0x3;
	v15 =	vor.u32 v39, v3;
	v12 =	vld [tilespmem:$0x1FF70]  }
0x4e7: {  	v37 =	vshll.u32 v23, v1;
	v13 =	vld.idx.msk [tilespmem:v13+s15+$0x0], $0xffff;
	[tilespmem:s2+$0xFFFFFF00] =	vst v19  }
0x4e8: {  	v16 =	vshll.u32 v16, v1;
	v6 =	vbroadcast v37, $0x0;
	v19 =	vld [tilespmem:$0x1FF60]  }
0x4e9: {  	v21 =	vor.u32 v63, v5;
	v8 =	vbroadcast v16, $0x0;
	v14 =	vld.idx.msk [tilespmem:v14+s15+$0x0], $0xffff  }
0x4ea: {  	v17 =	vor.u32 v32, v6;
	v18 =	vld.idx.msk [tilespmem:v18+s15+$0x0], $0xffff  }
0x4eb: {  	s14 =	sadd.s32 $0x400, s2;
	[tilespmem:s2+$0xFFFFFC80] =	vst v54;
	v15 =	vld.idx.msk [tilespmem:v15+s15+$0x0], $0xffff;
	v12 =	vor.u32 v12, v8  }
0x4ec: {  	[tilespmem:s14+$0xFFFFFD90] =	vst v9  }
0x4ed: {  	v10 =	vld.idx.msk [tilespmem:v10+s15+$0x0], $0xffff;
	v37 =	vor.u32 v40, v3;
	[tilespmem:s14+$0xFFFFFD10] =	vst v13  }
0x4ee: {  	v46 =	vld.idx.msk [tilespmem:v21+s15+$0x0], $0xffff;
	v19 =	vor.u32 v19, v11;
	[tilespmem:s2+$0xFFFFFF80] =	vst v14  }
0x4ef: {  	[tilespmem:s14+$0xFFFFFF90] =	vst v18;
	v17 =	vld.idx.msk [tilespmem:v17+s15+$0x0], $0xffff  }
0x4f0: {  	v18 =	vor.u32 v48, v2;
	[tilespmem:s14+$0xFFFFFC90] =	vst v15;
	v12 =	vld.idx.msk [tilespmem:v12+s15+$0x0], $0xffff  }
0x4f1: {  	v9 =	vld [tilespmem:$0x1FFF0]  }
0x4f2: {  	v14 =	vld.idx.msk [tilespmem:v37+s15+$0x0], $0xffff  }
0x4f3: {  	v54 =	vor.u32 v56, v4;
	[tilespmem:s14+$0xFFFFFE10] =	vst v46;
	v19 =	vld.idx.msk [tilespmem:v19+s15+$0x0], $0xffff  }
0x4f4: {  	v16 =	vld [tilespmem:$0x1FF00]  }
0x4f5: {  	v32 =	vor.u32 v0, v5;
	[tilespmem:s14+$0xFFFFFE90] =	vst v17;
	v18 =	vld.idx.msk [tilespmem:v18+s15+$0x0], $0xffff  }
0x4f6: {  	v17 =	vld [tilespmem:$0x1FE80];
	[tilespmem:s14+$0xFFFFFF10] =	vst v12  }
0x4f7: {  	v46 =	vor.u32 v49, v2;
	[tilespmem:s14+$0xFFFFFC10] =	vst v10  }
0x4f8: {  	v15 =	vld.idx.msk [tilespmem:v54+s15+$0x0], $0xffff;
	v9 =	vor.u32 v9, v6;
	[tilespmem:s14+$0xFFFFFCA0] =	vst v14  }
0x4f9: {  	[tilespmem:s14+$0xFFFFFFA0] =	vst v19  }
0x4fa: {  	v13 =	vld.idx.msk [tilespmem:v32+s15+$0x0], $0xffff;
	v16 =	vor.u32 v16, v11;
	[tilespmem:s14+$0xFFFFFD20] =	vst v18  }
0x4fb: {  	v32 =	vld [tilespmem:$0x1FFC0]  }
0x4fc: {  	v37 =	vor.u32 v30, v7;
	v10 =	vld.idx.msk [tilespmem:v46+s15+$0x0], $0xffff  }
0x4fd: {  	v19 =	vor.u32 v41, v3;
	[tilespmem:s14+$0xFFFFFDA0] =	vst v15;
	v9 =	vld.idx.msk [tilespmem:v9+s15+$0x0], $0xffff  }
0x4fe: {  	v17 =	vor.u32 v17, v8;
	v15 =	vld [tilespmem:$0x1FF10]  }
0x4ff: {  	[tilespmem:s14+$0xFFFFFE20] =	vst v13;
	v16 =	vld.idx.msk [tilespmem:v16+s15+$0x0], $0xffff  }
0x500: {  	v54 =	vor.u32 v57, v4;
	v13 =	vld [tilespmem:$0x1FE20]  }
0x501: {  	v12 =	vld.idx.msk [tilespmem:v37+s15+$0x0], $0xffff;
	v37 =	vor.u32 v50, v2  }
0x502: {  	v19 =	vld.idx.msk [tilespmem:v19+s15+$0x0], $0xffff;
	v18 =	vor.u32 v32, v5  }
0x503: {  	v17 =	vld.idx.msk [tilespmem:v17+s15+$0x0], $0xffff;
	v15 =	vor.u32 v15, v11;
	[tilespmem:s14+$0xFFFFFEA0] =	vst v9  }
0x504: {  	v9 =	vld [tilespmem:$0x1FE90];
	[tilespmem:s14+$0xFFFFFFB0] =	vst v16  }
0x505: {  	v14 =	vld.idx.msk [tilespmem:v54+s15+$0x0], $0xffff;
	v13 =	vor.u32 v13, v6;
	[tilespmem:s14+$0xFFFFFD30] =	vst v10  }
0x506: {  	[tilespmem:s14+$0xFFFFFC20] =	vst v12;
	v12 =	vld.idx.msk [tilespmem:v37+s15+$0x0], $0xffff  }
0x507: {  	v16 =	vor.u32 v33, v7;
	[tilespmem:s14+$0xFFFFFCB0] =	vst v19;
	v18 =	vld.idx.msk [tilespmem:v18+s15+$0x0], $0xffff  }
0x508: {  	[tilespmem:s14+$0xFFFFFF20] =	vst v17;
	v17 =	vor.u32 v42, v3;
	v15 =	vld.idx.msk [tilespmem:v15+s15+$0x0], $0xffff  }
0x509: {  	v10 =	vld [tilespmem:$0x1FF20]  }
0x50a: {  	[tilespmem:s14+$0xFFFFFDB0] =	vst v14;
	v9 =	vor.u32 v9, v8;
	v13 =	vld.idx.msk [tilespmem:v13+s15+$0x0], $0xffff  }
0x50b: {  	v46 =	vld [tilespmem:$0x1FF80]  }
0x50c: {  	v19 =	vor.u32 v58, v4;
	v16 =	vld.idx.msk [tilespmem:v16+s15+$0x0], $0xffff  }
0x50d: {  	v17 =	vld.idx.msk [tilespmem:v17+s15+$0x0], $0xffff;
	[tilespmem:s14+$0xFFFFFE30] =	vst v18  }
0x50e: {  	v10 =	vor.u32 v10, v11;
	v18 =	vld [tilespmem:$0x1FE30]  }
0x50f: {  	v37 =	vor.u32 v34, v7;
	[tilespmem:s14+$0xFFFFFFC0] =	vst v15;
	v9 =	vld.idx.msk [tilespmem:v9+s15+$0x0], $0xffff  }
0x510: {  	v15 =	vld [tilespmem:$0x1FEA0]  }
0x511: {  	v19 =	vld.idx.msk [tilespmem:v19+s15+$0x0], $0xffff;
	v54 =	vor.u32 v46, v5;
	[tilespmem:s14+$0xFFFFFEB0] =	vst v13  }
0x512: {  	[tilespmem:s14+$0xFFFFFC30] =	vst v16  }
0x513: {  	[tilespmem:s14+$0xFFFFFCC0] =	vst v17;
	v18 =	vor.u32 v18, v6;
	v10 =	vld.idx.msk [tilespmem:v10+s15+$0x0], $0xffff  }
0x514: {  	v13 =	vld.idx.msk [tilespmem:v37+s15+$0x0], $0xffff;
	[tilespmem:s14+$0xFFFFFF30] =	vst v9  }
0x515: {  	v15 =	vor.u32 v15, v8;
	v17 =	vld [tilespmem:$0x1FF30];
	[tilespmem:s14+$0xFFFFFD40] =	vst v12  }
0x516: {  	v9 =	vor.u32 v43, v3;
	v14 =	vld.idx.msk [tilespmem:v54+s15+$0x0], $0xffff;
	[tilespmem:s14+$0xFFFFFDC0] =	vst v19  }
0x517: {  	v54 =	vor.u32 v59, v4;
	v37 =	vld [tilespmem:$0x1FF90]  }
0x518: {  	v18 =	vld.idx.msk [tilespmem:v18+s15+$0x0], $0xffff;
	[tilespmem:s14+$0xFFFFFFD0] =	vst v10  }
0x519: {  	v16 =	vor.u32 v51, v2;
	v10 =	vld [tilespmem:$0x1FE40]  }
0x51a: {  	v15 =	vld.idx.msk [tilespmem:v15+s15+$0x0], $0xffff;
	v17 =	vor.u32 v17, v11  }
0x51b: {  	v9 =	vld.idx.msk [tilespmem:v9+s15+$0x0], $0xffff  }
0x51c: {  	[tilespmem:s14+$0xFFFFFE40] =	vst v14;
	v12 =	vld.idx.msk [tilespmem:v54+s15+$0x0], $0xffff;
	v19 =	vor.u32 v37, v5  }
0x51d: {  	v54 =	vor.u32 v44, v3;
	v14 =	vld [tilespmem:$0x1FEB0];
	[tilespmem:s14+$0xFFFFFC40] =	vst v13  }
0x51e: {  	v16 =	vld.idx.msk [tilespmem:v16+s15+$0x0], $0xffff;
	[tilespmem:s14+$0xFFFFFEC0] =	vst v18;
	v10 =	vor.u32 v10, v6  }
0x51f: {  	v18 =	vor.u32 v35, v7;
	[tilespmem:s14+$0xFFFFFF40] =	vst v15;
	v17 =	vld.idx.msk [tilespmem:v17+s15+$0x0], $0xffff  }
0x520: {  	v13 =	vld [tilespmem:$0x1FF40]  }
0x521: {  	[tilespmem:s14+$0xFFFFFCD0] =	vst v9;
	v19 =	vld.idx.msk [tilespmem:v19+s15+$0x0], $0xffff  }
0x522: {  	v14 =	vor.u32 v14, v8;
	v15 =	vld.idx.msk [tilespmem:v54+s15+$0x0], $0xffff  }
0x523: {  	[tilespmem:s14+$0xFFFFFD50] =	vst v16;
	v10 =	vld.idx.msk [tilespmem:v10+s15+$0x0], $0xffff  }
0x524: {  	v18 =	vld.idx.msk [tilespmem:v18+s15+$0x0], $0xffff;
	[tilespmem:s14+$0xFFFFFFE0] =	vst v17  }
0x525: {  	v23 =	vld [tilespmem:$0x1FFA0];
	[tilespmem:s14+$0xFFFFFDD0] =	vst v12  }
0x526: {  	v9 =	vor.u32 v52, v2;
	v25 =	vld [tilespmem:$0x1FE50]  }
0x527: {  	v13 =	vor.u32 v13, v11;
	v14 =	vld.idx.msk [tilespmem:v14+s15+$0x0], $0xffff;
	[tilespmem:s14+$0xFFFFFE50] =	vst v19  }
0x528: {  	v54 =	vld [tilespmem:$0x1FEC0];
	[tilespmem:s14+$0xFFFFFED0] =	vst v10  }
0x529: {  	v16 =	vor.u32 v60, v4;
	v20 =	vld [tilespmem:$0x1FE00]  }
0x52a: {  	v17 =	vor.u32 v23, v5  }
0x52b: {  	v9 =	vld.idx.msk [tilespmem:v9+s15+$0x0], $0xffff;
	v12 =	vor.u32 v25, v6  }
0x52c: {  	v13 =	vld.idx.msk [tilespmem:v13+s15+$0x0], $0xffff;
	[tilespmem:s14+$0xFFFFFF50] =	vst v14;
	v14 =	vor.u32 v45, v3;
	_ =	sdelay $0x1  }
0x52d: {  	[tilespmem:s14+$0xFFFFFC50] =	vst v18;
	v19 =	vor.u32 v54, v8;
	v20 =	vor.u32 v20, v11;
	v11 =	vld.idx.msk [tilespmem:v16+s15+$0x0], $0xffff  }
0x52e: {  	[tilespmem:s14+$0xFFFFFCE0] =	vst v15;
	v54 =	vld.idx.msk [tilespmem:v17+s15+$0x0], $0xffff  }
0x52f: {  	[tilespmem:s14+$0xFFFFFD60] =	vst v9;
	v12 =	vld.idx.msk [tilespmem:v12+s15+$0x0], $0xffff  }
0x530: {  	[tilespmem:s14+$0xFFFFFFF0] =	vst v13;
	v14 =	vld.idx.msk [tilespmem:v14+s15+$0x0], $0xffff  }
0x531: {  	v21 =	vld [tilespmem:$0x1FFD0]  }
0x532: {  	v10 =	vor.u32 v36, v7;
	v17 =	vld.idx.msk [tilespmem:v19+s15+$0x0], $0xffff;
	[tilespmem:s14+$0xFFFFFDE0] =	vst v11  }
0x533: {  	v15 =	vor.u32 v53, v2;
	v22 =	vld [tilespmem:$0x1FE60];
	[tilespmem:s14+$0xFFFFFE60] =	vst v54  }
0x534: {  	v19 =	vld [tilespmem:$0x1FED0];
	[tilespmem:s14+$0xFFFFFEE0] =	vst v12  }
0x535: {  	v13 =	vor.u32 v61, v4;
	v28 =	vld [tilespmem:$0x1FFB0]  }
0x536: {  	v3 =	vor.u32 v27, v3  }
0x537: {  	v10 =	vld.idx.msk [tilespmem:v10+s15+$0x0], $0xffff;
	v9 =	vor.u32 v21, v5  }
0x538: {  	v15 =	vld.idx.msk [tilespmem:v15+s15+$0x0], $0xffff;
	v11 =	vor.u32 v22, v6  }
0x539: {  	v18 =	vld.idx.msk [tilespmem:v20+s15+$0x0], $0xffff;
	v54 =	vor.u32 v19, v8  }
0x53a: {  	v13 =	vld.idx.msk [tilespmem:v13+s15+$0x0], $0xffff;
	[tilespmem:s14+$0xFFFFFCF0] =	vst v14;
	v12 =	vor.u32 v28, v7  }
0x53b: {  	v2 =	vor.u32 v26, v2;
	[tilespmem:s14+$0xFFFFFF60] =	vst v17;
	v3 =	vld.idx.msk [tilespmem:v3+s15+$0x0], $0xffff  }
0x53c: {  	v4 =	vor.u32 v62, v4;
	[tilespmem:s14+$0xFFFFFC60] =	vst v10;
	v9 =	vld.idx.msk [tilespmem:v9+s15+$0x0], $0xffff  }
0x53d: {  	v5 =	vor.u32 v29, v5;
	[tilespmem:s14+$0xFFFFFD70] =	vst v15;
	v17 =	vld.idx.msk [tilespmem:v11+s15+$0x0], $0xffff  }
0x53e: {  	[tilespmem:s14+$0x0] =	vst v18;
	v6 =	vor.u32 v31, v6;
	v54 =	vld.idx.msk [tilespmem:v54+s15+$0x0], $0xffff  }
0x53f: {  	[tilespmem:s14+$0xFFFFFDF0] =	vst v13;
	v8 =	vor.u32 v24, v8;
	v14 =	vld.idx.msk [tilespmem:v12+s15+$0x0], $0xffff  }
0x540: {  	v15 =	vor.u32 v38, v7;
	v2 =	vld.idx.msk [tilespmem:v2+s15+$0x0], $0xffff;
	[tilespmem:s14+$0xFFFFFD00] =	vst v3  }
0x541: {  	v16 =	vld.idx.msk [tilespmem:v4+s15+$0x0], $0xffff;
	[tilespmem:s14+$0xFFFFFE70] =	vst v9  }
0x542: {  	[tilespmem:s14+$0xFFFFFEF0] =	vst v17;
	v17 =	vld.idx.msk [tilespmem:v5+s15+$0x0], $0xffff  }
0x543: {  	[tilespmem:s14+$0xFFFFFF70] =	vst v54;
	v54 =	vld.idx.msk [tilespmem:v6+s15+$0x0], $0xffff  }
0x544: {  	[tilespmem:s14+$0xFFFFFC70] =	vst v14;
	v3 =	vld.idx.msk [tilespmem:v8+s15+$0x0], $0xffff  }
0x545: {  	[tilespmem:s14+$0xFFFFFD80] =	vst v2;
	v2 =	vld.idx.msk [tilespmem:v15+s15+$0x0], $0xffff  }
0x546: {  	[tilespmem:s14+$0xFFFFFE00] =	vst v16  }
0x547: {  	[tilespmem:s14+$0xFFFFFE80] =	vst v17  }
.Ltmp6:
0x548: {  	s0 =	sshll.u32 s0, $0x11;
	[tilespmem:s14+$0xFFFFFF00] =	vst v54;
	(pc) =	sbr.rel @p1 .LBB2_12-.Ltmp6, $4  }
0x549: {  	s0 =	sadd.s32 s0, s1;
	[tilespmem:s14+$0xFFFFFF80] =	vst v3  }
0x54a: {  	s0 =	sshrl.u32 s0, $0x3;
	[tilespmem:s14+$0xFFFFFC80] =	vst v2  }
0x54b: {  	s0 =	sadd.s32 s4, s0;
	v20 =	vld [tilespmem:$0x1FFE0]  }
0x54c: {  	v29 =	vmovc v33;
	v31 =	vmov v46;
	v24 =	vmov v32;
	v28 =	vmov v0;
	[hbm4b:s0+s9] =	stream.strided.scatter [tilespmem:s24], [sflag:$0x8], $0x1000, s17, s9, $0x38;
	v32 =	vld [tilespmem:$0x1FFF0]  }
.Ltmp7:
0x54d: {  	(pc) =	sbr.rel .LBB2_2-.Ltmp7, $4  }
0x54e: {  	s0 =	sshll.u32 s31, $0x9;
	v54 =	vld [tilespmem:$0x1FEF0]  }
0x54f: {  	v16 =	vld [tilespmem:$0x1FF70];
	s0 =	sand.u32 $0x3FFFFE00, s0  }
0x550: {  	s31 =	sadd.s32 $0x1, s31;
	v19 =	vld [tilespmem:$0x1FF50];
	s0 =	sadd.s32 $0x380, s0  }
0x551: {  	v22 =	vld [tilespmem:$0x1FF60];
	[tilespmem:s15], [sflag:$0x4] =	stream.indirect.gather [hbm4b:s3+s9], $0x20, s0, s9, $0xb8  }
.LBB2_13:
0x552: {  	_ =	sfence.sel $0x180000  }
0x553: {  	[bflag:$0x0] =	sbarrier.arrive $0xFFFF  }
0x554: {  	_ =	strace $0x90000047  }
0x555: {  	s0 =	stileid.u32;
	[bflag:$0x2] =	sbarrier.arrive $0xFFFF  }
0x556: {  	p0 =	sne.s32 s0, $0x0;
	s0 =	rddreg [dreg:$0x2]  }
0x557: {  	s0 =	sadd.s32 @!p0 $0x100000, s0  }
0x558: {  	[sflag:s0] =	ssyncadd.tile.s32 @!p0 $0x1;
	_ =	shalt  }
.Lfunc_end2:
_tile_overlayer_lowered:
.L_overlay_start_2:
0x559: {  	(tag) =	ssettag $0x2  }
0x55a: {  	s0 =	rddreg [dreg:$0x0];
	s2 =	stileid.u32  }
0x55b: {  	s1 =	rddreg [dreg:$0x1];
	p0 =	sne.s32 s2, $0x0  }
0x55c: {  	s3 =	rddreg [dreg:$0x2];
	[bflag:$0x3] =	sbarrier.arrive $0xFFFF;
	s2 =	simm.s32 @!p0 $0x1C09  }
0x55d: {  	[timem:s3], [sflag:s2] =	dma.local @!p0 [hbm:s0], s1  }
0x55e: {  	s0 =	simm.s32 @!p0 $0x9  }
0x55f: {  	_ =	swait.ge @!p0 [sflag:s0], s1  }
0x560: {  	s1 =	ssub.s32 @!p0 $0x0, s1;
	[sflag:s0] =	ssyncset.done @!p0 $0x0  }
0x561: {  	[sflag:s0] =	ssyncadd.s32 @!p0 s1  }
0x562: {  	[bflag:$0x3] =	sbarrier.arrive $0xFFFF  }
0x563: {  	_ =	shalt  }

</sc_bundles>
